<compile_context>
chip_gen: v7x
topology: tpu7x:2x2x1
jax: 0.10.2.dev20260603
libtpu: 0.0.44.dev20260713+nightly
codegen_flags: <defaults>
</compile_context>

<pallas_src>
import jax
import jax.numpy as jnp
from jax import lax
from jax.experimental import pallas as pl
from jax.experimental.pallas import tpu as pltpu
from jax.experimental.pallas import tpu_sc as plsc

N = 320000
C = 10000
F = 128

NC = 2
NS = 16
NW = NC * NS
CHUNK = 128
NCH = N // CHUNK
RPT = 624
TAIL = C - NS * RPT


def _zero_dump_slices(sid):
    r0 = sid * RPT
    out = []
    for k in range(5):
        nr = CHUNK if k < 4 else RPT - 4 * CHUNK
        out.append((r0 + k * CHUNK, nr))
    return out


def _values_body(x_hbm, lab_hbm, zv_hbm, out_v_hbm, acc_v,
                 rows_a, rows_b, idx_a, idx_b, sem_a, sem_b):
    cid = lax.axis_index("c")
    sid = lax.axis_index("s")
    wid = sid * NC + cid

    pltpu.sync_copy(zv_hbm, rows_a)
    for rr, nr in _zero_dump_slices(sid):
        pltpu.sync_copy(rows_a.at[pl.ds(0, nr)], acc_v.at[pl.ds(rr, nr)])

    @pl.when(sid == NS - 1)
    def _zero_tail():
        pltpu.sync_copy(rows_a.at[pl.ds(0, TAIL)],
                        acc_v.at[pl.ds(NS * RPT, TAIL)])

    plsc.subcore_barrier()

    def fill(buf_rows, buf_idx, sem, s):
        j = wid + s * NW

        @pl.when(j < NCH)
        def _real():
            pltpu.async_copy(x_hbm.at[j], buf_rows, sem)
            pltpu.async_copy(lab_hbm.at[j, 0], buf_idx, sem)

        @pl.when(j >= NCH)
        def _pad():
            pltpu.async_copy(zv_hbm, buf_rows, sem)
            pltpu.async_copy(lab_hbm.at[0, 0], buf_idx, sem)

    def drain(buf_rows, buf_idx, sem):
        pltpu.make_async_copy(x_hbm.at[0], buf_rows, sem).wait()
        pltpu.make_async_copy(lab_hbm.at[0, 0], buf_idx, sem).wait()

    fill(rows_a, idx_a, sem_a, 0)

    def body(u, carry):
        fill(rows_b, idx_b, sem_b, 2 * u + 1)
        drain(rows_a, idx_a, sem_a)
        pltpu.sync_copy(rows_a, acc_v.at[idx_a], add=True)
        fill(rows_a, idx_a, sem_a, 2 * u + 2)
        drain(rows_b, idx_b, sem_b)
        pltpu.sync_copy(rows_b, acc_v.at[idx_b], add=True)
        return carry

    lax.fori_loop(0, 40, body, 0)
    drain(rows_a, idx_a, sem_a)
    pltpu.sync_copy(rows_a, acc_v.at[idx_a], add=True)
    plsc.subcore_barrier()

    for rr, nr in _zero_dump_slices(sid):
        pltpu.sync_copy(acc_v.at[pl.ds(rr, nr)], rows_a.at[pl.ds(0, nr)])
        pltpu.sync_copy(rows_a.at[pl.ds(0, nr)],
                        out_v_hbm.at[cid, pl.ds(rr, nr)])

    @pl.when(sid == NS - 1)
    def _dump_tail():
        pltpu.sync_copy(acc_v.at[pl.ds(NS * RPT, TAIL)],
                        rows_a.at[pl.ds(0, TAIL)])
        pltpu.sync_copy(rows_a.at[pl.ds(0, TAIL)],
                        out_v_hbm.at[cid, pl.ds(NS * RPT, TAIL)])


def _counts_body(lab_hbm, zc_hbm, ones_hbm, out_c_hbm, acc_c, ones_v,
                 idx_v, idx_b, sem_a, sem_b):
    cid = lax.axis_index("c")
    sid = lax.axis_index("s")
    wid = sid * NC + cid

    pltpu.sync_copy(zc_hbm, ones_v)
    for rr, nr in _zero_dump_slices(sid):
        pltpu.sync_copy(ones_v.at[pl.ds(0, nr)], acc_c.at[pl.ds(rr, nr)])

    @pl.when(sid == NS - 1)
    def _zero_tail():
        pltpu.sync_copy(ones_v.at[pl.ds(0, TAIL)],
                        acc_c.at[pl.ds(NS * RPT, TAIL)])

    pltpu.sync_copy(ones_hbm, ones_v)
    plsc.subcore_barrier()

    def fill(buf_idx, sem, s):
        j = wid + s * NW

        @pl.when(j < NCH)
        def _real():
            pltpu.async_copy(lab_hbm.at[j, 0], buf_idx, sem)

        @pl.when(j >= NCH)
        def _pad():
            pltpu.async_copy(lab_hbm.at[0, 0], buf_idx, sem)

    def drain(buf_idx, sem):
        pltpu.make_async_copy(lab_hbm.at[0, 0], buf_idx, sem).wait()

    fill(idx_v, sem_a, 0)

    def body(u, carry):
        fill(idx_b, sem_b, 2 * u + 1)
        drain(idx_v, sem_a)
        pltpu.sync_copy(ones_v, acc_c.at[idx_v], add=True)
        fill(idx_v, sem_a, 2 * u + 2)
        drain(idx_b, sem_b)
        pltpu.sync_copy(ones_v, acc_c.at[idx_b], add=True)
        return carry

    lax.fori_loop(0, 39, body, 0)
    drain(idx_v, sem_a)

    @pl.when(wid < NCH % NW)
    def _last_slot():
        pltpu.sync_copy(ones_v, acc_c.at[idx_v], add=True)

    plsc.subcore_barrier()

    for rr, nr in _zero_dump_slices(sid):
        pltpu.sync_copy(acc_c.at[pl.ds(rr, nr)], ones_v.at[pl.ds(0, nr)])
        pltpu.sync_copy(ones_v.at[pl.ds(0, nr)],
                        out_c_hbm.at[cid, pl.ds(rr, nr)])

    @pl.when(sid == NS - 1)
    def _dump_tail():
        pltpu.sync_copy(acc_c.at[pl.ds(NS * RPT, TAIL)],
                        ones_v.at[pl.ds(0, TAIL)])
        pltpu.sync_copy(ones_v.at[pl.ds(0, TAIL)],
                        out_c_hbm.at[cid, pl.ds(NS * RPT, TAIL)])


def _sc_mesh():
    return plsc.VectorSubcoreMesh(core_axis_name="c", subcore_axis_name="s",
                                  num_cores=NC, num_subcores=NS)


def _sc_values(x3, lab3, zv):
    return pl.kernel(
        _values_body,
        out_type=jax.ShapeDtypeStruct((NC, C, F), jnp.float32),
        mesh=_sc_mesh(),
        scratch_types=[
            pltpu.VMEM_SHARED((C, F), jnp.float32),
            pltpu.VMEM((CHUNK, F), jnp.float32),
            pltpu.VMEM((CHUNK, F), jnp.float32),
            pltpu.VMEM((CHUNK,), jnp.int32),
            pltpu.VMEM((CHUNK,), jnp.int32),
            pltpu.SemaphoreType.DMA,
            pltpu.SemaphoreType.DMA,
        ],
    )(x3, lab3, zv)


def _sc_counts(lab3, zc, ones):
    return pl.kernel(
        _counts_body,
        out_type=jax.ShapeDtypeStruct((NC, C, F), jnp.float32),
        mesh=_sc_mesh(),
        scratch_types=[
            pltpu.VMEM_SHARED((C, F), jnp.float32),
            pltpu.VMEM((CHUNK, F), jnp.float32),
            pltpu.VMEM((CHUNK,), jnp.int32),
            pltpu.VMEM((CHUNK,), jnp.int32),
            pltpu.SemaphoreType.DMA,
            pltpu.SemaphoreType.DMA,
        ],
    )(lab3, zc, ones)


def _combine_body(v_ref, c_ref, rm_ref, cc_ref, mean_ref, ccout_ref):
    n = c_ref[0][:, 0:1] + c_ref[1][:, 0:1]
    ccf = cc_ref[...].astype(jnp.float32)
    ccnew = ccf + n
    mean_ref[...] = (rm_ref[...] * ccf + v_ref[0] + v_ref[1]) / ccnew
    ccout_ref[...] = cc_ref[...] + n.astype(jnp.int32)


def _combine(vals, cnts, running_mean, class_count):
    nb = 10
    rb = C // nb
    return pl.pallas_call(
        _combine_body,
        grid=(nb,),
        in_specs=[
            pl.BlockSpec((NC, rb, F), lambda i: (0, i, 0)),
            pl.BlockSpec((NC, rb, F), lambda i: (0, i, 0)),
            pl.BlockSpec((rb, F), lambda i: (i, 0)),
            pl.BlockSpec((rb, 1), lambda i: (i, 0)),
        ],
        out_specs=[
            pl.BlockSpec((rb, F), lambda i: (i, 0)),
            pl.BlockSpec((rb, 1), lambda i: (i, 0)),
        ],
        out_shape=[
            jax.ShapeDtypeStruct((C, F), jnp.float32),
            jax.ShapeDtypeStruct((C, 1), jnp.int32),
        ],
    )(vals, cnts, running_mean, class_count)


def kernel(inputs, labels, running_mean, class_count):
    x3 = inputs.reshape(NCH, CHUNK, F)
    lab3 = labels.reshape(NCH, 1, CHUNK)
    zv = jnp.zeros((CHUNK, F), jnp.float32)
    zc = jnp.zeros((CHUNK, F), jnp.float32)
    ones = jnp.ones((CHUNK, F), jnp.float32)
    vals = _sc_values(x3, lab3, zv)
    cnts = _sc_counts(lab3, zc, ones)
    new_mean, cc_new = _combine(vals, cnts, running_mean, class_count)
    return (inputs, new_mean, cc_new)

# --- scband reference (transcript-rebuilt; emitter-appended) ---
"""Pipeline reference for scband-cstatistics-59811714564150 (READ-ONLY COPY).

The authoritative reference and input builder live on the scoring server;
editing this copy changes nothing except your own understanding.
"""

import jax, jax.numpy as jnp
import numpy as np

N = 320000
NUM_CLASSES = 10000
NUM_FEATURES = 128


def setup_inputs(seed: int = 0):
    key = jax.random.key(seed)
    k1, k2 = jax.random.split(key)
    inputs = jax.random.normal(k1, (N, NUM_FEATURES), dtype=jnp.float32)
    labels = jnp.sort(jax.random.randint(k2, (N,), 0, NUM_CLASSES, dtype=jnp.int32))
    # buffers of the module (training-mode statistics tracking)
    running_mean = jnp.zeros((NUM_CLASSES, NUM_FEATURES), dtype=jnp.float32)
    class_count = jnp.ones((NUM_CLASSES, 1), dtype=jnp.int32)
    return {"inputs": inputs, "labels": labels, "running_mean": running_mean, "class_count": class_count}


def reference(inputs, labels, running_mean, class_count):
    # cat_cond_mean_: class-conditional running mean update (training mode, tracking on)
    # total = zeros.index_add_(0, labels, inputs.detach())  -> scatter-add / segment_sum
    total = jax.ops.segment_sum(jax.lax.stop_gradient(inputs), labels, num_segments=NUM_CLASSES)
    # N_class = bincount(labels, minlength=n_classes).unsqueeze(-1)
    N_class = jnp.bincount(labels, length=NUM_CLASSES)[:, None]
    cc_f = class_count.astype(jnp.float32)
    cc_new_i = class_count + N_class.astype(class_count.dtype)
    cc_new = cc_new_i.astype(jnp.float32)
    # mean.mul_(cc_f / cc); mean.add_(total / cc)
    new_mean = running_mean * (cc_f / cc_new) + total / cc_new
    # forward returns inputs; updated buffers returned explicitly (torch mutates them in-place)
    return (inputs, new_mean, cc_new_i)

if __name__ == "__main__":
    import jax
    _d = setup_inputs()
    print(jax.jit(kernel)(*tuple(_d.values())))

</pallas_src>

<mosaic_0001>
#map = affine_map<(d0, d1) -> (0, 0, 0)>
#map1 = affine_map<(d0, d1) -> (0, 0)>
module attributes {stable_mosaic.version = 14 : i64} {
  func.func @_counts_body(%arg0: i32, %arg1: i32, %arg2: memref<2500x1x128xi32, #tpu.memory_space<hbm>>, %arg3: memref<128x128xf32, #tpu.memory_space<hbm>>, %arg4: memref<128x128xf32, #tpu.memory_space<hbm>>, %arg5: memref<2x10000x128xf32, #tpu.memory_space<hbm>>, %arg6: memref<10000x128xf32, #tpu.memory_space<vmem_shared>>, %arg7: memref<128x128xf32, #tpu.memory_space<vmem>>, %arg8: memref<128xi32, #tpu.memory_space<vmem>>, %arg9: memref<128xi32, #tpu.memory_space<vmem>>, %arg10: memref<!tpu.dma_semaphore, #tpu.memory_space<semaphore_mem>>, %arg11: memref<!tpu.dma_semaphore, #tpu.memory_space<semaphore_mem>>) attributes {dimension_semantics = [#tpu.dimension_semantics<core_parallel>, #tpu.dimension_semantics<subcore_parallel>], iteration_bounds = array<i64: 2, 16>, scalar_prefetch = 0 : i64, scratch_operands = 6 : i64, tpu.core_type = #tpu.core_type<sc_vector_subcore>, window_params = [{transform_indices = #map}, {transform_indices = #map1}, {transform_indices = #map1}, {transform_indices = #map}]} {
    %mul3A = arith.constant 2 : i32
    %mul3A_0 = arith.muli %arg1, %mul3A : i32
    %add3A = arith.addi %mul3A_0, %arg0 : i32
    "tpu.region"() ({
      %run_scoped3A = tpu.sem_alloc : memref<!tpu.dma_semaphore, #tpu.memory_space<semaphore_mem>>
      tpu.enqueue_dma source(%arg3 : memref<128x128xf32, #tpu.memory_space<hbm>>) target(%arg7 : memref<128x128xf32, #tpu.memory_space<vmem>>) target_semaphore(%run_scoped3A : memref<!tpu.dma_semaphore, #tpu.memory_space<semaphore_mem>>)
      tpu.wait_dma2 semaphore(%run_scoped3A : memref<!tpu.dma_semaphore, #tpu.memory_space<semaphore_mem>>) src(%arg3 : memref<128x128xf32, #tpu.memory_space<hbm>>) dst(%arg7 : memref<128x128xf32, #tpu.memory_space<vmem>>)
      tpu.yield
    }) : () -> ()
    %mul3A_1 = arith.constant 624 : i32
    %mul3A_2 = arith.muli %arg1, %mul3A_1 : i32
    %add3A_3 = arith.constant 0 : i32
    %add3A_4 = arith.addi %mul3A_2, %add3A_3 : i32
    %add3A_5 = arith.constant 128 : i32
    %add3A_6 = arith.addi %mul3A_2, %add3A_5 : i32
    %add3A_7 = arith.constant 256 : i32
    %add3A_8 = arith.addi %mul3A_2, %add3A_7 : i32
    %add3A_9 = arith.constant 384 : i32
    %add3A_10 = arith.addi %mul3A_2, %add3A_9 : i32
    %add3A_11 = arith.constant 512 : i32
    %add3A_12 = arith.addi %mul3A_2, %add3A_11 : i32
    "tpu.region"() ({
      %run_scoped3A = tpu.sem_alloc : memref<!tpu.dma_semaphore, #tpu.memory_space<semaphore_mem>>
      %dma_start3A = arith.constant 0 : i32
      %dma_start3A_60 = arith.constant 0 : i32
      %dma_start3A_61 = tpu.memref_slice %arg7[%dma_start3A, %dma_start3A_60] : memref<128x128xf32, #tpu.memory_space<vmem>> -> memref<128x128xf32, #tpu.memory_space<vmem>>
      %dma_start3A_62 = arith.constant 0 : i32
      %dma_start3A_63 = tpu.memref_slice %arg6[%add3A_4, %dma_start3A_62] : memref<10000x128xf32, #tpu.memory_space<vmem_shared>> -> memref<128x128xf32, #tpu.memory_space<vmem_shared>>
      %dma_start3A_64 = arith.constant 0 : i32
      %dma_start3A_65 = tpu.memref_slice %arg6[%add3A_4, %dma_start3A_64] : memref<10000x128xf32, #tpu.memory_space<vmem_shared>> -> memref<128x128xf32, #tpu.memory_space<vmem_shared>>
      %dma_start3A_66 = arith.constant 0 : i32
      %dma_start3A_67 = arith.constant 0 : i32
      %dma_start3A_68 = tpu.memref_slice %arg7[%dma_start3A_66, %dma_start3A_67] : memref<128x128xf32, #tpu.memory_space<vmem>> -> memref<128x128xf32, #tpu.memory_space<vmem>>
      tpu.enqueue_dma source(%dma_start3A_68 : memref<128x128xf32, #tpu.memory_space<vmem>>) target(%dma_start3A_65 : memref<128x128xf32, #tpu.memory_space<vmem_shared>>) target_semaphore(%run_scoped3A : memref<!tpu.dma_semaphore, #tpu.memory_space<semaphore_mem>>)
      %dma_wait3A_69 = arith.constant 0 : i32
      %dma_wait3A_70 = arith.constant 0 : i32
      %dma_wait3A_71 = tpu.memref_slice %arg7[%dma_wait3A_69, %dma_wait3A_70] : memref<128x128xf32, #tpu.memory_space<vmem>> -> memref<128x128xf32, #tpu.memory_space<vmem>>
      %dma_wait3A_72 = arith.constant 0 : i32
      %dma_wait3A_73 = tpu.memref_slice %arg6[%add3A_4, %dma_wait3A_72] : memref<10000x128xf32, #tpu.memory_space<vmem_shared>> -> memref<128x128xf32, #tpu.memory_space<vmem_shared>>
      %dma_wait3A_74 = arith.constant 0 : i32
      %dma_wait3A_75 = tpu.memref_slice %arg6[%add3A_4, %dma_wait3A_74] : memref<10000x128xf32, #tpu.memory_space<vmem_shared>> -> memref<128x128xf32, #tpu.memory_space<vmem_shared>>
      %dma_wait3A_76 = arith.constant 0 : i32
      %dma_wait3A_77 = arith.constant 0 : i32
      %dma_wait3A_78 = tpu.memref_slice %arg7[%dma_wait3A_76, %dma_wait3A_77] : memref<128x128xf32, #tpu.memory_space<vmem>> -> memref<128x128xf32, #tpu.memory_space<vmem>>
      tpu.wait_dma2 semaphore(%run_scoped3A : memref<!tpu.dma_semaphore, #tpu.memory_space<semaphore_mem>>) src(%dma_wait3A_78 : memref<128x128xf32, #tpu.memory_space<vmem>>) dst(%dma_wait3A_75 : memref<128x128xf32, #tpu.memory_space<vmem_shared>>)
      tpu.yield
    }) : () -> ()
    "tpu.region"() ({
      %run_scoped3A = tpu.sem_alloc : memref<!tpu.dma_semaphore, #tpu.memory_space<semaphore_mem>>
      %dma_start3A = arith.constant 0 : i32
      %dma_start3A_60 = arith.constant 0 : i32
      %dma_start3A_61 = tpu.memref_slice %arg7[%dma_start3A, %dma_start3A_60] : memref<128x128xf32, #tpu.memory_space<vmem>> -> memref<128x128xf32, #tpu.memory_space<vmem>>
      %dma_start3A_62 = arith.constant 0 : i32
      %dma_start3A_63 = tpu.memref_slice %arg6[%add3A_6, %dma_start3A_62] : memref<10000x128xf32, #tpu.memory_space<vmem_shared>> -> memref<128x128xf32, #tpu.memory_space<vmem_shared>>
      %dma_start3A_64 = arith.constant 0 : i32
      %dma_start3A_65 = tpu.memref_slice %arg6[%add3A_6, %dma_start3A_64] : memref<10000x128xf32, #tpu.memory_space<vmem_shared>> -> memref<128x128xf32, #tpu.memory_space<vmem_shared>>
      %dma_start3A_66 = arith.constant 0 : i32
      %dma_start3A_67 = arith.constant 0 : i32
      %dma_start3A_68 = tpu.memref_slice %arg7[%dma_start3A_66, %dma_start3A_67] : memref<128x128xf32, #tpu.memory_space<vmem>> -> memref<128x128xf32, #tpu.memory_space<vmem>>
      tpu.enqueue_dma source(%dma_start3A_68 : memref<128x128xf32, #tpu.memory_space<vmem>>) target(%dma_start3A_65 : memref<128x128xf32, #tpu.memory_space<vmem_shared>>) target_semaphore(%run_scoped3A : memref<!tpu.dma_semaphore, #tpu.memory_space<semaphore_mem>>)
      %dma_wait3A_69 = arith.constant 0 : i32
      %dma_wait3A_70 = arith.constant 0 : i32
      %dma_wait3A_71 = tpu.memref_slice %arg7[%dma_wait3A_69, %dma_wait3A_70] : memref<128x128xf32, #tpu.memory_space<vmem>> -> memref<128x128xf32, #tpu.memory_space<vmem>>
      %dma_wait3A_72 = arith.constant 0 : i32
      %dma_wait3A_73 = tpu.memref_slice %arg6[%add3A_6, %dma_wait3A_72] : memref<10000x128xf32, #tpu.memory_space<vmem_shared>> -> memref<128x128xf32, #tpu.memory_space<vmem_shared>>
      %dma_wait3A_74 = arith.constant 0 : i32
      %dma_wait3A_75 = tpu.memref_slice %arg6[%add3A_6, %dma_wait3A_74] : memref<10000x128xf32, #tpu.memory_space<vmem_shared>> -> memref<128x128xf32, #tpu.memory_space<vmem_shared>>
      %dma_wait3A_76 = arith.constant 0 : i32
      %dma_wait3A_77 = arith.constant 0 : i32
      %dma_wait3A_78 = tpu.memref_slice %arg7[%dma_wait3A_76, %dma_wait3A_77] : memref<128x128xf32, #tpu.memory_space<vmem>> -> memref<128x128xf32, #tpu.memory_space<vmem>>
      tpu.wait_dma2 semaphore(%run_scoped3A : memref<!tpu.dma_semaphore, #tpu.memory_space<semaphore_mem>>) src(%dma_wait3A_78 : memref<128x128xf32, #tpu.memory_space<vmem>>) dst(%dma_wait3A_75 : memref<128x128xf32, #tpu.memory_space<vmem_shared>>)
      tpu.yield
    }) : () -> ()
    "tpu.region"() ({
      %run_scoped3A = tpu.sem_alloc : memref<!tpu.dma_semaphore, #tpu.memory_space<semaphore_mem>>
      %dma_start3A = arith.constant 0 : i32
      %dma_start3A_60 = arith.constant 0 : i32
      %dma_start3A_61 = tpu.memref_slice %arg7[%dma_start3A, %dma_start3A_60] : memref<128x128xf32, #tpu.memory_space<vmem>> -> memref<128x128xf32, #tpu.memory_space<vmem>>
      %dma_start3A_62 = arith.constant 0 : i32
      %dma_start3A_63 = tpu.memref_slice %arg6[%add3A_8, %dma_start3A_62] : memref<10000x128xf32, #tpu.memory_space<vmem_shared>> -> memref<128x128xf32, #tpu.memory_space<vmem_shared>>
      %dma_start3A_64 = arith.constant 0 : i32
      %dma_start3A_65 = tpu.memref_slice %arg6[%add3A_8, %dma_start3A_64] : memref<10000x128xf32, #tpu.memory_space<vmem_shared>> -> memref<128x128xf32, #tpu.memory_space<vmem_shared>>
      %dma_start3A_66 = arith.constant 0 : i32
      %dma_start3A_67 = arith.constant 0 : i32
      %dma_start3A_68 = tpu.memref_slice %arg7[%dma_start3A_66, %dma_start3A_67] : memref<128x128xf32, #tpu.memory_space<vmem>> -> memref<128x128xf32, #tpu.memory_space<vmem>>
      tpu.enqueue_dma source(%dma_start3A_68 : memref<128x128xf32, #tpu.memory_space<vmem>>) target(%dma_start3A_65 : memref<128x128xf32, #tpu.memory_space<vmem_shared>>) target_semaphore(%run_scoped3A : memref<!tpu.dma_semaphore, #tpu.memory_space<semaphore_mem>>)
      %dma_wait3A_69 = arith.constant 0 : i32
      %dma_wait3A_70 = arith.constant 0 : i32
      %dma_wait3A_71 = tpu.memref_slice %arg7[%dma_wait3A_69, %dma_wait3A_70] : memref<128x128xf32, #tpu.memory_space<vmem>> -> memref<128x128xf32, #tpu.memory_space<vmem>>
      %dma_wait3A_72 = arith.constant 0 : i32
      %dma_wait3A_73 = tpu.memref_slice %arg6[%add3A_8, %dma_wait3A_72] : memref<10000x128xf32, #tpu.memory_space<vmem_shared>> -> memref<128x128xf32, #tpu.memory_space<vmem_shared>>
      %dma_wait3A_74 = arith.constant 0 : i32
      %dma_wait3A_75 = tpu.memref_slice %arg6[%add3A_8, %dma_wait3A_74] : memref<10000x128xf32, #tpu.memory_space<vmem_shared>> -> memref<128x128xf32, #tpu.memory_space<vmem_shared>>
      %dma_wait3A_76 = arith.constant 0 : i32
      %dma_wait3A_77 = arith.constant 0 : i32
      %dma_wait3A_78 = tpu.memref_slice %arg7[%dma_wait3A_76, %dma_wait3A_77] : memref<128x128xf32, #tpu.memory_space<vmem>> -> memref<128x128xf32, #tpu.memory_space<vmem>>
      tpu.wait_dma2 semaphore(%run_scoped3A : memref<!tpu.dma_semaphore, #tpu.memory_space<semaphore_mem>>) src(%dma_wait3A_78 : memref<128x128xf32, #tpu.memory_space<vmem>>) dst(%dma_wait3A_75 : memref<128x128xf32, #tpu.memory_space<vmem_shared>>)
      tpu.yield
    }) : () -> ()
    "tpu.region"() ({
      %run_scoped3A = tpu.sem_alloc : memref<!tpu.dma_semaphore, #tpu.memory_space<semaphore_mem>>
      %dma_start3A = arith.constant 0 : i32
      %dma_start3A_60 = arith.constant 0 : i32
      %dma_start3A_61 = tpu.memref_slice %arg7[%dma_start3A, %dma_start3A_60] : memref<128x128xf32, #tpu.memory_space<vmem>> -> memref<128x128xf32, #tpu.memory_space<vmem>>
      %dma_start3A_62 = arith.constant 0 : i32
      %dma_start3A_63 = tpu.memref_slice %arg6[%add3A_10, %dma_start3A_62] : memref<10000x128xf32, #tpu.memory_space<vmem_shared>> -> memref<128x128xf32, #tpu.memory_space<vmem_shared>>
      %dma_start3A_64 = arith.constant 0 : i32
      %dma_start3A_65 = tpu.memref_slice %arg6[%add3A_10, %dma_start3A_64] : memref<10000x128xf32, #tpu.memory_space<vmem_shared>> -> memref<128x128xf32, #tpu.memory_space<vmem_shared>>
      %dma_start3A_66 = arith.constant 0 : i32
      %dma_start3A_67 = arith.constant 0 : i32
      %dma_start3A_68 = tpu.memref_slice %arg7[%dma_start3A_66, %dma_start3A_67] : memref<128x128xf32, #tpu.memory_space<vmem>> -> memref<128x128xf32, #tpu.memory_space<vmem>>
      tpu.enqueue_dma source(%dma_start3A_68 : memref<128x128xf32, #tpu.memory_space<vmem>>) target(%dma_start3A_65 : memref<128x128xf32, #tpu.memory_space<vmem_shared>>) target_semaphore(%run_scoped3A : memref<!tpu.dma_semaphore, #tpu.memory_space<semaphore_mem>>)
      %dma_wait3A_69 = arith.constant 0 : i32
      %dma_wait3A_70 = arith.constant 0 : i32
      %dma_wait3A_71 = tpu.memref_slice %arg7[%dma_wait3A_69, %dma_wait3A_70] : memref<128x128xf32, #tpu.memory_space<vmem>> -> memref<128x128xf32, #tpu.memory_space<vmem>>
      %dma_wait3A_72 = arith.constant 0 : i32
      %dma_wait3A_73 = tpu.memref_slice %arg6[%add3A_10, %dma_wait3A_72] : memref<10000x128xf32, #tpu.memory_space<vmem_shared>> -> memref<128x128xf32, #tpu.memory_space<vmem_shared>>
      %dma_wait3A_74 = arith.constant 0 : i32
      %dma_wait3A_75 = tpu.memref_slice %arg6[%add3A_10, %dma_wait3A_74] : memref<10000x128xf32, #tpu.memory_space<vmem_shared>> -> memref<128x128xf32, #tpu.memory_space<vmem_shared>>
      %dma_wait3A_76 = arith.constant 0 : i32
      %dma_wait3A_77 = arith.constant 0 : i32
      %dma_wait3A_78 = tpu.memref_slice %arg7[%dma_wait3A_76, %dma_wait3A_77] : memref<128x128xf32, #tpu.memory_space<vmem>> -> memref<128x128xf32, #tpu.memory_space<vmem>>
      tpu.wait_dma2 semaphore(%run_scoped3A : memref<!tpu.dma_semaphore, #tpu.memory_space<semaphore_mem>>) src(%dma_wait3A_78 : memref<128x128xf32, #tpu.memory_space<vmem>>) dst(%dma_wait3A_75 : memref<128x128xf32, #tpu.memory_space<vmem_shared>>)
      tpu.yield
    }) : () -> ()
    "tpu.region"() ({
      %run_scoped3A = tpu.sem_alloc : memref<!tpu.dma_semaphore, #tpu.memory_space<semaphore_mem>>
      %dma_start3A = arith.constant 0 : i32
      %dma_start3A_60 = arith.constant 0 : i32
      %dma_start3A_61 = tpu.memref_slice %arg7[%dma_start3A, %dma_start3A_60] : memref<128x128xf32, #tpu.memory_space<vmem>> -> memref<112x128xf32, #tpu.memory_space<vmem>>
      %dma_start3A_62 = arith.constant 0 : i32
      %dma_start3A_63 = tpu.memref_slice %arg6[%add3A_12, %dma_start3A_62] : memref<10000x128xf32, #tpu.memory_space<vmem_shared>> -> memref<112x128xf32, #tpu.memory_space<vmem_shared>>
      %dma_start3A_64 = arith.constant 0 : i32
      %dma_start3A_65 = tpu.memref_slice %arg6[%add3A_12, %dma_start3A_64] : memref<10000x128xf32, #tpu.memory_space<vmem_shared>> -> memref<112x128xf32, #tpu.memory_space<vmem_shared>>
      %dma_start3A_66 = arith.constant 0 : i32
      %dma_start3A_67 = arith.constant 0 : i32
      %dma_start3A_68 = tpu.memref_slice %arg7[%dma_start3A_66, %dma_start3A_67] : memref<128x128xf32, #tpu.memory_space<vmem>> -> memref<112x128xf32, #tpu.memory_space<vmem>>
      tpu.enqueue_dma source(%dma_start3A_68 : memref<112x128xf32, #tpu.memory_space<vmem>>) target(%dma_start3A_65 : memref<112x128xf32, #tpu.memory_space<vmem_shared>>) target_semaphore(%run_scoped3A : memref<!tpu.dma_semaphore, #tpu.memory_space<semaphore_mem>>)
      %dma_wait3A_69 = arith.constant 0 : i32
      %dma_wait3A_70 = arith.constant 0 : i32
      %dma_wait3A_71 = tpu.memref_slice %arg7[%dma_wait3A_69, %dma_wait3A_70] : memref<128x128xf32, #tpu.memory_space<vmem>> -> memref<112x128xf32, #tpu.memory_space<vmem>>
      %dma_wait3A_72 = arith.constant 0 : i32
      %dma_wait3A_73 = tpu.memref_slice %arg6[%add3A_12, %dma_wait3A_72] : memref<10000x128xf32, #tpu.memory_space<vmem_shared>> -> memref<112x128xf32, #tpu.memory_space<vmem_shared>>
      %dma_wait3A_74 = arith.constant 0 : i32
      %dma_wait3A_75 = tpu.memref_slice %arg6[%add3A_12, %dma_wait3A_74] : memref<10000x128xf32, #tpu.memory_space<vmem_shared>> -> memref<112x128xf32, #tpu.memory_space<vmem_shared>>
      %dma_wait3A_76 = arith.constant 0 : i32
      %dma_wait3A_77 = arith.constant 0 : i32
      %dma_wait3A_78 = tpu.memref_slice %arg7[%dma_wait3A_76, %dma_wait3A_77] : memref<128x128xf32, #tpu.memory_space<vmem>> -> memref<112x128xf32, #tpu.memory_space<vmem>>
      tpu.wait_dma2 semaphore(%run_scoped3A : memref<!tpu.dma_semaphore, #tpu.memory_space<semaphore_mem>>) src(%dma_wait3A_78 : memref<112x128xf32, #tpu.memory_space<vmem>>) dst(%dma_wait3A_75 : memref<112x128xf32, #tpu.memory_space<vmem_shared>>)
      tpu.yield
    }) : () -> ()
    %eq3A = arith.constant 15 : i32
    %eq3A_13 = arith.cmpi eq, %arg1, %eq3A : i32
    %convert_element_type3A = arith.extui %eq3A_13 : i1 to i32
    %cond3A = arith.constant 0 : i32
    %cond3A_14 = arith.cmpi ne, %convert_element_type3A, %cond3A : i32
    scf.if %cond3A_14 {
      "tpu.region"() ({
        %run_scoped3A = tpu.sem_alloc : memref<!tpu.dma_semaphore, #tpu.memory_space<semaphore_mem>>
        %dma_start3A = arith.constant 0 : i32
        %dma_start3A_60 = arith.constant 0 : i32
        %dma_start3A_61 = tpu.memref_slice %arg7[%dma_start3A, %dma_start3A_60] : memref<128x128xf32, #tpu.memory_space<vmem>> -> memref<16x128xf32, #tpu.memory_space<vmem>>
        %dma_start3A_62 = arith.constant 9984 : i32
        %dma_start3A_63 = arith.constant 0 : i32
        %dma_start3A_64 = tpu.memref_slice %arg6[%dma_start3A_62, %dma_start3A_63] : memref<10000x128xf32, #tpu.memory_space<vmem_shared>> -> memref<16x128xf32, #tpu.memory_space<vmem_shared>>
        %dma_start3A_65 = arith.constant 9984 : i32
        %dma_start3A_66 = arith.constant 0 : i32
        %dma_start3A_67 = tpu.memref_slice %arg6[%dma_start3A_65, %dma_start3A_66] : memref<10000x128xf32, #tpu.memory_space<vmem_shared>> -> memref<16x128xf32, #tpu.memory_space<vmem_shared>>
        %dma_start3A_68 = arith.constant 0 : i32
        %dma_start3A_69 = arith.constant 0 : i32
        %dma_start3A_70 = tpu.memref_slice %arg7[%dma_start3A_68, %dma_start3A_69] : memref<128x128xf32, #tpu.memory_space<vmem>> -> memref<16x128xf32, #tpu.memory_space<vmem>>
        tpu.enqueue_dma source(%dma_start3A_70 : memref<16x128xf32, #tpu.memory_space<vmem>>) target(%dma_start3A_67 : memref<16x128xf32, #tpu.memory_space<vmem_shared>>) target_semaphore(%run_scoped3A : memref<!tpu.dma_semaphore, #tpu.memory_space<semaphore_mem>>)
        %dma_wait3A_71 = arith.constant 0 : i32
        %dma_wait3A_72 = arith.constant 0 : i32
        %dma_wait3A_73 = tpu.memref_slice %arg7[%dma_wait3A_71, %dma_wait3A_72] : memref<128x128xf32, #tpu.memory_space<vmem>> -> memref<16x128xf32, #tpu.memory_space<vmem>>
        %dma_wait3A_74 = arith.constant 9984 : i32
        %dma_wait3A_75 = arith.constant 0 : i32
        %dma_wait3A_76 = tpu.memref_slice %arg6[%dma_wait3A_74, %dma_wait3A_75] : memref<10000x128xf32, #tpu.memory_space<vmem_shared>> -> memref<16x128xf32, #tpu.memory_space<vmem_shared>>
        %dma_wait3A_77 = arith.constant 9984 : i32
        %dma_wait3A_78 = arith.constant 0 : i32
        %dma_wait3A_79 = tpu.memref_slice %arg6[%dma_wait3A_77, %dma_wait3A_78] : memref<10000x128xf32, #tpu.memory_space<vmem_shared>> -> memref<16x128xf32, #tpu.memory_space<vmem_shared>>
        %dma_wait3A_80 = arith.constant 0 : i32
        %dma_wait3A_81 = arith.constant 0 : i32
        %dma_wait3A_82 = tpu.memref_slice %arg7[%dma_wait3A_80, %dma_wait3A_81] : memref<128x128xf32, #tpu.memory_space<vmem>> -> memref<16x128xf32, #tpu.memory_space<vmem>>
        tpu.wait_dma2 semaphore(%run_scoped3A : memref<!tpu.dma_semaphore, #tpu.memory_space<semaphore_mem>>) src(%dma_wait3A_82 : memref<16x128xf32, #tpu.memory_space<vmem>>) dst(%dma_wait3A_79 : memref<16x128xf32, #tpu.memory_space<vmem_shared>>)
        tpu.yield
      }) : () -> ()
    } else {
    }
    "tpu.region"() ({
      %run_scoped3A = tpu.sem_alloc : memref<!tpu.dma_semaphore, #tpu.memory_space<semaphore_mem>>
      tpu.enqueue_dma source(%arg4 : memref<128x128xf32, #tpu.memory_space<hbm>>) target(%arg7 : memref<128x128xf32, #tpu.memory_space<vmem>>) target_semaphore(%run_scoped3A : memref<!tpu.dma_semaphore, #tpu.memory_space<semaphore_mem>>)
      tpu.wait_dma2 semaphore(%run_scoped3A : memref<!tpu.dma_semaphore, #tpu.memory_space<semaphore_mem>>) src(%arg4 : memref<128x128xf32, #tpu.memory_space<hbm>>) dst(%arg7 : memref<128x128xf32, #tpu.memory_space<vmem>>)
      tpu.yield
    }) : () -> ()
    %barrier3A = arith.constant 0 : index
    tpu.barrier barrier_id(%barrier3A)
    %add3A_15 = arith.constant 0 : i32
    %add3A_16 = arith.addi %add3A, %add3A_15 : i32
    %lt3A = arith.constant 2500 : i32
    %lt3A_17 = arith.cmpi slt, %add3A_16, %lt3A : i32
    %convert_element_type3A_18 = arith.extui %lt3A_17 : i1 to i32
    %cond3A_19 = arith.constant 0 : i32
    %cond3A_20 = arith.cmpi ne, %convert_element_type3A_18, %cond3A_19 : i32
    scf.if %cond3A_20 {
      %dma_start3A = arith.constant 0 : i32
      %dma_start3A_60 = arith.constant 0 : i32
      %dma_start3A_61 = tpu.memref_slice %arg2[%add3A_16, %dma_start3A, %dma_start3A_60] : memref<2500x1x128xi32, #tpu.memory_space<hbm>> -> memref<1x1x128xi32, #tpu.memory_space<hbm>>
      %dma_start3A_62 = tpu.memref_squeeze %dma_start3A_61 : memref<1x1x128xi32, #tpu.memory_space<hbm>> -> memref<128xi32, #tpu.memory_space<hbm>>
      %dma_start3A_63 = arith.constant 0 : i32
      %dma_start3A_64 = tpu.memref_slice %arg2[%add3A_16, %dma_start3A, %dma_start3A_63] : memref<2500x1x128xi32, #tpu.memory_space<hbm>> -> memref<1x1x128xi32, #tpu.memory_space<hbm>>
      %dma_start3A_65 = tpu.memref_squeeze %dma_start3A_64 : memref<1x1x128xi32, #tpu.memory_space<hbm>> -> memref<128xi32, #tpu.memory_space<hbm>>
      tpu.enqueue_dma source(%dma_start3A_65 : memref<128xi32, #tpu.memory_space<hbm>>) target(%arg8 : memref<128xi32, #tpu.memory_space<vmem>>) target_semaphore(%arg10 : memref<!tpu.dma_semaphore, #tpu.memory_space<semaphore_mem>>)
    } else {
    }
    %ge3A = arith.constant 2500 : i32
    %ge3A_21 = arith.cmpi sge, %add3A_16, %ge3A : i32
    %convert_element_type3A_22 = arith.extui %ge3A_21 : i1 to i32
    %cond3A_23 = arith.constant 0 : i32
    %cond3A_24 = arith.cmpi ne, %convert_element_type3A_22, %cond3A_23 : i32
    scf.if %cond3A_24 {
      %dma_start3A = arith.constant 0 : i32
      %dma_start3A_60 = arith.constant 0 : i32
      %dma_start3A_61 = arith.constant 0 : i32
      %dma_start3A_62 = tpu.memref_slice %arg2[%dma_start3A, %dma_start3A_60, %dma_start3A_61] : memref<2500x1x128xi32, #tpu.memory_space<hbm>> -> memref<1x1x128xi32, #tpu.memory_space<hbm>>
      %dma_start3A_63 = tpu.memref_squeeze %dma_start3A_62 : memref<1x1x128xi32, #tpu.memory_space<hbm>> -> memref<128xi32, #tpu.memory_space<hbm>>
      %dma_start3A_64 = arith.constant 0 : i32
      %dma_start3A_65 = tpu.memref_slice %arg2[%dma_start3A, %dma_start3A_60, %dma_start3A_64] : memref<2500x1x128xi32, #tpu.memory_space<hbm>> -> memref<1x1x128xi32, #tpu.memory_space<hbm>>
      %dma_start3A_66 = tpu.memref_squeeze %dma_start3A_65 : memref<1x1x128xi32, #tpu.memory_space<hbm>> -> memref<128xi32, #tpu.memory_space<hbm>>
      tpu.enqueue_dma source(%dma_start3A_66 : memref<128xi32, #tpu.memory_space<hbm>>) target(%arg8 : memref<128xi32, #tpu.memory_space<vmem>>) target_semaphore(%arg10 : memref<!tpu.dma_semaphore, #tpu.memory_space<semaphore_mem>>)
    } else {
    }
    %scan3A = arith.constant 0 : i32
    %scan3A_25 = arith.constant 0 : i32
    %scan3A_26 = arith.constant 39 : i32
    %scan3A_27 = arith.addi %scan3A_25, %scan3A_26 : i32
    %scan3A_28 = arith.constant 1 : i32
    scf.for %scan3A_60 = %scan3A_25 to %scan3A_27 step %scan3A_28  : i32 {
      %mul3A_61 = arith.constant 2 : i32
      %mul3A_62 = arith.muli %mul3A_61, %scan3A_60 : i32
      %add3A_63 = arith.constant 1 : i32
      %add3A_64 = arith.addi %mul3A_62, %add3A_63 : i32
      %mul3A_65 = arith.constant 32 : i32
      %mul3A_66 = arith.muli %add3A_64, %mul3A_65 : i32
      %add3A_67 = arith.addi %add3A, %mul3A_66 : i32
      %lt3A_68 = arith.constant 2500 : i32
      %lt3A_69 = arith.cmpi slt, %add3A_67, %lt3A_68 : i32
      %convert_element_type3A_70 = arith.extui %lt3A_69 : i1 to i32
      %cond3A_71 = arith.constant 0 : i32
      %cond3A_72 = arith.cmpi ne, %convert_element_type3A_70, %cond3A_71 : i32
      scf.if %cond3A_72 {
        %dma_start3A = arith.constant 0 : i32
        %dma_start3A_111 = arith.constant 0 : i32
        %dma_start3A_112 = tpu.memref_slice %arg2[%add3A_67, %dma_start3A, %dma_start3A_111] : memref<2500x1x128xi32, #tpu.memory_space<hbm>> -> memref<1x1x128xi32, #tpu.memory_space<hbm>>
        %dma_start3A_113 = tpu.memref_squeeze %dma_start3A_112 : memref<1x1x128xi32, #tpu.memory_space<hbm>> -> memref<128xi32, #tpu.memory_space<hbm>>
        %dma_start3A_114 = arith.constant 0 : i32
        %dma_start3A_115 = tpu.memref_slice %arg2[%add3A_67, %dma_start3A, %dma_start3A_114] : memref<2500x1x128xi32, #tpu.memory_space<hbm>> -> memref<1x1x128xi32, #tpu.memory_space<hbm>>
        %dma_start3A_116 = tpu.memref_squeeze %dma_start3A_115 : memref<1x1x128xi32, #tpu.memory_space<hbm>> -> memref<128xi32, #tpu.memory_space<hbm>>
        tpu.enqueue_dma source(%dma_start3A_116 : memref<128xi32, #tpu.memory_space<hbm>>) target(%arg9 : memref<128xi32, #tpu.memory_space<vmem>>) target_semaphore(%arg11 : memref<!tpu.dma_semaphore, #tpu.memory_space<semaphore_mem>>)
      } else {
      }
      %ge3A_73 = arith.constant 2500 : i32
      %ge3A_74 = arith.cmpi sge, %add3A_67, %ge3A_73 : i32
      %convert_element_type3A_75 = arith.extui %ge3A_74 : i1 to i32
      %cond3A_76 = arith.constant 0 : i32
      %cond3A_77 = arith.cmpi ne, %convert_element_type3A_75, %cond3A_76 : i32
      scf.if %cond3A_77 {
        %dma_start3A = arith.constant 0 : i32
        %dma_start3A_111 = arith.constant 0 : i32
        %dma_start3A_112 = arith.constant 0 : i32
        %dma_start3A_113 = tpu.memref_slice %arg2[%dma_start3A, %dma_start3A_111, %dma_start3A_112] : memref<2500x1x128xi32, #tpu.memory_space<hbm>> -> memref<1x1x128xi32, #tpu.memory_space<hbm>>
        %dma_start3A_114 = tpu.memref_squeeze %dma_start3A_113 : memref<1x1x128xi32, #tpu.memory_space<hbm>> -> memref<128xi32, #tpu.memory_space<hbm>>
        %dma_start3A_115 = arith.constant 0 : i32
        %dma_start3A_116 = tpu.memref_slice %arg2[%dma_start3A, %dma_start3A_111, %dma_start3A_115] : memref<2500x1x128xi32, #tpu.memory_space<hbm>> -> memref<1x1x128xi32, #tpu.memory_space<hbm>>
        %dma_start3A_117 = tpu.memref_squeeze %dma_start3A_116 : memref<1x1x128xi32, #tpu.memory_space<hbm>> -> memref<128xi32, #tpu.memory_space<hbm>>
        tpu.enqueue_dma source(%dma_start3A_117 : memref<128xi32, #tpu.memory_space<hbm>>) target(%arg9 : memref<128xi32, #tpu.memory_space<vmem>>) target_semaphore(%arg11 : memref<!tpu.dma_semaphore, #tpu.memory_space<semaphore_mem>>)
      } else {
      }
      %dma_wait3A_78 = arith.constant 0 : i32
      %dma_wait3A_79 = arith.constant 0 : i32
      %dma_wait3A_80 = arith.constant 0 : i32
      %dma_wait3A_81 = tpu.memref_slice %arg2[%dma_wait3A_78, %dma_wait3A_79, %dma_wait3A_80] : memref<2500x1x128xi32, #tpu.memory_space<hbm>> -> memref<1x1x128xi32, #tpu.memory_space<hbm>>
      %dma_wait3A_82 = tpu.memref_squeeze %dma_wait3A_81 : memref<1x1x128xi32, #tpu.memory_space<hbm>> -> memref<128xi32, #tpu.memory_space<hbm>>
      %dma_wait3A_83 = arith.constant 0 : i32
      %dma_wait3A_84 = tpu.memref_slice %arg2[%dma_wait3A_78, %dma_wait3A_79, %dma_wait3A_83] : memref<2500x1x128xi32, #tpu.memory_space<hbm>> -> memref<1x1x128xi32, #tpu.memory_space<hbm>>
      %dma_wait3A_85 = tpu.memref_squeeze %dma_wait3A_84 : memref<1x1x128xi32, #tpu.memory_space<hbm>> -> memref<128xi32, #tpu.memory_space<hbm>>
      tpu.wait_dma2 semaphore(%arg10 : memref<!tpu.dma_semaphore, #tpu.memory_space<semaphore_mem>>) src(%dma_wait3A_85 : memref<128xi32, #tpu.memory_space<hbm>>) dst(%arg8 : memref<128xi32, #tpu.memory_space<vmem>>)
      "tpu.region"() ({
        %run_scoped3A = tpu.sem_alloc : memref<!tpu.dma_semaphore, #tpu.memory_space<semaphore_mem>>
        %dma_start3A = arith.constant 0 : i32
        %dma_start3A_111 = arith.constant 0 : i32
        %dma_start3A_112 = tpu.memref_slice %arg6[%dma_start3A, %dma_start3A_111] : memref<10000x128xf32, #tpu.memory_space<vmem_shared>> -> memref<10000x128xf32, #tpu.memory_space<vmem_shared>>
        tpu.enqueue_indirect_dma source(%arg7 : memref<128x128xf32, #tpu.memory_space<vmem>>) target(%dma_start3A_112 : memref<10000x128xf32, #tpu.memory_space<vmem_shared>>) offsets(%arg8 : memref<128xi32, #tpu.memory_space<vmem>>) semaphore(%run_scoped3A : memref<!tpu.dma_semaphore, #tpu.memory_space<semaphore_mem>>) {add = true}
        %dma_wait3A_113 = arith.constant 0 : i32
        %dma_wait3A_114 = arith.constant 0 : i32
        %dma_wait3A_115 = tpu.memref_slice %arg6[%dma_wait3A_113, %dma_wait3A_114] : memref<10000x128xf32, #tpu.memory_space<vmem_shared>> -> memref<10000x128xf32, #tpu.memory_space<vmem_shared>>
        tpu.wait_indirect_dma semaphore(%run_scoped3A : memref<!tpu.dma_semaphore, #tpu.memory_space<semaphore_mem>>) src(%arg7 : memref<128x128xf32, #tpu.memory_space<vmem>>) dst(%dma_wait3A_115 : memref<10000x128xf32, #tpu.memory_space<vmem_shared>>)
        tpu.yield
      }) : () -> ()
      %mul3A_86 = arith.constant 2 : i32
      %mul3A_87 = arith.muli %mul3A_86, %scan3A_60 : i32
      %add3A_88 = arith.constant 2 : i32
      %add3A_89 = arith.addi %mul3A_87, %add3A_88 : i32
      %mul3A_90 = arith.constant 32 : i32
      %mul3A_91 = arith.muli %add3A_89, %mul3A_90 : i32
      %add3A_92 = arith.addi %add3A, %mul3A_91 : i32
      %lt3A_93 = arith.constant 2500 : i32
      %lt3A_94 = arith.cmpi slt, %add3A_92, %lt3A_93 : i32
      %convert_element_type3A_95 = arith.extui %lt3A_94 : i1 to i32
      %cond3A_96 = arith.constant 0 : i32
      %cond3A_97 = arith.cmpi ne, %convert_element_type3A_95, %cond3A_96 : i32
      scf.if %cond3A_97 {
        %dma_start3A = arith.constant 0 : i32
        %dma_start3A_111 = arith.constant 0 : i32
        %dma_start3A_112 = tpu.memref_slice %arg2[%add3A_92, %dma_start3A, %dma_start3A_111] : memref<2500x1x128xi32, #tpu.memory_space<hbm>> -> memref<1x1x128xi32, #tpu.memory_space<hbm>>
        %dma_start3A_113 = tpu.memref_squeeze %dma_start3A_112 : memref<1x1x128xi32, #tpu.memory_space<hbm>> -> memref<128xi32, #tpu.memory_space<hbm>>
        %dma_start3A_114 = arith.constant 0 : i32
        %dma_start3A_115 = tpu.memref_slice %arg2[%add3A_92, %dma_start3A, %dma_start3A_114] : memref<2500x1x128xi32, #tpu.memory_space<hbm>> -> memref<1x1x128xi32, #tpu.memory_space<hbm>>
        %dma_start3A_116 = tpu.memref_squeeze %dma_start3A_115 : memref<1x1x128xi32, #tpu.memory_space<hbm>> -> memref<128xi32, #tpu.memory_space<hbm>>
        tpu.enqueue_dma source(%dma_start3A_116 : memref<128xi32, #tpu.memory_space<hbm>>) target(%arg8 : memref<128xi32, #tpu.memory_space<vmem>>) target_semaphore(%arg10 : memref<!tpu.dma_semaphore, #tpu.memory_space<semaphore_mem>>)
      } else {
      }
      %ge3A_98 = arith.constant 2500 : i32
      %ge3A_99 = arith.cmpi sge, %add3A_92, %ge3A_98 : i32
      %convert_element_type3A_100 = arith.extui %ge3A_99 : i1 to i32
      %cond3A_101 = arith.constant 0 : i32
      %cond3A_102 = arith.cmpi ne, %convert_element_type3A_100, %cond3A_101 : i32
      scf.if %cond3A_102 {
        %dma_start3A = arith.constant 0 : i32
        %dma_start3A_111 = arith.constant 0 : i32
        %dma_start3A_112 = arith.constant 0 : i32
        %dma_start3A_113 = tpu.memref_slice %arg2[%dma_start3A, %dma_start3A_111, %dma_start3A_112] : memref<2500x1x128xi32, #tpu.memory_space<hbm>> -> memref<1x1x128xi32, #tpu.memory_space<hbm>>
        %dma_start3A_114 = tpu.memref_squeeze %dma_start3A_113 : memref<1x1x128xi32, #tpu.memory_space<hbm>> -> memref<128xi32, #tpu.memory_space<hbm>>
        %dma_start3A_115 = arith.constant 0 : i32
        %dma_start3A_116 = tpu.memref_slice %arg2[%dma_start3A, %dma_start3A_111, %dma_start3A_115] : memref<2500x1x128xi32, #tpu.memory_space<hbm>> -> memref<1x1x128xi32, #tpu.memory_space<hbm>>
        %dma_start3A_117 = tpu.memref_squeeze %dma_start3A_116 : memref<1x1x128xi32, #tpu.memory_space<hbm>> -> memref<128xi32, #tpu.memory_space<hbm>>
        tpu.enqueue_dma source(%dma_start3A_117 : memref<128xi32, #tpu.memory_space<hbm>>) target(%arg8 : memref<128xi32, #tpu.memory_space<vmem>>) target_semaphore(%arg10 : memref<!tpu.dma_semaphore, #tpu.memory_space<semaphore_mem>>)
      } else {
      }
      %dma_wait3A_103 = arith.constant 0 : i32
      %dma_wait3A_104 = arith.constant 0 : i32
      %dma_wait3A_105 = arith.constant 0 : i32
      %dma_wait3A_106 = tpu.memref_slice %arg2[%dma_wait3A_103, %dma_wait3A_104, %dma_wait3A_105] : memref<2500x1x128xi32, #tpu.memory_space<hbm>> -> memref<1x1x128xi32, #tpu.memory_space<hbm>>
      %dma_wait3A_107 = tpu.memref_squeeze %dma_wait3A_106 : memref<1x1x128xi32, #tpu.memory_space<hbm>> -> memref<128xi32, #tpu.memory_space<hbm>>
      %dma_wait3A_108 = arith.constant 0 : i32
      %dma_wait3A_109 = tpu.memref_slice %arg2[%dma_wait3A_103, %dma_wait3A_104, %dma_wait3A_108] : memref<2500x1x128xi32, #tpu.memory_space<hbm>> -> memref<1x1x128xi32, #tpu.memory_space<hbm>>
      %dma_wait3A_110 = tpu.memref_squeeze %dma_wait3A_109 : memref<1x1x128xi32, #tpu.memory_space<hbm>> -> memref<128xi32, #tpu.memory_space<hbm>>
      tpu.wait_dma2 semaphore(%arg11 : memref<!tpu.dma_semaphore, #tpu.memory_space<semaphore_mem>>) src(%dma_wait3A_110 : memref<128xi32, #tpu.memory_space<hbm>>) dst(%arg9 : memref<128xi32, #tpu.memory_space<vmem>>)
      "tpu.region"() ({
        %run_scoped3A = tpu.sem_alloc : memref<!tpu.dma_semaphore, #tpu.memory_space<semaphore_mem>>
        %dma_start3A = arith.constant 0 : i32
        %dma_start3A_111 = arith.constant 0 : i32
        %dma_start3A_112 = tpu.memref_slice %arg6[%dma_start3A, %dma_start3A_111] : memref<10000x128xf32, #tpu.memory_space<vmem_shared>> -> memref<10000x128xf32, #tpu.memory_space<vmem_shared>>
        tpu.enqueue_indirect_dma source(%arg7 : memref<128x128xf32, #tpu.memory_space<vmem>>) target(%dma_start3A_112 : memref<10000x128xf32, #tpu.memory_space<vmem_shared>>) offsets(%arg9 : memref<128xi32, #tpu.memory_space<vmem>>) semaphore(%run_scoped3A : memref<!tpu.dma_semaphore, #tpu.memory_space<semaphore_mem>>) {add = true}
        %dma_wait3A_113 = arith.constant 0 : i32
        %dma_wait3A_114 = arith.constant 0 : i32
        %dma_wait3A_115 = tpu.memref_slice %arg6[%dma_wait3A_113, %dma_wait3A_114] : memref<10000x128xf32, #tpu.memory_space<vmem_shared>> -> memref<10000x128xf32, #tpu.memory_space<vmem_shared>>
        tpu.wait_indirect_dma semaphore(%run_scoped3A : memref<!tpu.dma_semaphore, #tpu.memory_space<semaphore_mem>>) src(%arg7 : memref<128x128xf32, #tpu.memory_space<vmem>>) dst(%dma_wait3A_115 : memref<10000x128xf32, #tpu.memory_space<vmem_shared>>)
        tpu.yield
      }) : () -> ()
    }
    %scan3A_29 = arith.constant 39 : i32
    %dma_wait3A = arith.constant 0 : i32
    %dma_wait3A_30 = arith.constant 0 : i32
    %dma_wait3A_31 = arith.constant 0 : i32
    %dma_wait3A_32 = tpu.memref_slice %arg2[%dma_wait3A, %dma_wait3A_30, %dma_wait3A_31] : memref<2500x1x128xi32, #tpu.memory_space<hbm>> -> memref<1x1x128xi32, #tpu.memory_space<hbm>>
    %dma_wait3A_33 = tpu.memref_squeeze %dma_wait3A_32 : memref<1x1x128xi32, #tpu.memory_space<hbm>> -> memref<128xi32, #tpu.memory_space<hbm>>
    %dma_wait3A_34 = arith.constant 0 : i32
    %dma_wait3A_35 = tpu.memref_slice %arg2[%dma_wait3A, %dma_wait3A_30, %dma_wait3A_34] : memref<2500x1x128xi32, #tpu.memory_space<hbm>> -> memref<1x1x128xi32, #tpu.memory_space<hbm>>
    %dma_wait3A_36 = tpu.memref_squeeze %dma_wait3A_35 : memref<1x1x128xi32, #tpu.memory_space<hbm>> -> memref<128xi32, #tpu.memory_space<hbm>>
    tpu.wait_dma2 semaphore(%arg10 : memref<!tpu.dma_semaphore, #tpu.memory_space<semaphore_mem>>) src(%dma_wait3A_36 : memref<128xi32, #tpu.memory_space<hbm>>) dst(%arg8 : memref<128xi32, #tpu.memory_space<vmem>>)
    %lt3A_37 = arith.constant 4 : i32
    %lt3A_38 = arith.cmpi slt, %add3A, %lt3A_37 : i32
    %convert_element_type3A_39 = arith.extui %lt3A_38 : i1 to i32
    %cond3A_40 = arith.constant 0 : i32
    %cond3A_41 = arith.cmpi ne, %convert_element_type3A_39, %cond3A_40 : i32
    scf.if %cond3A_41 {
      "tpu.region"() ({
        %run_scoped3A = tpu.sem_alloc : memref<!tpu.dma_semaphore, #tpu.memory_space<semaphore_mem>>
        %dma_start3A = arith.constant 0 : i32
        %dma_start3A_60 = arith.constant 0 : i32
        %dma_start3A_61 = tpu.memref_slice %arg6[%dma_start3A, %dma_start3A_60] : memref<10000x128xf32, #tpu.memory_space<vmem_shared>> -> memref<10000x128xf32, #tpu.memory_space<vmem_shared>>
        tpu.enqueue_indirect_dma source(%arg7 : memref<128x128xf32, #tpu.memory_space<vmem>>) target(%dma_start3A_61 : memref<10000x128xf32, #tpu.memory_space<vmem_shared>>) offsets(%arg8 : memref<128xi32, #tpu.memory_space<vmem>>) semaphore(%run_scoped3A : memref<!tpu.dma_semaphore, #tpu.memory_space<semaphore_mem>>) {add = true}
        %dma_wait3A_62 = arith.constant 0 : i32
        %dma_wait3A_63 = arith.constant 0 : i32
        %dma_wait3A_64 = tpu.memref_slice %arg6[%dma_wait3A_62, %dma_wait3A_63] : memref<10000x128xf32, #tpu.memory_space<vmem_shared>> -> memref<10000x128xf32, #tpu.memory_space<vmem_shared>>
        tpu.wait_indirect_dma semaphore(%run_scoped3A : memref<!tpu.dma_semaphore, #tpu.memory_space<semaphore_mem>>) src(%arg7 : memref<128x128xf32, #tpu.memory_space<vmem>>) dst(%dma_wait3A_64 : memref<10000x128xf32, #tpu.memory_space<vmem_shared>>)
        tpu.yield
      }) : () -> ()
    } else {
    }
    %barrier3A_42 = arith.constant 0 : index
    tpu.barrier barrier_id(%barrier3A_42)
    %mul3A_43 = arith.constant 624 : i32
    %mul3A_44 = arith.muli %arg1, %mul3A_43 : i32
    %add3A_45 = arith.constant 0 : i32
    %add3A_46 = arith.addi %mul3A_44, %add3A_45 : i32
    %add3A_47 = arith.constant 128 : i32
    %add3A_48 = arith.addi %mul3A_44, %add3A_47 : i32
    %add3A_49 = arith.constant 256 : i32
    %add3A_50 = arith.addi %mul3A_44, %add3A_49 : i32
    %add3A_51 = arith.constant 384 : i32
    %add3A_52 = arith.addi %mul3A_44, %add3A_51 : i32
    %add3A_53 = arith.constant 512 : i32
    %add3A_54 = arith.addi %mul3A_44, %add3A_53 : i32
    "tpu.region"() ({
      %run_scoped3A = tpu.sem_alloc : memref<!tpu.dma_semaphore, #tpu.memory_space<semaphore_mem>>
      %dma_start3A = arith.constant 0 : i32
      %dma_start3A_60 = arith.constant 0 : i32
      %dma_start3A_61 = tpu.memref_slice %arg7[%dma_start3A, %dma_start3A_60] : memref<128x128xf32, #tpu.memory_space<vmem>> -> memref<128x128xf32, #tpu.memory_space<vmem>>
      %dma_start3A_62 = arith.constant 0 : i32
      %dma_start3A_63 = tpu.memref_slice %arg6[%add3A_46, %dma_start3A_62] : memref<10000x128xf32, #tpu.memory_space<vmem_shared>> -> memref<128x128xf32, #tpu.memory_space<vmem_shared>>
      %dma_start3A_64 = arith.constant 0 : i32
      %dma_start3A_65 = arith.constant 0 : i32
      %dma_start3A_66 = tpu.memref_slice %arg7[%dma_start3A_64, %dma_start3A_65] : memref<128x128xf32, #tpu.memory_space<vmem>> -> memref<128x128xf32, #tpu.memory_space<vmem>>
      %dma_start3A_67 = arith.constant 0 : i32
      %dma_start3A_68 = tpu.memref_slice %arg6[%add3A_46, %dma_start3A_67] : memref<10000x128xf32, #tpu.memory_space<vmem_shared>> -> memref<128x128xf32, #tpu.memory_space<vmem_shared>>
      tpu.enqueue_dma source(%dma_start3A_68 : memref<128x128xf32, #tpu.memory_space<vmem_shared>>) target(%dma_start3A_66 : memref<128x128xf32, #tpu.memory_space<vmem>>) target_semaphore(%run_scoped3A : memref<!tpu.dma_semaphore, #tpu.memory_space<semaphore_mem>>)
      %dma_wait3A_69 = arith.constant 0 : i32
      %dma_wait3A_70 = arith.constant 0 : i32
      %dma_wait3A_71 = tpu.memref_slice %arg7[%dma_wait3A_69, %dma_wait3A_70] : memref<128x128xf32, #tpu.memory_space<vmem>> -> memref<128x128xf32, #tpu.memory_space<vmem>>
      %dma_wait3A_72 = arith.constant 0 : i32
      %dma_wait3A_73 = tpu.memref_slice %arg6[%add3A_46, %dma_wait3A_72] : memref<10000x128xf32, #tpu.memory_space<vmem_shared>> -> memref<128x128xf32, #tpu.memory_space<vmem_shared>>
      %dma_wait3A_74 = arith.constant 0 : i32
      %dma_wait3A_75 = arith.constant 0 : i32
      %dma_wait3A_76 = tpu.memref_slice %arg7[%dma_wait3A_74, %dma_wait3A_75] : memref<128x128xf32, #tpu.memory_space<vmem>> -> memref<128x128xf32, #tpu.memory_space<vmem>>
      %dma_wait3A_77 = arith.constant 0 : i32
      %dma_wait3A_78 = tpu.memref_slice %arg6[%add3A_46, %dma_wait3A_77] : memref<10000x128xf32, #tpu.memory_space<vmem_shared>> -> memref<128x128xf32, #tpu.memory_space<vmem_shared>>
      tpu.wait_dma2 semaphore(%run_scoped3A : memref<!tpu.dma_semaphore, #tpu.memory_space<semaphore_mem>>) src(%dma_wait3A_78 : memref<128x128xf32, #tpu.memory_space<vmem_shared>>) dst(%dma_wait3A_76 : memref<128x128xf32, #tpu.memory_space<vmem>>)
      tpu.yield
    }) : () -> ()
    "tpu.region"() ({
      %run_scoped3A = tpu.sem_alloc : memref<!tpu.dma_semaphore, #tpu.memory_space<semaphore_mem>>
      %dma_start3A = arith.constant 0 : i32
      %dma_start3A_60 = arith.constant 0 : i32
      %dma_start3A_61 = tpu.memref_slice %arg7[%dma_start3A, %dma_start3A_60] : memref<128x128xf32, #tpu.memory_space<vmem>> -> memref<128x128xf32, #tpu.memory_space<vmem>>
      %dma_start3A_62 = arith.constant 0 : i32
      %dma_start3A_63 = tpu.memref_slice %arg5[%arg0, %add3A_46, %dma_start3A_62] : memref<2x10000x128xf32, #tpu.memory_space<hbm>> -> memref<1x128x128xf32, #tpu.memory_space<hbm>>
      %dma_start3A_64 = tpu.memref_squeeze %dma_start3A_63 : memref<1x128x128xf32, #tpu.memory_space<hbm>> -> memref<128x128xf32, #tpu.memory_space<hbm>>
      %dma_start3A_65 = arith.constant 0 : i32
      %dma_start3A_66 = tpu.memref_slice %arg5[%arg0, %add3A_46, %dma_start3A_65] : memref<2x10000x128xf32, #tpu.memory_space<hbm>> -> memref<1x128x128xf32, #tpu.memory_space<hbm>>
      %dma_start3A_67 = tpu.memref_squeeze %dma_start3A_66 : memref<1x128x128xf32, #tpu.memory_space<hbm>> -> memref<128x128xf32, #tpu.memory_space<hbm>>
      %dma_start3A_68 = arith.constant 0 : i32
      %dma_start3A_69 = arith.constant 0 : i32
      %dma_start3A_70 = tpu.memref_slice %arg7[%dma_start3A_68, %dma_start3A_69] : memref<128x128xf32, #tpu.memory_space<vmem>> -> memref<128x128xf32, #tpu.memory_space<vmem>>
      tpu.enqueue_dma source(%dma_start3A_70 : memref<128x128xf32, #tpu.memory_space<vmem>>) target(%dma_start3A_67 : memref<128x128xf32, #tpu.memory_space<hbm>>) target_semaphore(%run_scoped3A : memref<!tpu.dma_semaphore, #tpu.memory_space<semaphore_mem>>)
      %dma_wait3A_71 = arith.constant 0 : i32
      %dma_wait3A_72 = arith.constant 0 : i32
      %dma_wait3A_73 = tpu.memref_slice %arg7[%dma_wait3A_71, %dma_wait3A_72] : memref<128x128xf32, #tpu.memory_space<vmem>> -> memref<128x128xf32, #tpu.memory_space<vmem>>
      %dma_wait3A_74 = arith.constant 0 : i32
      %dma_wait3A_75 = tpu.memref_slice %arg5[%arg0, %add3A_46, %dma_wait3A_74] : memref<2x10000x128xf32, #tpu.memory_space<hbm>> -> memref<1x128x128xf32, #tpu.memory_space<hbm>>
      %dma_wait3A_76 = tpu.memref_squeeze %dma_wait3A_75 : memref<1x128x128xf32, #tpu.memory_space<hbm>> -> memref<128x128xf32, #tpu.memory_space<hbm>>
      %dma_wait3A_77 = arith.constant 0 : i32
      %dma_wait3A_78 = tpu.memref_slice %arg5[%arg0, %add3A_46, %dma_wait3A_77] : memref<2x10000x128xf32, #tpu.memory_space<hbm>> -> memref<1x128x128xf32, #tpu.memory_space<hbm>>
      %dma_wait3A_79 = tpu.memref_squeeze %dma_wait3A_78 : memref<1x128x128xf32, #tpu.memory_space<hbm>> -> memref<128x128xf32, #tpu.memory_space<hbm>>
      %dma_wait3A_80 = arith.constant 0 : i32
      %dma_wait3A_81 = arith.constant 0 : i32
      %dma_wait3A_82 = tpu.memref_slice %arg7[%dma_wait3A_80, %dma_wait3A_81] : memref<128x128xf32, #tpu.memory_space<vmem>> -> memref<128x128xf32, #tpu.memory_space<vmem>>
      tpu.wait_dma2 semaphore(%run_scoped3A : memref<!tpu.dma_semaphore, #tpu.memory_space<semaphore_mem>>) src(%dma_wait3A_82 : memref<128x128xf32, #tpu.memory_space<vmem>>) dst(%dma_wait3A_79 : memref<128x128xf32, #tpu.memory_space<hbm>>)
      tpu.yield
    }) : () -> ()
    "tpu.region"() ({
      %run_scoped3A = tpu.sem_alloc : memref<!tpu.dma_semaphore, #tpu.memory_space<semaphore_mem>>
      %dma_start3A = arith.constant 0 : i32
      %dma_start3A_60 = arith.constant 0 : i32
      %dma_start3A_61 = tpu.memref_slice %arg7[%dma_start3A, %dma_start3A_60] : memref<128x128xf32, #tpu.memory_space<vmem>> -> memref<128x128xf32, #tpu.memory_space<vmem>>
      %dma_start3A_62 = arith.constant 0 : i32
      %dma_start3A_63 = tpu.memref_slice %arg6[%add3A_48, %dma_start3A_62] : memref<10000x128xf32, #tpu.memory_space<vmem_shared>> -> memref<128x128xf32, #tpu.memory_space<vmem_shared>>
      %dma_start3A_64 = arith.constant 0 : i32
      %dma_start3A_65 = arith.constant 0 : i32
      %dma_start3A_66 = tpu.memref_slice %arg7[%dma_start3A_64, %dma_start3A_65] : memref<128x128xf32, #tpu.memory_space<vmem>> -> memref<128x128xf32, #tpu.memory_space<vmem>>
      %dma_start3A_67 = arith.constant 0 : i32
      %dma_start3A_68 = tpu.memref_slice %arg6[%add3A_48, %dma_start3A_67] : memref<10000x128xf32, #tpu.memory_space<vmem_shared>> -> memref<128x128xf32, #tpu.memory_space<vmem_shared>>
      tpu.enqueue_dma source(%dma_start3A_68 : memref<128x128xf32, #tpu.memory_space<vmem_shared>>) target(%dma_start3A_66 : memref<128x128xf32, #tpu.memory_space<vmem>>) target_semaphore(%run_scoped3A : memref<!tpu.dma_semaphore, #tpu.memory_space<semaphore_mem>>)
      %dma_wait3A_69 = arith.constant 0 : i32
      %dma_wait3A_70 = arith.constant 0 : i32
      %dma_wait3A_71 = tpu.memref_slice %arg7[%dma_wait3A_69, %dma_wait3A_70] : memref<128x128xf32, #tpu.memory_space<vmem>> -> memref<128x128xf32, #tpu.memory_space<vmem>>
      %dma_wait3A_72 = arith.constant 0 : i32
      %dma_wait3A_73 = tpu.memref_slice %arg6[%add3A_48, %dma_wait3A_72] : memref<10000x128xf32, #tpu.memory_space<vmem_shared>> -> memref<128x128xf32, #tpu.memory_space<vmem_shared>>
      %dma_wait3A_74 = arith.constant 0 : i32
      %dma_wait3A_75 = arith.constant 0 : i32
      %dma_wait3A_76 = tpu.memref_slice %arg7[%dma_wait3A_74, %dma_wait3A_75] : memref<128x128xf32, #tpu.memory_space<vmem>> -> memref<128x128xf32, #tpu.memory_space<vmem>>
      %dma_wait3A_77 = arith.constant 0 : i32
      %dma_wait3A_78 = tpu.memref_slice %arg6[%add3A_48, %dma_wait3A_77] : memref<10000x128xf32, #tpu.memory_space<vmem_shared>> -> memref<128x128xf32, #tpu.memory_space<vmem_shared>>
      tpu.wait_dma2 semaphore(%run_scoped3A : memref<!tpu.dma_semaphore, #tpu.memory_space<semaphore_mem>>) src(%dma_wait3A_78 : memref<128x128xf32, #tpu.memory_space<vmem_shared>>) dst(%dma_wait3A_76 : memref<128x128xf32, #tpu.memory_space<vmem>>)
      tpu.yield
    }) : () -> ()
    "tpu.region"() ({
      %run_scoped3A = tpu.sem_alloc : memref<!tpu.dma_semaphore, #tpu.memory_space<semaphore_mem>>
      %dma_start3A = arith.constant 0 : i32
      %dma_start3A_60 = arith.constant 0 : i32
      %dma_start3A_61 = tpu.memref_slice %arg7[%dma_start3A, %dma_start3A_60] : memref<128x128xf32, #tpu.memory_space<vmem>> -> memref<128x128xf32, #tpu.memory_space<vmem>>
      %dma_start3A_62 = arith.constant 0 : i32
      %dma_start3A_63 = tpu.memref_slice %arg5[%arg0, %add3A_48, %dma_start3A_62] : memref<2x10000x128xf32, #tpu.memory_space<hbm>> -> memref<1x128x128xf32, #tpu.memory_space<hbm>>
      %dma_start3A_64 = tpu.memref_squeeze %dma_start3A_63 : memref<1x128x128xf32, #tpu.memory_space<hbm>> -> memref<128x128xf32, #tpu.memory_space<hbm>>
      %dma_start3A_65 = arith.constant 0 : i32
      %dma_start3A_66 = tpu.memref_slice %arg5[%arg0, %add3A_48, %dma_start3A_65] : memref<2x10000x128xf32, #tpu.memory_space<hbm>> -> memref<1x128x128xf32, #tpu.memory_space<hbm>>
      %dma_start3A_67 = tpu.memref_squeeze %dma_start3A_66 : memref<1x128x128xf32, #tpu.memory_space<hbm>> -> memref<128x128xf32, #tpu.memory_space<hbm>>
      %dma_start3A_68 = arith.constant 0 : i32
      %dma_start3A_69 = arith.constant 0 : i32
      %dma_start3A_70 = tpu.memref_slice %arg7[%dma_start3A_68, %dma_start3A_69] : memref<128x128xf32, #tpu.memory_space<vmem>> -> memref<128x128xf32, #tpu.memory_space<vmem>>
      tpu.enqueue_dma source(%dma_start3A_70 : memref<128x128xf32, #tpu.memory_space<vmem>>) target(%dma_start3A_67 : memref<128x128xf32, #tpu.memory_space<hbm>>) target_semaphore(%run_scoped3A : memref<!tpu.dma_semaphore, #tpu.memory_space<semaphore_mem>>)
      %dma_wait3A_71 = arith.constant 0 : i32
      %dma_wait3A_72 = arith.constant 0 : i32
      %dma_wait3A_73 = tpu.memref_slice %arg7[%dma_wait3A_71, %dma_wait3A_72] : memref<128x128xf32, #tpu.memory_space<vmem>> -> memref<128x128xf32, #tpu.memory_space<vmem>>
      %dma_wait3A_74 = arith.constant 0 : i32
      %dma_wait3A_75 = tpu.memref_slice %arg5[%arg0, %add3A_48, %dma_wait3A_74] : memref<2x10000x128xf32, #tpu.memory_space<hbm>> -> memref<1x128x128xf32, #tpu.memory_space<hbm>>
      %dma_wait3A_76 = tpu.memref_squeeze %dma_wait3A_75 : memref<1x128x128xf32, #tpu.memory_space<hbm>> -> memref<128x128xf32, #tpu.memory_space<hbm>>
      %dma_wait3A_77 = arith.constant 0 : i32
      %dma_wait3A_78 = tpu.memref_slice %arg5[%arg0, %add3A_48, %dma_wait3A_77] : memref<2x10000x128xf32, #tpu.memory_space<hbm>> -> memref<1x128x128xf32, #tpu.memory_space<hbm>>
      %dma_wait3A_79 = tpu.memref_squeeze %dma_wait3A_78 : memref<1x128x128xf32, #tpu.memory_space<hbm>> -> memref<128x128xf32, #tpu.memory_space<hbm>>
      %dma_wait3A_80 = arith.constant 0 : i32
      %dma_wait3A_81 = arith.constant 0 : i32
      %dma_wait3A_82 = tpu.memref_slice %arg7[%dma_wait3A_80, %dma_wait3A_81] : memref<128x128xf32, #tpu.memory_space<vmem>> -> memref<128x128xf32, #tpu.memory_space<vmem>>
      tpu.wait_dma2 semaphore(%run_scoped3A : memref<!tpu.dma_semaphore, #tpu.memory_space<semaphore_mem>>) src(%dma_wait3A_82 : memref<128x128xf32, #tpu.memory_space<vmem>>) dst(%dma_wait3A_79 : memref<128x128xf32, #tpu.memory_space<hbm>>)
      tpu.yield
    }) : () -> ()
    "tpu.region"() ({
      %run_scoped3A = tpu.sem_alloc : memref<!tpu.dma_semaphore, #tpu.memory_space<semaphore_mem>>
      %dma_start3A = arith.constant 0 : i32
      %dma_start3A_60 = arith.constant 0 : i32
      %dma_start3A_61 = tpu.memref_slice %arg7[%dma_start3A, %dma_start3A_60] : memref<128x128xf32, #tpu.memory_space<vmem>> -> memref<128x128xf32, #tpu.memory_space<vmem>>
      %dma_start3A_62 = arith.constant 0 : i32
      %dma_start3A_63 = tpu.memref_slice %arg6[%add3A_50, %dma_start3A_62] : memref<10000x128xf32, #tpu.memory_space<vmem_shared>> -> memref<128x128xf32, #tpu.memory_space<vmem_shared>>
      %dma_start3A_64 = arith.constant 0 : i32
      %dma_start3A_65 = arith.constant 0 : i32
      %dma_start3A_66 = tpu.memref_slice %arg7[%dma_start3A_64, %dma_start3A_65] : memref<128x128xf32, #tpu.memory_space<vmem>> -> memref<128x128xf32, #tpu.memory_space<vmem>>
      %dma_start3A_67 = arith.constant 0 : i32
      %dma_start3A_68 = tpu.memref_slice %arg6[%add3A_50, %dma_start3A_67] : memref<10000x128xf32, #tpu.memory_space<vmem_shared>> -> memref<128x128xf32, #tpu.memory_space<vmem_shared>>
      tpu.enqueue_dma source(%dma_start3A_68 : memref<128x128xf32, #tpu.memory_space<vmem_shared>>) target(%dma_start3A_66 : memref<128x128xf32, #tpu.memory_space<vmem>>) target_semaphore(%run_scoped3A : memref<!tpu.dma_semaphore, #tpu.memory_space<semaphore_mem>>)
      %dma_wait3A_69 = arith.constant 0 : i32
      %dma_wait3A_70 = arith.constant 0 : i32
      %dma_wait3A_71 = tpu.memref_slice %arg7[%dma_wait3A_69, %dma_wait3A_70] : memref<128x128xf32, #tpu.memory_space<vmem>> -> memref<128x128xf32, #tpu.memory_space<vmem>>
      %dma_wait3A_72 = arith.constant 0 : i32
      %dma_wait3A_73 = tpu.memref_slice %arg6[%add3A_50, %dma_wait3A_72] : memref<10000x128xf32, #tpu.memory_space<vmem_shared>> -> memref<128x128xf32, #tpu.memory_space<vmem_shared>>
      %dma_wait3A_74 = arith.constant 0 : i32
      %dma_wait3A_75 = arith.constant 0 : i32
      %dma_wait3A_76 = tpu.memref_slice %arg7[%dma_wait3A_74, %dma_wait3A_75] : memref<128x128xf32, #tpu.memory_space<vmem>> -> memref<128x128xf32, #tpu.memory_space<vmem>>
      %dma_wait3A_77 = arith.constant 0 : i32
      %dma_wait3A_78 = tpu.memref_slice %arg6[%add3A_50, %dma_wait3A_77] : memref<10000x128xf32, #tpu.memory_space<vmem_shared>> -> memref<128x128xf32, #tpu.memory_space<vmem_shared>>
      tpu.wait_dma2 semaphore(%run_scoped3A : memref<!tpu.dma_semaphore, #tpu.memory_space<semaphore_mem>>) src(%dma_wait3A_78 : memref<128x128xf32, #tpu.memory_space<vmem_shared>>) dst(%dma_wait3A_76 : memref<128x128xf32, #tpu.memory_space<vmem>>)
      tpu.yield
    }) : () -> ()
    "tpu.region"() ({
      %run_scoped3A = tpu.sem_alloc : memref<!tpu.dma_semaphore, #tpu.memory_space<semaphore_mem>>
      %dma_start3A = arith.constant 0 : i32
      %dma_start3A_60 = arith.constant 0 : i32
      %dma_start3A_61 = tpu.memref_slice %arg7[%dma_start3A, %dma_start3A_60] : memref<128x128xf32, #tpu.memory_space<vmem>> -> memref<128x128xf32, #tpu.memory_space<vmem>>
      %dma_start3A_62 = arith.constant 0 : i32
      %dma_start3A_63 = tpu.memref_slice %arg5[%arg0, %add3A_50, %dma_start3A_62] : memref<2x10000x128xf32, #tpu.memory_space<hbm>> -> memref<1x128x128xf32, #tpu.memory_space<hbm>>
      %dma_start3A_64 = tpu.memref_squeeze %dma_start3A_63 : memref<1x128x128xf32, #tpu.memory_space<hbm>> -> memref<128x128xf32, #tpu.memory_space<hbm>>
      %dma_start3A_65 = arith.constant 0 : i32
      %dma_start3A_66 = tpu.memref_slice %arg5[%arg0, %add3A_50, %dma_start3A_65] : memref<2x10000x128xf32, #tpu.memory_space<hbm>> -> memref<1x128x128xf32, #tpu.memory_space<hbm>>
      %dma_start3A_67 = tpu.memref_squeeze %dma_start3A_66 : memref<1x128x128xf32, #tpu.memory_space<hbm>> -> memref<128x128xf32, #tpu.memory_space<hbm>>
      %dma_start3A_68 = arith.constant 0 : i32
      %dma_start3A_69 = arith.constant 0 : i32
      %dma_start3A_70 = tpu.memref_slice %arg7[%dma_start3A_68, %dma_start3A_69] : memref<128x128xf32, #tpu.memory_space<vmem>> -> memref<128x128xf32, #tpu.memory_space<vmem>>
      tpu.enqueue_dma source(%dma_start3A_70 : memref<128x128xf32, #tpu.memory_space<vmem>>) target(%dma_start3A_67 : memref<128x128xf32, #tpu.memory_space<hbm>>) target_semaphore(%run_scoped3A : memref<!tpu.dma_semaphore, #tpu.memory_space<semaphore_mem>>)
      %dma_wait3A_71 = arith.constant 0 : i32
      %dma_wait3A_72 = arith.constant 0 : i32
      %dma_wait3A_73 = tpu.memref_slice %arg7[%dma_wait3A_71, %dma_wait3A_72] : memref<128x128xf32, #tpu.memory_space<vmem>> -> memref<128x128xf32, #tpu.memory_space<vmem>>
      %dma_wait3A_74 = arith.constant 0 : i32
      %dma_wait3A_75 = tpu.memref_slice %arg5[%arg0, %add3A_50, %dma_wait3A_74] : memref<2x10000x128xf32, #tpu.memory_space<hbm>> -> memref<1x128x128xf32, #tpu.memory_space<hbm>>
      %dma_wait3A_76 = tpu.memref_squeeze %dma_wait3A_75 : memref<1x128x128xf32, #tpu.memory_space<hbm>> -> memref<128x128xf32, #tpu.memory_space<hbm>>
      %dma_wait3A_77 = arith.constant 0 : i32
      %dma_wait3A_78 = tpu.memref_slice %arg5[%arg0, %add3A_50, %dma_wait3A_77] : memref<2x10000x128xf32, #tpu.memory_space<hbm>> -> memref<1x128x128xf32, #tpu.memory_space<hbm>>
      %dma_wait3A_79 = tpu.memref_squeeze %dma_wait3A_78 : memref<1x128x128xf32, #tpu.memory_space<hbm>> -> memref<128x128xf32, #tpu.memory_space<hbm>>
      %dma_wait3A_80 = arith.constant 0 : i32
      %dma_wait3A_81 = arith.constant 0 : i32
      %dma_wait3A_82 = tpu.memref_slice %arg7[%dma_wait3A_80, %dma_wait3A_81] : memref<128x128xf32, #tpu.memory_space<vmem>> -> memref<128x128xf32, #tpu.memory_space<vmem>>
      tpu.wait_dma2 semaphore(%run_scoped3A : memref<!tpu.dma_semaphore, #tpu.memory_space<semaphore_mem>>) src(%dma_wait3A_82 : memref<128x128xf32, #tpu.memory_space<vmem>>) dst(%dma_wait3A_79 : memref<128x128xf32, #tpu.memory_space<hbm>>)
      tpu.yield
    }) : () -> ()
    "tpu.region"() ({
      %run_scoped3A = tpu.sem_alloc : memref<!tpu.dma_semaphore, #tpu.memory_space<semaphore_mem>>
      %dma_start3A = arith.constant 0 : i32
      %dma_start3A_60 = arith.constant 0 : i32
      %dma_start3A_61 = tpu.memref_slice %arg7[%dma_start3A, %dma_start3A_60] : memref<128x128xf32, #tpu.memory_space<vmem>> -> memref<128x128xf32, #tpu.memory_space<vmem>>
      %dma_start3A_62 = arith.constant 0 : i32
      %dma_start3A_63 = tpu.memref_slice %arg6[%add3A_52, %dma_start3A_62] : memref<10000x128xf32, #tpu.memory_space<vmem_shared>> -> memref<128x128xf32, #tpu.memory_space<vmem_shared>>
      %dma_start3A_64 = arith.constant 0 : i32
      %dma_start3A_65 = arith.constant 0 : i32
      %dma_start3A_66 = tpu.memref_slice %arg7[%dma_start3A_64, %dma_start3A_65] : memref<128x128xf32, #tpu.memory_space<vmem>> -> memref<128x128xf32, #tpu.memory_space<vmem>>
      %dma_start3A_67 = arith.constant 0 : i32
      %dma_start3A_68 = tpu.memref_slice %arg6[%add3A_52, %dma_start3A_67] : memref<10000x128xf32, #tpu.memory_space<vmem_shared>> -> memref<128x128xf32, #tpu.memory_space<vmem_shared>>
      tpu.enqueue_dma source(%dma_start3A_68 : memref<128x128xf32, #tpu.memory_space<vmem_shared>>) target(%dma_start3A_66 : memref<128x128xf32, #tpu.memory_space<vmem>>) target_semaphore(%run_scoped3A : memref<!tpu.dma_semaphore, #tpu.memory_space<semaphore_mem>>)
      %dma_wait3A_69 = arith.constant 0 : i32
      %dma_wait3A_70 = arith.constant 0 : i32
      %dma_wait3A_71 = tpu.memref_slice %arg7[%dma_wait3A_69, %dma_wait3A_70] : memref<128x128xf32, #tpu.memory_space<vmem>> -> memref<128x128xf32, #tpu.memory_space<vmem>>
      %dma_wait3A_72 = arith.constant 0 : i32
      %dma_wait3A_73 = tpu.memref_slice %arg6[%add3A_52, %dma_wait3A_72] : memref<10000x128xf32, #tpu.memory_space<vmem_shared>> -> memref<128x128xf32, #tpu.memory_space<vmem_shared>>
      %dma_wait3A_74 = arith.constant 0 : i32
      %dma_wait3A_75 = arith.constant 0 : i32
      %dma_wait3A_76 = tpu.memref_slice %arg7[%dma_wait3A_74, %dma_wait3A_75] : memref<128x128xf32, #tpu.memory_space<vmem>> -> memref<128x128xf32, #tpu.memory_space<vmem>>
      %dma_wait3A_77 = arith.constant 0 : i32
      %dma_wait3A_78 = tpu.memref_slice %arg6[%add3A_52, %dma_wait3A_77] : memref<10000x128xf32, #tpu.memory_space<vmem_shared>> -> memref<128x128xf32, #tpu.memory_space<vmem_shared>>
      tpu.wait_dma2 semaphore(%run_scoped3A : memref<!tpu.dma_semaphore, #tpu.memory_space<semaphore_mem>>) src(%dma_wait3A_78 : memref<128x128xf32, #tpu.memory_space<vmem_shared>>) dst(%dma_wait3A_76 : memref<128x128xf32, #tpu.memory_space<vmem>>)
      tpu.yield
    }) : () -> ()
    "tpu.region"() ({
      %run_scoped3A = tpu.sem_alloc : memref<!tpu.dma_semaphore, #tpu.memory_space<semaphore_mem>>
      %dma_start3A = arith.constant 0 : i32
      %dma_start3A_60 = arith.constant 0 : i32
      %dma_start3A_61 = tpu.memref_slice %arg7[%dma_start3A, %dma_start3A_60] : memref<128x128xf32, #tpu.memory_space<vmem>> -> memref<128x128xf32, #tpu.memory_space<vmem>>
      %dma_start3A_62 = arith.constant 0 : i32
      %dma_start3A_63 = tpu.memref_slice %arg5[%arg0, %add3A_52, %dma_start3A_62] : memref<2x10000x128xf32, #tpu.memory_space<hbm>> -> memref<1x128x128xf32, #tpu.memory_space<hbm>>
      %dma_start3A_64 = tpu.memref_squeeze %dma_start3A_63 : memref<1x128x128xf32, #tpu.memory_space<hbm>> -> memref<128x128xf32, #tpu.memory_space<hbm>>
      %dma_start3A_65 = arith.constant 0 : i32
      %dma_start3A_66 = tpu.memref_slice %arg5[%arg0, %add3A_52, %dma_start3A_65] : memref<2x10000x128xf32, #tpu.memory_space<hbm>> -> memref<1x128x128xf32, #tpu.memory_space<hbm>>
      %dma_start3A_67 = tpu.memref_squeeze %dma_start3A_66 : memref<1x128x128xf32, #tpu.memory_space<hbm>> -> memref<128x128xf32, #tpu.memory_space<hbm>>
      %dma_start3A_68 = arith.constant 0 : i32
      %dma_start3A_69 = arith.constant 0 : i32
      %dma_start3A_70 = tpu.memref_slice %arg7[%dma_start3A_68, %dma_start3A_69] : memref<128x128xf32, #tpu.memory_space<vmem>> -> memref<128x128xf32, #tpu.memory_space<vmem>>
      tpu.enqueue_dma source(%dma_start3A_70 : memref<128x128xf32, #tpu.memory_space<vmem>>) target(%dma_start3A_67 : memref<128x128xf32, #tpu.memory_space<hbm>>) target_semaphore(%run_scoped3A : memref<!tpu.dma_semaphore, #tpu.memory_space<semaphore_mem>>)
      %dma_wait3A_71 = arith.constant 0 : i32
      %dma_wait3A_72 = arith.constant 0 : i32
      %dma_wait3A_73 = tpu.memref_slice %arg7[%dma_wait3A_71, %dma_wait3A_72] : memref<128x128xf32, #tpu.memory_space<vmem>> -> memref<128x128xf32, #tpu.memory_space<vmem>>
      %dma_wait3A_74 = arith.constant 0 : i32
      %dma_wait3A_75 = tpu.memref_slice %arg5[%arg0, %add3A_52, %dma_wait3A_74] : memref<2x10000x128xf32, #tpu.memory_space<hbm>> -> memref<1x128x128xf32, #tpu.memory_space<hbm>>
      %dma_wait3A_76 = tpu.memref_squeeze %dma_wait3A_75 : memref<1x128x128xf32, #tpu.memory_space<hbm>> -> memref<128x128xf32, #tpu.memory_space<hbm>>
      %dma_wait3A_77 = arith.constant 0 : i32
      %dma_wait3A_78 = tpu.memref_slice %arg5[%arg0, %add3A_52, %dma_wait3A_77] : memref<2x10000x128xf32, #tpu.memory_space<hbm>> -> memref<1x128x128xf32, #tpu.memory_space<hbm>>
      %dma_wait3A_79 = tpu.memref_squeeze %dma_wait3A_78 : memref<1x128x128xf32, #tpu.memory_space<hbm>> -> memref<128x128xf32, #tpu.memory_space<hbm>>
      %dma_wait3A_80 = arith.constant 0 : i32
      %dma_wait3A_81 = arith.constant 0 : i32
      %dma_wait3A_82 = tpu.memref_slice %arg7[%dma_wait3A_80, %dma_wait3A_81] : memref<128x128xf32, #tpu.memory_space<vmem>> -> memref<128x128xf32, #tpu.memory_space<vmem>>
      tpu.wait_dma2 semaphore(%run_scoped3A : memref<!tpu.dma_semaphore, #tpu.memory_space<semaphore_mem>>) src(%dma_wait3A_82 : memref<128x128xf32, #tpu.memory_space<vmem>>) dst(%dma_wait3A_79 : memref<128x128xf32, #tpu.memory_space<hbm>>)
      tpu.yield
    }) : () -> ()
    "tpu.region"() ({
      %run_scoped3A = tpu.sem_alloc : memref<!tpu.dma_semaphore, #tpu.memory_space<semaphore_mem>>
      %dma_start3A = arith.constant 0 : i32
      %dma_start3A_60 = arith.constant 0 : i32
      %dma_start3A_61 = tpu.memref_slice %arg7[%dma_start3A, %dma_start3A_60] : memref<128x128xf32, #tpu.memory_space<vmem>> -> memref<112x128xf32, #tpu.memory_space<vmem>>
      %dma_start3A_62 = arith.constant 0 : i32
      %dma_start3A_63 = tpu.memref_slice %arg6[%add3A_54, %dma_start3A_62] : memref<10000x128xf32, #tpu.memory_space<vmem_shared>> -> memref<112x128xf32, #tpu.memory_space<vmem_shared>>
      %dma_start3A_64 = arith.constant 0 : i32
      %dma_start3A_65 = arith.constant 0 : i32
      %dma_start3A_66 = tpu.memref_slice %arg7[%dma_start3A_64, %dma_start3A_65] : memref<128x128xf32, #tpu.memory_space<vmem>> -> memref<112x128xf32, #tpu.memory_space<vmem>>
      %dma_start3A_67 = arith.constant 0 : i32
      %dma_start3A_68 = tpu.memref_slice %arg6[%add3A_54, %dma_start3A_67] : memref<10000x128xf32, #tpu.memory_space<vmem_shared>> -> memref<112x128xf32, #tpu.memory_space<vmem_shared>>
      tpu.enqueue_dma source(%dma_start3A_68 : memref<112x128xf32, #tpu.memory_space<vmem_shared>>) target(%dma_start3A_66 : memref<112x128xf32, #tpu.memory_space<vmem>>) target_semaphore(%run_scoped3A : memref<!tpu.dma_semaphore, #tpu.memory_space<semaphore_mem>>)
      %dma_wait3A_69 = arith.constant 0 : i32
      %dma_wait3A_70 = arith.constant 0 : i32
      %dma_wait3A_71 = tpu.memref_slice %arg7[%dma_wait3A_69, %dma_wait3A_70] : memref<128x128xf32, #tpu.memory_space<vmem>> -> memref<112x128xf32, #tpu.memory_space<vmem>>
      %dma_wait3A_72 = arith.constant 0 : i32
      %dma_wait3A_73 = tpu.memref_slice %arg6[%add3A_54, %dma_wait3A_72] : memref<10000x128xf32, #tpu.memory_space<vmem_shared>> -> memref<112x128xf32, #tpu.memory_space<vmem_shared>>
      %dma_wait3A_74 = arith.constant 0 : i32
      %dma_wait3A_75 = arith.constant 0 : i32
      %dma_wait3A_76 = tpu.memref_slice %arg7[%dma_wait3A_74, %dma_wait3A_75] : memref<128x128xf32, #tpu.memory_space<vmem>> -> memref<112x128xf32, #tpu.memory_space<vmem>>
      %dma_wait3A_77 = arith.constant 0 : i32
      %dma_wait3A_78 = tpu.memref_slice %arg6[%add3A_54, %dma_wait3A_77] : memref<10000x128xf32, #tpu.memory_space<vmem_shared>> -> memref<112x128xf32, #tpu.memory_space<vmem_shared>>
      tpu.wait_dma2 semaphore(%run_scoped3A : memref<!tpu.dma_semaphore, #tpu.memory_space<semaphore_mem>>) src(%dma_wait3A_78 : memref<112x128xf32, #tpu.memory_space<vmem_shared>>) dst(%dma_wait3A_76 : memref<112x128xf32, #tpu.memory_space<vmem>>)
      tpu.yield
    }) : () -> ()
    "tpu.region"() ({
      %run_scoped3A = tpu.sem_alloc : memref<!tpu.dma_semaphore, #tpu.memory_space<semaphore_mem>>
      %dma_start3A = arith.constant 0 : i32
      %dma_start3A_60 = arith.constant 0 : i32
      %dma_start3A_61 = tpu.memref_slice %arg7[%dma_start3A, %dma_start3A_60] : memref<128x128xf32, #tpu.memory_space<vmem>> -> memref<112x128xf32, #tpu.memory_space<vmem>>
      %dma_start3A_62 = arith.constant 0 : i32
      %dma_start3A_63 = tpu.memref_slice %arg5[%arg0, %add3A_54, %dma_start3A_62] : memref<2x10000x128xf32, #tpu.memory_space<hbm>> -> memref<1x112x128xf32, #tpu.memory_space<hbm>>
      %dma_start3A_64 = tpu.memref_squeeze %dma_start3A_63 : memref<1x112x128xf32, #tpu.memory_space<hbm>> -> memref<112x128xf32, #tpu.memory_space<hbm>>
      %dma_start3A_65 = arith.constant 0 : i32
      %dma_start3A_66 = tpu.memref_slice %arg5[%arg0, %add3A_54, %dma_start3A_65] : memref<2x10000x128xf32, #tpu.memory_space<hbm>> -> memref<1x112x128xf32, #tpu.memory_space<hbm>>
      %dma_start3A_67 = tpu.memref_squeeze %dma_start3A_66 : memref<1x112x128xf32, #tpu.memory_space<hbm>> -> memref<112x128xf32, #tpu.memory_space<hbm>>
      %dma_start3A_68 = arith.constant 0 : i32
      %dma_start3A_69 = arith.constant 0 : i32
      %dma_start3A_70 = tpu.memref_slice %arg7[%dma_start3A_68, %dma_start3A_69] : memref<128x128xf32, #tpu.memory_space<vmem>> -> memref<112x128xf32, #tpu.memory_space<vmem>>
      tpu.enqueue_dma source(%dma_start3A_70 : memref<112x128xf32, #tpu.memory_space<vmem>>) target(%dma_start3A_67 : memref<112x128xf32, #tpu.memory_space<hbm>>) target_semaphore(%run_scoped3A : memref<!tpu.dma_semaphore, #tpu.memory_space<semaphore_mem>>)
      %dma_wait3A_71 = arith.constant 0 : i32
      %dma_wait3A_72 = arith.constant 0 : i32
      %dma_wait3A_73 = tpu.memref_slice %arg7[%dma_wait3A_71, %dma_wait3A_72] : memref<128x128xf32, #tpu.memory_space<vmem>> -> memref<112x128xf32, #tpu.memory_space<vmem>>
      %dma_wait3A_74 = arith.constant 0 : i32
      %dma_wait3A_75 = tpu.memref_slice %arg5[%arg0, %add3A_54, %dma_wait3A_74] : memref<2x10000x128xf32, #tpu.memory_space<hbm>> -> memref<1x112x128xf32, #tpu.memory_space<hbm>>
      %dma_wait3A_76 = tpu.memref_squeeze %dma_wait3A_75 : memref<1x112x128xf32, #tpu.memory_space<hbm>> -> memref<112x128xf32, #tpu.memory_space<hbm>>
      %dma_wait3A_77 = arith.constant 0 : i32
      %dma_wait3A_78 = tpu.memref_slice %arg5[%arg0, %add3A_54, %dma_wait3A_77] : memref<2x10000x128xf32, #tpu.memory_space<hbm>> -> memref<1x112x128xf32, #tpu.memory_space<hbm>>
      %dma_wait3A_79 = tpu.memref_squeeze %dma_wait3A_78 : memref<1x112x128xf32, #tpu.memory_space<hbm>> -> memref<112x128xf32, #tpu.memory_space<hbm>>
      %dma_wait3A_80 = arith.constant 0 : i32
      %dma_wait3A_81 = arith.constant 0 : i32
      %dma_wait3A_82 = tpu.memref_slice %arg7[%dma_wait3A_80, %dma_wait3A_81] : memref<128x128xf32, #tpu.memory_space<vmem>> -> memref<112x128xf32, #tpu.memory_space<vmem>>
      tpu.wait_dma2 semaphore(%run_scoped3A : memref<!tpu.dma_semaphore, #tpu.memory_space<semaphore_mem>>) src(%dma_wait3A_82 : memref<112x128xf32, #tpu.memory_space<vmem>>) dst(%dma_wait3A_79 : memref<112x128xf32, #tpu.memory_space<hbm>>)
      tpu.yield
    }) : () -> ()
    %eq3A_55 = arith.constant 15 : i32
    %eq3A_56 = arith.cmpi eq, %arg1, %eq3A_55 : i32
    %convert_element_type3A_57 = arith.extui %eq3A_56 : i1 to i32
    %cond3A_58 = arith.constant 0 : i32
    %cond3A_59 = arith.cmpi ne, %convert_element_type3A_57, %cond3A_58 : i32
    scf.if %cond3A_59 {
      "tpu.region"() ({
        %run_scoped3A = tpu.sem_alloc : memref<!tpu.dma_semaphore, #tpu.memory_space<semaphore_mem>>
        %dma_start3A = arith.constant 0 : i32
        %dma_start3A_60 = arith.constant 0 : i32
        %dma_start3A_61 = tpu.memref_slice %arg7[%dma_start3A, %dma_start3A_60] : memref<128x128xf32, #tpu.memory_space<vmem>> -> memref<16x128xf32, #tpu.memory_space<vmem>>
        %dma_start3A_62 = arith.constant 9984 : i32
        %dma_start3A_63 = arith.constant 0 : i32
        %dma_start3A_64 = tpu.memref_slice %arg6[%dma_start3A_62, %dma_start3A_63] : memref<10000x128xf32, #tpu.memory_space<vmem_shared>> -> memref<16x128xf32, #tpu.memory_space<vmem_shared>>
        %dma_start3A_65 = arith.constant 0 : i32
        %dma_start3A_66 = arith.constant 0 : i32
        %dma_start3A_67 = tpu.memref_slice %arg7[%dma_start3A_65, %dma_start3A_66] : memref<128x128xf32, #tpu.memory_space<vmem>> -> memref<16x128xf32, #tpu.memory_space<vmem>>
        %dma_start3A_68 = arith.constant 9984 : i32
        %dma_start3A_69 = arith.constant 0 : i32
        %dma_start3A_70 = tpu.memref_slice %arg6[%dma_start3A_68, %dma_start3A_69] : memref<10000x128xf32, #tpu.memory_space<vmem_shared>> -> memref<16x128xf32, #tpu.memory_space<vmem_shared>>
        tpu.enqueue_dma source(%dma_start3A_70 : memref<16x128xf32, #tpu.memory_space<vmem_shared>>) target(%dma_start3A_67 : memref<16x128xf32, #tpu.memory_space<vmem>>) target_semaphore(%run_scoped3A : memref<!tpu.dma_semaphore, #tpu.memory_space<semaphore_mem>>)
        %dma_wait3A_71 = arith.constant 0 : i32
        %dma_wait3A_72 = arith.constant 0 : i32
        %dma_wait3A_73 = tpu.memref_slice %arg7[%dma_wait3A_71, %dma_wait3A_72] : memref<128x128xf32, #tpu.memory_space<vmem>> -> memref<16x128xf32, #tpu.memory_space<vmem>>
        %dma_wait3A_74 = arith.constant 9984 : i32
        %dma_wait3A_75 = arith.constant 0 : i32
        %dma_wait3A_76 = tpu.memref_slice %arg6[%dma_wait3A_74, %dma_wait3A_75] : memref<10000x128xf32, #tpu.memory_space<vmem_shared>> -> memref<16x128xf32, #tpu.memory_space<vmem_shared>>
        %dma_wait3A_77 = arith.constant 0 : i32
        %dma_wait3A_78 = arith.constant 0 : i32
        %dma_wait3A_79 = tpu.memref_slice %arg7[%dma_wait3A_77, %dma_wait3A_78] : memref<128x128xf32, #tpu.memory_space<vmem>> -> memref<16x128xf32, #tpu.memory_space<vmem>>
        %dma_wait3A_80 = arith.constant 9984 : i32
        %dma_wait3A_81 = arith.constant 0 : i32
        %dma_wait3A_82 = tpu.memref_slice %arg6[%dma_wait3A_80, %dma_wait3A_81] : memref<10000x128xf32, #tpu.memory_space<vmem_shared>> -> memref<16x128xf32, #tpu.memory_space<vmem_shared>>
        tpu.wait_dma2 semaphore(%run_scoped3A : memref<!tpu.dma_semaphore, #tpu.memory_space<semaphore_mem>>) src(%dma_wait3A_82 : memref<16x128xf32, #tpu.memory_space<vmem_shared>>) dst(%dma_wait3A_79 : memref<16x128xf32, #tpu.memory_space<vmem>>)
        tpu.yield
      }) : () -> ()
      "tpu.region"() ({
        %run_scoped3A = tpu.sem_alloc : memref<!tpu.dma_semaphore, #tpu.memory_space<semaphore_mem>>
        %dma_start3A = arith.constant 0 : i32
        %dma_start3A_60 = arith.constant 0 : i32
        %dma_start3A_61 = tpu.memref_slice %arg7[%dma_start3A, %dma_start3A_60] : memref<128x128xf32, #tpu.memory_space<vmem>> -> memref<16x128xf32, #tpu.memory_space<vmem>>
        %dma_start3A_62 = arith.constant 9984 : i32
        %dma_start3A_63 = arith.constant 0 : i32
        %dma_start3A_64 = tpu.memref_slice %arg5[%arg0, %dma_start3A_62, %dma_start3A_63] : memref<2x10000x128xf32, #tpu.memory_space<hbm>> -> memref<1x16x128xf32, #tpu.memory_space<hbm>>
        %dma_start3A_65 = tpu.memref_squeeze %dma_start3A_64 : memref<1x16x128xf32, #tpu.memory_space<hbm>> -> memref<16x128xf32, #tpu.memory_space<hbm>>
        %dma_start3A_66 = arith.constant 9984 : i32
        %dma_start3A_67 = arith.constant 0 : i32
        %dma_start3A_68 = tpu.memref_slice %arg5[%arg0, %dma_start3A_66, %dma_start3A_67] : memref<2x10000x128xf32, #tpu.memory_space<hbm>> -> memref<1x16x128xf32, #tpu.memory_space<hbm>>
        %dma_start3A_69 = tpu.memref_squeeze %dma_start3A_68 : memref<1x16x128xf32, #tpu.memory_space<hbm>> -> memref<16x128xf32, #tpu.memory_space<hbm>>
        %dma_start3A_70 = arith.constant 0 : i32
        %dma_start3A_71 = arith.constant 0 : i32
        %dma_start3A_72 = tpu.memref_slice %arg7[%dma_start3A_70, %dma_start3A_71] : memref<128x128xf32, #tpu.memory_space<vmem>> -> memref<16x128xf32, #tpu.memory_space<vmem>>
        tpu.enqueue_dma source(%dma_start3A_72 : memref<16x128xf32, #tpu.memory_space<vmem>>) target(%dma_start3A_69 : memref<16x128xf32, #tpu.memory_space<hbm>>) target_semaphore(%run_scoped3A : memref<!tpu.dma_semaphore, #tpu.memory_space<semaphore_mem>>)
        %dma_wait3A_73 = arith.constant 0 : i32
        %dma_wait3A_74 = arith.constant 0 : i32
        %dma_wait3A_75 = tpu.memref_slice %arg7[%dma_wait3A_73, %dma_wait3A_74] : memref<128x128xf32, #tpu.memory_space<vmem>> -> memref<16x128xf32, #tpu.memory_space<vmem>>
        %dma_wait3A_76 = arith.constant 9984 : i32
        %dma_wait3A_77 = arith.constant 0 : i32
        %dma_wait3A_78 = tpu.memref_slice %arg5[%arg0, %dma_wait3A_76, %dma_wait3A_77] : memref<2x10000x128xf32, #tpu.memory_space<hbm>> -> memref<1x16x128xf32, #tpu.memory_space<hbm>>
        %dma_wait3A_79 = tpu.memref_squeeze %dma_wait3A_78 : memref<1x16x128xf32, #tpu.memory_space<hbm>> -> memref<16x128xf32, #tpu.memory_space<hbm>>
        %dma_wait3A_80 = arith.constant 9984 : i32
        %dma_wait3A_81 = arith.constant 0 : i32
        %dma_wait3A_82 = tpu.memref_slice %arg5[%arg0, %dma_wait3A_80, %dma_wait3A_81] : memref<2x10000x128xf32, #tpu.memory_space<hbm>> -> memref<1x16x128xf32, #tpu.memory_space<hbm>>
        %dma_wait3A_83 = tpu.memref_squeeze %dma_wait3A_82 : memref<1x16x128xf32, #tpu.memory_space<hbm>> -> memref<16x128xf32, #tpu.memory_space<hbm>>
        %dma_wait3A_84 = arith.constant 0 : i32
        %dma_wait3A_85 = arith.constant 0 : i32
        %dma_wait3A_86 = tpu.memref_slice %arg7[%dma_wait3A_84, %dma_wait3A_85] : memref<128x128xf32, #tpu.memory_space<vmem>> -> memref<16x128xf32, #tpu.memory_space<vmem>>
        tpu.wait_dma2 semaphore(%run_scoped3A : memref<!tpu.dma_semaphore, #tpu.memory_space<semaphore_mem>>) src(%dma_wait3A_86 : memref<16x128xf32, #tpu.memory_space<vmem>>) dst(%dma_wait3A_83 : memref<16x128xf32, #tpu.memory_space<hbm>>)
        tpu.yield
      }) : () -> ()
    } else {
    }
    return
  }
}

#map = affine_map<(d0, d1) -> (0, 0, 0)>
#map1 = affine_map<(d0, d1) -> (0, 0)>
module attributes {stable_mosaic.version = 14 : i64} {
  func.func @_values_body(%arg0: i32, %arg1: i32, %arg2: memref<2500x128x128xf32, #tpu.memory_space<hbm>>, %arg3: memref<2500x1x128xi32, #tpu.memory_space<hbm>>, %arg4: memref<128x128xf32, #tpu.memory_space<hbm>>, %arg5: memref<2x10000x128xf32, #tpu.memory_space<hbm>>, %arg6: memref<10000x128xf32, #tpu.memory_space<vmem_shared>>, %arg7: memref<128x128xf32, #tpu.memory_space<vmem>>, %arg8: memref<128x128xf32, #tpu.memory_space<vmem>>, %arg9: memref<128xi32, #tpu.memory_space<vmem>>, %arg10: memref<128xi32, #tpu.memory_space<vmem>>, %arg11: memref<!tpu.dma_semaphore, #tpu.memory_space<semaphore_mem>>, %arg12: memref<!tpu.dma_semaphore, #tpu.memory_space<semaphore_mem>>) attributes {dimension_semantics = [#tpu.dimension_semantics<core_parallel>, #tpu.dimension_semantics<subcore_parallel>], iteration_bounds = array<i64: 2, 16>, scalar_prefetch = 0 : i64, scratch_operands = 7 : i64, tpu.core_type = #tpu.core_type<sc_vector_subcore>, window_params = [{transform_indices = #map}, {transform_indices = #map}, {transform_indices = #map1}, {transform_indices = #map}]} {
    %mul3A = arith.constant 2 : i32
    %mul3A_0 = arith.muli %arg1, %mul3A : i32
    %add3A = arith.addi %mul3A_0, %arg0 : i32
    "tpu.region"() ({
      %run_scoped3A = tpu.sem_alloc : memref<!tpu.dma_semaphore, #tpu.memory_space<semaphore_mem>>
      tpu.enqueue_dma source(%arg4 : memref<128x128xf32, #tpu.memory_space<hbm>>) target(%arg7 : memref<128x128xf32, #tpu.memory_space<vmem>>) target_semaphore(%run_scoped3A : memref<!tpu.dma_semaphore, #tpu.memory_space<semaphore_mem>>)
      tpu.wait_dma2 semaphore(%run_scoped3A : memref<!tpu.dma_semaphore, #tpu.memory_space<semaphore_mem>>) src(%arg4 : memref<128x128xf32, #tpu.memory_space<hbm>>) dst(%arg7 : memref<128x128xf32, #tpu.memory_space<vmem>>)
      tpu.yield
    }) : () -> ()
    %mul3A_1 = arith.constant 624 : i32
    %mul3A_2 = arith.muli %arg1, %mul3A_1 : i32
    %add3A_3 = arith.constant 0 : i32
    %add3A_4 = arith.addi %mul3A_2, %add3A_3 : i32
    %add3A_5 = arith.constant 128 : i32
    %add3A_6 = arith.addi %mul3A_2, %add3A_5 : i32
    %add3A_7 = arith.constant 256 : i32
    %add3A_8 = arith.addi %mul3A_2, %add3A_7 : i32
    %add3A_9 = arith.constant 384 : i32
    %add3A_10 = arith.addi %mul3A_2, %add3A_9 : i32
    %add3A_11 = arith.constant 512 : i32
    %add3A_12 = arith.addi %mul3A_2, %add3A_11 : i32
    "tpu.region"() ({
      %run_scoped3A = tpu.sem_alloc : memref<!tpu.dma_semaphore, #tpu.memory_space<semaphore_mem>>
      %dma_start3A = arith.constant 0 : i32
      %dma_start3A_64 = arith.constant 0 : i32
      %dma_start3A_65 = tpu.memref_slice %arg7[%dma_start3A, %dma_start3A_64] : memref<128x128xf32, #tpu.memory_space<vmem>> -> memref<128x128xf32, #tpu.memory_space<vmem>>
      %dma_start3A_66 = arith.constant 0 : i32
      %dma_start3A_67 = tpu.memref_slice %arg6[%add3A_4, %dma_start3A_66] : memref<10000x128xf32, #tpu.memory_space<vmem_shared>> -> memref<128x128xf32, #tpu.memory_space<vmem_shared>>
      %dma_start3A_68 = arith.constant 0 : i32
      %dma_start3A_69 = tpu.memref_slice %arg6[%add3A_4, %dma_start3A_68] : memref<10000x128xf32, #tpu.memory_space<vmem_shared>> -> memref<128x128xf32, #tpu.memory_space<vmem_shared>>
      %dma_start3A_70 = arith.constant 0 : i32
      %dma_start3A_71 = arith.constant 0 : i32
      %dma_start3A_72 = tpu.memref_slice %arg7[%dma_start3A_70, %dma_start3A_71] : memref<128x128xf32, #tpu.memory_space<vmem>> -> memref<128x128xf32, #tpu.memory_space<vmem>>
      tpu.enqueue_dma source(%dma_start3A_72 : memref<128x128xf32, #tpu.memory_space<vmem>>) target(%dma_start3A_69 : memref<128x128xf32, #tpu.memory_space<vmem_shared>>) target_semaphore(%run_scoped3A : memref<!tpu.dma_semaphore, #tpu.memory_space<semaphore_mem>>)
      %dma_wait3A_73 = arith.constant 0 : i32
      %dma_wait3A_74 = arith.constant 0 : i32
      %dma_wait3A_75 = tpu.memref_slice %arg7[%dma_wait3A_73, %dma_wait3A_74] : memref<128x128xf32, #tpu.memory_space<vmem>> -> memref<128x128xf32, #tpu.memory_space<vmem>>
      %dma_wait3A_76 = arith.constant 0 : i32
      %dma_wait3A_77 = tpu.memref_slice %arg6[%add3A_4, %dma_wait3A_76] : memref<10000x128xf32, #tpu.memory_space<vmem_shared>> -> memref<128x128xf32, #tpu.memory_space<vmem_shared>>
      %dma_wait3A_78 = arith.constant 0 : i32
      %dma_wait3A_79 = tpu.memref_slice %arg6[%add3A_4, %dma_wait3A_78] : memref<10000x128xf32, #tpu.memory_space<vmem_shared>> -> memref<128x128xf32, #tpu.memory_space<vmem_shared>>
      %dma_wait3A_80 = arith.constant 0 : i32
      %dma_wait3A_81 = arith.constant 0 : i32
      %dma_wait3A_82 = tpu.memref_slice %arg7[%dma_wait3A_80, %dma_wait3A_81] : memref<128x128xf32, #tpu.memory_space<vmem>> -> memref<128x128xf32, #tpu.memory_space<vmem>>
      tpu.wait_dma2 semaphore(%run_scoped3A : memref<!tpu.dma_semaphore, #tpu.memory_space<semaphore_mem>>) src(%dma_wait3A_82 : memref<128x128xf32, #tpu.memory_space<vmem>>) dst(%dma_wait3A_79 : memref<128x128xf32, #tpu.memory_space<vmem_shared>>)
      tpu.yield
    }) : () -> ()
    "tpu.region"() ({
      %run_scoped3A = tpu.sem_alloc : memref<!tpu.dma_semaphore, #tpu.memory_space<semaphore_mem>>
      %dma_start3A = arith.constant 0 : i32
      %dma_start3A_64 = arith.constant 0 : i32
      %dma_start3A_65 = tpu.memref_slice %arg7[%dma_start3A, %dma_start3A_64] : memref<128x128xf32, #tpu.memory_space<vmem>> -> memref<128x128xf32, #tpu.memory_space<vmem>>
      %dma_start3A_66 = arith.constant 0 : i32
      %dma_start3A_67 = tpu.memref_slice %arg6[%add3A_6, %dma_start3A_66] : memref<10000x128xf32, #tpu.memory_space<vmem_shared>> -> memref<128x128xf32, #tpu.memory_space<vmem_shared>>
      %dma_start3A_68 = arith.constant 0 : i32
      %dma_start3A_69 = tpu.memref_slice %arg6[%add3A_6, %dma_start3A_68] : memref<10000x128xf32, #tpu.memory_space<vmem_shared>> -> memref<128x128xf32, #tpu.memory_space<vmem_shared>>
      %dma_start3A_70 = arith.constant 0 : i32
      %dma_start3A_71 = arith.constant 0 : i32
      %dma_start3A_72 = tpu.memref_slice %arg7[%dma_start3A_70, %dma_start3A_71] : memref<128x128xf32, #tpu.memory_space<vmem>> -> memref<128x128xf32, #tpu.memory_space<vmem>>
      tpu.enqueue_dma source(%dma_start3A_72 : memref<128x128xf32, #tpu.memory_space<vmem>>) target(%dma_start3A_69 : memref<128x128xf32, #tpu.memory_space<vmem_shared>>) target_semaphore(%run_scoped3A : memref<!tpu.dma_semaphore, #tpu.memory_space<semaphore_mem>>)
      %dma_wait3A_73 = arith.constant 0 : i32
      %dma_wait3A_74 = arith.constant 0 : i32
      %dma_wait3A_75 = tpu.memref_slice %arg7[%dma_wait3A_73, %dma_wait3A_74] : memref<128x128xf32, #tpu.memory_space<vmem>> -> memref<128x128xf32, #tpu.memory_space<vmem>>
      %dma_wait3A_76 = arith.constant 0 : i32
      %dma_wait3A_77 = tpu.memref_slice %arg6[%add3A_6, %dma_wait3A_76] : memref<10000x128xf32, #tpu.memory_space<vmem_shared>> -> memref<128x128xf32, #tpu.memory_space<vmem_shared>>
      %dma_wait3A_78 = arith.constant 0 : i32
      %dma_wait3A_79 = tpu.memref_slice %arg6[%add3A_6, %dma_wait3A_78] : memref<10000x128xf32, #tpu.memory_space<vmem_shared>> -> memref<128x128xf32, #tpu.memory_space<vmem_shared>>
      %dma_wait3A_80 = arith.constant 0 : i32
      %dma_wait3A_81 = arith.constant 0 : i32
      %dma_wait3A_82 = tpu.memref_slice %arg7[%dma_wait3A_80, %dma_wait3A_81] : memref<128x128xf32, #tpu.memory_space<vmem>> -> memref<128x128xf32, #tpu.memory_space<vmem>>
      tpu.wait_dma2 semaphore(%run_scoped3A : memref<!tpu.dma_semaphore, #tpu.memory_space<semaphore_mem>>) src(%dma_wait3A_82 : memref<128x128xf32, #tpu.memory_space<vmem>>) dst(%dma_wait3A_79 : memref<128x128xf32, #tpu.memory_space<vmem_shared>>)
      tpu.yield
    }) : () -> ()
    "tpu.region"() ({
      %run_scoped3A = tpu.sem_alloc : memref<!tpu.dma_semaphore, #tpu.memory_space<semaphore_mem>>
      %dma_start3A = arith.constant 0 : i32
      %dma_start3A_64 = arith.constant 0 : i32
      %dma_start3A_65 = tpu.memref_slice %arg7[%dma_start3A, %dma_start3A_64] : memref<128x128xf32, #tpu.memory_space<vmem>> -> memref<128x128xf32, #tpu.memory_space<vmem>>
      %dma_start3A_66 = arith.constant 0 : i32
      %dma_start3A_67 = tpu.memref_slice %arg6[%add3A_8, %dma_start3A_66] : memref<10000x128xf32, #tpu.memory_space<vmem_shared>> -> memref<128x128xf32, #tpu.memory_space<vmem_shared>>
      %dma_start3A_68 = arith.constant 0 : i32
      %dma_start3A_69 = tpu.memref_slice %arg6[%add3A_8, %dma_start3A_68] : memref<10000x128xf32, #tpu.memory_space<vmem_shared>> -> memref<128x128xf32, #tpu.memory_space<vmem_shared>>
      %dma_start3A_70 = arith.constant 0 : i32
      %dma_start3A_71 = arith.constant 0 : i32
      %dma_start3A_72 = tpu.memref_slice %arg7[%dma_start3A_70, %dma_start3A_71] : memref<128x128xf32, #tpu.memory_space<vmem>> -> memref<128x128xf32, #tpu.memory_space<vmem>>
      tpu.enqueue_dma source(%dma_start3A_72 : memref<128x128xf32, #tpu.memory_space<vmem>>) target(%dma_start3A_69 : memref<128x128xf32, #tpu.memory_space<vmem_shared>>) target_semaphore(%run_scoped3A : memref<!tpu.dma_semaphore, #tpu.memory_space<semaphore_mem>>)
      %dma_wait3A_73 = arith.constant 0 : i32
      %dma_wait3A_74 = arith.constant 0 : i32
      %dma_wait3A_75 = tpu.memref_slice %arg7[%dma_wait3A_73, %dma_wait3A_74] : memref<128x128xf32, #tpu.memory_space<vmem>> -> memref<128x128xf32, #tpu.memory_space<vmem>>
      %dma_wait3A_76 = arith.constant 0 : i32
      %dma_wait3A_77 = tpu.memref_slice %arg6[%add3A_8, %dma_wait3A_76] : memref<10000x128xf32, #tpu.memory_space<vmem_shared>> -> memref<128x128xf32, #tpu.memory_space<vmem_shared>>
      %dma_wait3A_78 = arith.constant 0 : i32
      %dma_wait3A_79 = tpu.memref_slice %arg6[%add3A_8, %dma_wait3A_78] : memref<10000x128xf32, #tpu.memory_space<vmem_shared>> -> memref<128x128xf32, #tpu.memory_space<vmem_shared>>
      %dma_wait3A_80 = arith.constant 0 : i32
      %dma_wait3A_81 = arith.constant 0 : i32
      %dma_wait3A_82 = tpu.memref_slice %arg7[%dma_wait3A_80, %dma_wait3A_81] : memref<128x128xf32, #tpu.memory_space<vmem>> -> memref<128x128xf32, #tpu.memory_space<vmem>>
      tpu.wait_dma2 semaphore(%run_scoped3A : memref<!tpu.dma_semaphore, #tpu.memory_space<semaphore_mem>>) src(%dma_wait3A_82 : memref<128x128xf32, #tpu.memory_space<vmem>>) dst(%dma_wait3A_79 : memref<128x128xf32, #tpu.memory_space<vmem_shared>>)
      tpu.yield
    }) : () -> ()
    "tpu.region"() ({
      %run_scoped3A = tpu.sem_alloc : memref<!tpu.dma_semaphore, #tpu.memory_space<semaphore_mem>>
      %dma_start3A = arith.constant 0 : i32
      %dma_start3A_64 = arith.constant 0 : i32
      %dma_start3A_65 = tpu.memref_slice %arg7[%dma_start3A, %dma_start3A_64] : memref<128x128xf32, #tpu.memory_space<vmem>> -> memref<128x128xf32, #tpu.memory_space<vmem>>
      %dma_start3A_66 = arith.constant 0 : i32
      %dma_start3A_67 = tpu.memref_slice %arg6[%add3A_10, %dma_start3A_66] : memref<10000x128xf32, #tpu.memory_space<vmem_shared>> -> memref<128x128xf32, #tpu.memory_space<vmem_shared>>
      %dma_start3A_68 = arith.constant 0 : i32
      %dma_start3A_69 = tpu.memref_slice %arg6[%add3A_10, %dma_start3A_68] : memref<10000x128xf32, #tpu.memory_space<vmem_shared>> -> memref<128x128xf32, #tpu.memory_space<vmem_shared>>
      %dma_start3A_70 = arith.constant 0 : i32
      %dma_start3A_71 = arith.constant 0 : i32
      %dma_start3A_72 = tpu.memref_slice %arg7[%dma_start3A_70, %dma_start3A_71] : memref<128x128xf32, #tpu.memory_space<vmem>> -> memref<128x128xf32, #tpu.memory_space<vmem>>
      tpu.enqueue_dma source(%dma_start3A_72 : memref<128x128xf32, #tpu.memory_space<vmem>>) target(%dma_start3A_69 : memref<128x128xf32, #tpu.memory_space<vmem_shared>>) target_semaphore(%run_scoped3A : memref<!tpu.dma_semaphore, #tpu.memory_space<semaphore_mem>>)
      %dma_wait3A_73 = arith.constant 0 : i32
      %dma_wait3A_74 = arith.constant 0 : i32
      %dma_wait3A_75 = tpu.memref_slice %arg7[%dma_wait3A_73, %dma_wait3A_74] : memref<128x128xf32, #tpu.memory_space<vmem>> -> memref<128x128xf32, #tpu.memory_space<vmem>>
      %dma_wait3A_76 = arith.constant 0 : i32
      %dma_wait3A_77 = tpu.memref_slice %arg6[%add3A_10, %dma_wait3A_76] : memref<10000x128xf32, #tpu.memory_space<vmem_shared>> -> memref<128x128xf32, #tpu.memory_space<vmem_shared>>
      %dma_wait3A_78 = arith.constant 0 : i32
      %dma_wait3A_79 = tpu.memref_slice %arg6[%add3A_10, %dma_wait3A_78] : memref<10000x128xf32, #tpu.memory_space<vmem_shared>> -> memref<128x128xf32, #tpu.memory_space<vmem_shared>>
      %dma_wait3A_80 = arith.constant 0 : i32
      %dma_wait3A_81 = arith.constant 0 : i32
      %dma_wait3A_82 = tpu.memref_slice %arg7[%dma_wait3A_80, %dma_wait3A_81] : memref<128x128xf32, #tpu.memory_space<vmem>> -> memref<128x128xf32, #tpu.memory_space<vmem>>
      tpu.wait_dma2 semaphore(%run_scoped3A : memref<!tpu.dma_semaphore, #tpu.memory_space<semaphore_mem>>) src(%dma_wait3A_82 : memref<128x128xf32, #tpu.memory_space<vmem>>) dst(%dma_wait3A_79 : memref<128x128xf32, #tpu.memory_space<vmem_shared>>)
      tpu.yield
    }) : () -> ()
    "tpu.region"() ({
      %run_scoped3A = tpu.sem_alloc : memref<!tpu.dma_semaphore, #tpu.memory_space<semaphore_mem>>
      %dma_start3A = arith.constant 0 : i32
      %dma_start3A_64 = arith.constant 0 : i32
      %dma_start3A_65 = tpu.memref_slice %arg7[%dma_start3A, %dma_start3A_64] : memref<128x128xf32, #tpu.memory_space<vmem>> -> memref<112x128xf32, #tpu.memory_space<vmem>>
      %dma_start3A_66 = arith.constant 0 : i32
      %dma_start3A_67 = tpu.memref_slice %arg6[%add3A_12, %dma_start3A_66] : memref<10000x128xf32, #tpu.memory_space<vmem_shared>> -> memref<112x128xf32, #tpu.memory_space<vmem_shared>>
      %dma_start3A_68 = arith.constant 0 : i32
      %dma_start3A_69 = tpu.memref_slice %arg6[%add3A_12, %dma_start3A_68] : memref<10000x128xf32, #tpu.memory_space<vmem_shared>> -> memref<112x128xf32, #tpu.memory_space<vmem_shared>>
      %dma_start3A_70 = arith.constant 0 : i32
      %dma_start3A_71 = arith.constant 0 : i32
      %dma_start3A_72 = tpu.memref_slice %arg7[%dma_start3A_70, %dma_start3A_71] : memref<128x128xf32, #tpu.memory_space<vmem>> -> memref<112x128xf32, #tpu.memory_space<vmem>>
      tpu.enqueue_dma source(%dma_start3A_72 : memref<112x128xf32, #tpu.memory_space<vmem>>) target(%dma_start3A_69 : memref<112x128xf32, #tpu.memory_space<vmem_shared>>) target_semaphore(%run_scoped3A : memref<!tpu.dma_semaphore, #tpu.memory_space<semaphore_mem>>)
      %dma_wait3A_73 = arith.constant 0 : i32
      %dma_wait3A_74 = arith.constant 0 : i32
      %dma_wait3A_75 = tpu.memref_slice %arg7[%dma_wait3A_73, %dma_wait3A_74] : memref<128x128xf32, #tpu.memory_space<vmem>> -> memref<112x128xf32, #tpu.memory_space<vmem>>
      %dma_wait3A_76 = arith.constant 0 : i32
      %dma_wait3A_77 = tpu.memref_slice %arg6[%add3A_12, %dma_wait3A_76] : memref<10000x128xf32, #tpu.memory_space<vmem_shared>> -> memref<112x128xf32, #tpu.memory_space<vmem_shared>>
      %dma_wait3A_78 = arith.constant 0 : i32
      %dma_wait3A_79 = tpu.memref_slice %arg6[%add3A_12, %dma_wait3A_78] : memref<10000x128xf32, #tpu.memory_space<vmem_shared>> -> memref<112x128xf32, #tpu.memory_space<vmem_shared>>
      %dma_wait3A_80 = arith.constant 0 : i32
      %dma_wait3A_81 = arith.constant 0 : i32
      %dma_wait3A_82 = tpu.memref_slice %arg7[%dma_wait3A_80, %dma_wait3A_81] : memref<128x128xf32, #tpu.memory_space<vmem>> -> memref<112x128xf32, #tpu.memory_space<vmem>>
      tpu.wait_dma2 semaphore(%run_scoped3A : memref<!tpu.dma_semaphore, #tpu.memory_space<semaphore_mem>>) src(%dma_wait3A_82 : memref<112x128xf32, #tpu.memory_space<vmem>>) dst(%dma_wait3A_79 : memref<112x128xf32, #tpu.memory_space<vmem_shared>>)
      tpu.yield
    }) : () -> ()
    %eq3A = arith.constant 15 : i32
    %eq3A_13 = arith.cmpi eq, %arg1, %eq3A : i32
    %convert_element_type3A = arith.extui %eq3A_13 : i1 to i32
    %cond3A = arith.constant 0 : i32
    %cond3A_14 = arith.cmpi ne, %convert_element_type3A, %cond3A : i32
    scf.if %cond3A_14 {
      "tpu.region"() ({
        %run_scoped3A = tpu.sem_alloc : memref<!tpu.dma_semaphore, #tpu.memory_space<semaphore_mem>>
        %dma_start3A = arith.constant 0 : i32
        %dma_start3A_64 = arith.constant 0 : i32
        %dma_start3A_65 = tpu.memref_slice %arg7[%dma_start3A, %dma_start3A_64] : memref<128x128xf32, #tpu.memory_space<vmem>> -> memref<16x128xf32, #tpu.memory_space<vmem>>
        %dma_start3A_66 = arith.constant 9984 : i32
        %dma_start3A_67 = arith.constant 0 : i32
        %dma_start3A_68 = tpu.memref_slice %arg6[%dma_start3A_66, %dma_start3A_67] : memref<10000x128xf32, #tpu.memory_space<vmem_shared>> -> memref<16x128xf32, #tpu.memory_space<vmem_shared>>
        %dma_start3A_69 = arith.constant 9984 : i32
        %dma_start3A_70 = arith.constant 0 : i32
        %dma_start3A_71 = tpu.memref_slice %arg6[%dma_start3A_69, %dma_start3A_70] : memref<10000x128xf32, #tpu.memory_space<vmem_shared>> -> memref<16x128xf32, #tpu.memory_space<vmem_shared>>
        %dma_start3A_72 = arith.constant 0 : i32
        %dma_start3A_73 = arith.constant 0 : i32
        %dma_start3A_74 = tpu.memref_slice %arg7[%dma_start3A_72, %dma_start3A_73] : memref<128x128xf32, #tpu.memory_space<vmem>> -> memref<16x128xf32, #tpu.memory_space<vmem>>
        tpu.enqueue_dma source(%dma_start3A_74 : memref<16x128xf32, #tpu.memory_space<vmem>>) target(%dma_start3A_71 : memref<16x128xf32, #tpu.memory_space<vmem_shared>>) target_semaphore(%run_scoped3A : memref<!tpu.dma_semaphore, #tpu.memory_space<semaphore_mem>>)
        %dma_wait3A_75 = arith.constant 0 : i32
        %dma_wait3A_76 = arith.constant 0 : i32
        %dma_wait3A_77 = tpu.memref_slice %arg7[%dma_wait3A_75, %dma_wait3A_76] : memref<128x128xf32, #tpu.memory_space<vmem>> -> memref<16x128xf32, #tpu.memory_space<vmem>>
        %dma_wait3A_78 = arith.constant 9984 : i32
        %dma_wait3A_79 = arith.constant 0 : i32
        %dma_wait3A_80 = tpu.memref_slice %arg6[%dma_wait3A_78, %dma_wait3A_79] : memref<10000x128xf32, #tpu.memory_space<vmem_shared>> -> memref<16x128xf32, #tpu.memory_space<vmem_shared>>
        %dma_wait3A_81 = arith.constant 9984 : i32
        %dma_wait3A_82 = arith.constant 0 : i32
        %dma_wait3A_83 = tpu.memref_slice %arg6[%dma_wait3A_81, %dma_wait3A_82] : memref<10000x128xf32, #tpu.memory_space<vmem_shared>> -> memref<16x128xf32, #tpu.memory_space<vmem_shared>>
        %dma_wait3A_84 = arith.constant 0 : i32
        %dma_wait3A_85 = arith.constant 0 : i32
        %dma_wait3A_86 = tpu.memref_slice %arg7[%dma_wait3A_84, %dma_wait3A_85] : memref<128x128xf32, #tpu.memory_space<vmem>> -> memref<16x128xf32, #tpu.memory_space<vmem>>
        tpu.wait_dma2 semaphore(%run_scoped3A : memref<!tpu.dma_semaphore, #tpu.memory_space<semaphore_mem>>) src(%dma_wait3A_86 : memref<16x128xf32, #tpu.memory_space<vmem>>) dst(%dma_wait3A_83 : memref<16x128xf32, #tpu.memory_space<vmem_shared>>)
        tpu.yield
      }) : () -> ()
    } else {
    }
    %barrier3A = arith.constant 0 : index
    tpu.barrier barrier_id(%barrier3A)
    %add3A_15 = arith.constant 0 : i32
    %add3A_16 = arith.addi %add3A, %add3A_15 : i32
    %lt3A = arith.constant 2500 : i32
    %lt3A_17 = arith.cmpi slt, %add3A_16, %lt3A : i32
    %convert_element_type3A_18 = arith.extui %lt3A_17 : i1 to i32
    %cond3A_19 = arith.constant 0 : i32
    %cond3A_20 = arith.cmpi ne, %convert_element_type3A_18, %cond3A_19 : i32
    scf.if %cond3A_20 {
      %dma_start3A = arith.constant 0 : i32
      %dma_start3A_64 = arith.constant 0 : i32
      %dma_start3A_65 = tpu.memref_slice %arg2[%add3A_16, %dma_start3A, %dma_start3A_64] : memref<2500x128x128xf32, #tpu.memory_space<hbm>> -> memref<1x128x128xf32, #tpu.memory_space<hbm>>
      %dma_start3A_66 = tpu.memref_squeeze %dma_start3A_65 : memref<1x128x128xf32, #tpu.memory_space<hbm>> -> memref<128x128xf32, #tpu.memory_space<hbm>>
      %dma_start3A_67 = arith.constant 0 : i32
      %dma_start3A_68 = arith.constant 0 : i32
      %dma_start3A_69 = tpu.memref_slice %arg2[%add3A_16, %dma_start3A_67, %dma_start3A_68] : memref<2500x128x128xf32, #tpu.memory_space<hbm>> -> memref<1x128x128xf32, #tpu.memory_space<hbm>>
      %dma_start3A_70 = tpu.memref_squeeze %dma_start3A_69 : memref<1x128x128xf32, #tpu.memory_space<hbm>> -> memref<128x128xf32, #tpu.memory_space<hbm>>
      tpu.enqueue_dma source(%dma_start3A_70 : memref<128x128xf32, #tpu.memory_space<hbm>>) target(%arg7 : memref<128x128xf32, #tpu.memory_space<vmem>>) target_semaphore(%arg11 : memref<!tpu.dma_semaphore, #tpu.memory_space<semaphore_mem>>)
      %dma_start3A_71 = arith.constant 0 : i32
      %dma_start3A_72 = arith.constant 0 : i32
      %dma_start3A_73 = tpu.memref_slice %arg3[%add3A_16, %dma_start3A_71, %dma_start3A_72] : memref<2500x1x128xi32, #tpu.memory_space<hbm>> -> memref<1x1x128xi32, #tpu.memory_space<hbm>>
      %dma_start3A_74 = tpu.memref_squeeze %dma_start3A_73 : memref<1x1x128xi32, #tpu.memory_space<hbm>> -> memref<128xi32, #tpu.memory_space<hbm>>
      %dma_start3A_75 = arith.constant 0 : i32
      %dma_start3A_76 = tpu.memref_slice %arg3[%add3A_16, %dma_start3A_71, %dma_start3A_75] : memref<2500x1x128xi32, #tpu.memory_space<hbm>> -> memref<1x1x128xi32, #tpu.memory_space<hbm>>
      %dma_start3A_77 = tpu.memref_squeeze %dma_start3A_76 : memref<1x1x128xi32, #tpu.memory_space<hbm>> -> memref<128xi32, #tpu.memory_space<hbm>>
      tpu.enqueue_dma source(%dma_start3A_77 : memref<128xi32, #tpu.memory_space<hbm>>) target(%arg9 : memref<128xi32, #tpu.memory_space<vmem>>) target_semaphore(%arg11 : memref<!tpu.dma_semaphore, #tpu.memory_space<semaphore_mem>>)
    } else {
    }
    %ge3A = arith.constant 2500 : i32
    %ge3A_21 = arith.cmpi sge, %add3A_16, %ge3A : i32
    %convert_element_type3A_22 = arith.extui %ge3A_21 : i1 to i32
    %cond3A_23 = arith.constant 0 : i32
    %cond3A_24 = arith.cmpi ne, %convert_element_type3A_22, %cond3A_23 : i32
    scf.if %cond3A_24 {
      tpu.enqueue_dma source(%arg4 : memref<128x128xf32, #tpu.memory_space<hbm>>) target(%arg7 : memref<128x128xf32, #tpu.memory_space<vmem>>) target_semaphore(%arg11 : memref<!tpu.dma_semaphore, #tpu.memory_space<semaphore_mem>>)
      %dma_start3A = arith.constant 0 : i32
      %dma_start3A_64 = arith.constant 0 : i32
      %dma_start3A_65 = arith.constant 0 : i32
      %dma_start3A_66 = tpu.memref_slice %arg3[%dma_start3A, %dma_start3A_64, %dma_start3A_65] : memref<2500x1x128xi32, #tpu.memory_space<hbm>> -> memref<1x1x128xi32, #tpu.memory_space<hbm>>
      %dma_start3A_67 = tpu.memref_squeeze %dma_start3A_66 : memref<1x1x128xi32, #tpu.memory_space<hbm>> -> memref<128xi32, #tpu.memory_space<hbm>>
      %dma_start3A_68 = arith.constant 0 : i32
      %dma_start3A_69 = tpu.memref_slice %arg3[%dma_start3A, %dma_start3A_64, %dma_start3A_68] : memref<2500x1x128xi32, #tpu.memory_space<hbm>> -> memref<1x1x128xi32, #tpu.memory_space<hbm>>
      %dma_start3A_70 = tpu.memref_squeeze %dma_start3A_69 : memref<1x1x128xi32, #tpu.memory_space<hbm>> -> memref<128xi32, #tpu.memory_space<hbm>>
      tpu.enqueue_dma source(%dma_start3A_70 : memref<128xi32, #tpu.memory_space<hbm>>) target(%arg9 : memref<128xi32, #tpu.memory_space<vmem>>) target_semaphore(%arg11 : memref<!tpu.dma_semaphore, #tpu.memory_space<semaphore_mem>>)
    } else {
    }
    %scan3A = arith.constant 0 : i32
    %scan3A_25 = arith.constant 0 : i32
    %scan3A_26 = arith.constant 40 : i32
    %scan3A_27 = arith.addi %scan3A_25, %scan3A_26 : i32
    %scan3A_28 = arith.constant 1 : i32
    scf.for %scan3A_64 = %scan3A_25 to %scan3A_27 step %scan3A_28  : i32 {
      %mul3A_65 = arith.constant 2 : i32
      %mul3A_66 = arith.muli %mul3A_65, %scan3A_64 : i32
      %add3A_67 = arith.constant 1 : i32
      %add3A_68 = arith.addi %mul3A_66, %add3A_67 : i32
      %mul3A_69 = arith.constant 32 : i32
      %mul3A_70 = arith.muli %add3A_68, %mul3A_69 : i32
      %add3A_71 = arith.addi %add3A, %mul3A_70 : i32
      %lt3A_72 = arith.constant 2500 : i32
      %lt3A_73 = arith.cmpi slt, %add3A_71, %lt3A_72 : i32
      %convert_element_type3A_74 = arith.extui %lt3A_73 : i1 to i32
      %cond3A_75 = arith.constant 0 : i32
      %cond3A_76 = arith.cmpi ne, %convert_element_type3A_74, %cond3A_75 : i32
      scf.if %cond3A_76 {
        %dma_start3A = arith.constant 0 : i32
        %dma_start3A_133 = arith.constant 0 : i32
        %dma_start3A_134 = tpu.memref_slice %arg2[%add3A_71, %dma_start3A, %dma_start3A_133] : memref<2500x128x128xf32, #tpu.memory_space<hbm>> -> memref<1x128x128xf32, #tpu.memory_space<hbm>>
        %dma_start3A_135 = tpu.memref_squeeze %dma_start3A_134 : memref<1x128x128xf32, #tpu.memory_space<hbm>> -> memref<128x128xf32, #tpu.memory_space<hbm>>
        %dma_start3A_136 = arith.constant 0 : i32
        %dma_start3A_137 = arith.constant 0 : i32
        %dma_start3A_138 = tpu.memref_slice %arg2[%add3A_71, %dma_start3A_136, %dma_start3A_137] : memref<2500x128x128xf32, #tpu.memory_space<hbm>> -> memref<1x128x128xf32, #tpu.memory_space<hbm>>
        %dma_start3A_139 = tpu.memref_squeeze %dma_start3A_138 : memref<1x128x128xf32, #tpu.memory_space<hbm>> -> memref<128x128xf32, #tpu.memory_space<hbm>>
        tpu.enqueue_dma source(%dma_start3A_139 : memref<128x128xf32, #tpu.memory_space<hbm>>) target(%arg8 : memref<128x128xf32, #tpu.memory_space<vmem>>) target_semaphore(%arg12 : memref<!tpu.dma_semaphore, #tpu.memory_space<semaphore_mem>>)
        %dma_start3A_140 = arith.constant 0 : i32
        %dma_start3A_141 = arith.constant 0 : i32
        %dma_start3A_142 = tpu.memref_slice %arg3[%add3A_71, %dma_start3A_140, %dma_start3A_141] : memref<2500x1x128xi32, #tpu.memory_space<hbm>> -> memref<1x1x128xi32, #tpu.memory_space<hbm>>
        %dma_start3A_143 = tpu.memref_squeeze %dma_start3A_142 : memref<1x1x128xi32, #tpu.memory_space<hbm>> -> memref<128xi32, #tpu.memory_space<hbm>>
        %dma_start3A_144 = arith.constant 0 : i32
        %dma_start3A_145 = tpu.memref_slice %arg3[%add3A_71, %dma_start3A_140, %dma_start3A_144] : memref<2500x1x128xi32, #tpu.memory_space<hbm>> -> memref<1x1x128xi32, #tpu.memory_space<hbm>>
        %dma_start3A_146 = tpu.memref_squeeze %dma_start3A_145 : memref<1x1x128xi32, #tpu.memory_space<hbm>> -> memref<128xi32, #tpu.memory_space<hbm>>
        tpu.enqueue_dma source(%dma_start3A_146 : memref<128xi32, #tpu.memory_space<hbm>>) target(%arg10 : memref<128xi32, #tpu.memory_space<vmem>>) target_semaphore(%arg12 : memref<!tpu.dma_semaphore, #tpu.memory_space<semaphore_mem>>)
      } else {
      }
      %ge3A_77 = arith.constant 2500 : i32
      %ge3A_78 = arith.cmpi sge, %add3A_71, %ge3A_77 : i32
      %convert_element_type3A_79 = arith.extui %ge3A_78 : i1 to i32
      %cond3A_80 = arith.constant 0 : i32
      %cond3A_81 = arith.cmpi ne, %convert_element_type3A_79, %cond3A_80 : i32
      scf.if %cond3A_81 {
        tpu.enqueue_dma source(%arg4 : memref<128x128xf32, #tpu.memory_space<hbm>>) target(%arg8 : memref<128x128xf32, #tpu.memory_space<vmem>>) target_semaphore(%arg12 : memref<!tpu.dma_semaphore, #tpu.memory_space<semaphore_mem>>)
        %dma_start3A = arith.constant 0 : i32
        %dma_start3A_133 = arith.constant 0 : i32
        %dma_start3A_134 = arith.constant 0 : i32
        %dma_start3A_135 = tpu.memref_slice %arg3[%dma_start3A, %dma_start3A_133, %dma_start3A_134] : memref<2500x1x128xi32, #tpu.memory_space<hbm>> -> memref<1x1x128xi32, #tpu.memory_space<hbm>>
        %dma_start3A_136 = tpu.memref_squeeze %dma_start3A_135 : memref<1x1x128xi32, #tpu.memory_space<hbm>> -> memref<128xi32, #tpu.memory_space<hbm>>
        %dma_start3A_137 = arith.constant 0 : i32
        %dma_start3A_138 = tpu.memref_slice %arg3[%dma_start3A, %dma_start3A_133, %dma_start3A_137] : memref<2500x1x128xi32, #tpu.memory_space<hbm>> -> memref<1x1x128xi32, #tpu.memory_space<hbm>>
        %dma_start3A_139 = tpu.memref_squeeze %dma_start3A_138 : memref<1x1x128xi32, #tpu.memory_space<hbm>> -> memref<128xi32, #tpu.memory_space<hbm>>
        tpu.enqueue_dma source(%dma_start3A_139 : memref<128xi32, #tpu.memory_space<hbm>>) target(%arg10 : memref<128xi32, #tpu.memory_space<vmem>>) target_semaphore(%arg12 : memref<!tpu.dma_semaphore, #tpu.memory_space<semaphore_mem>>)
      } else {
      }
      %dma_wait3A_82 = arith.constant 0 : i32
      %dma_wait3A_83 = arith.constant 0 : i32
      %dma_wait3A_84 = arith.constant 0 : i32
      %dma_wait3A_85 = tpu.memref_slice %arg2[%dma_wait3A_82, %dma_wait3A_83, %dma_wait3A_84] : memref<2500x128x128xf32, #tpu.memory_space<hbm>> -> memref<1x128x128xf32, #tpu.memory_space<hbm>>
      %dma_wait3A_86 = tpu.memref_squeeze %dma_wait3A_85 : memref<1x128x128xf32, #tpu.memory_space<hbm>> -> memref<128x128xf32, #tpu.memory_space<hbm>>
      %dma_wait3A_87 = arith.constant 0 : i32
      %dma_wait3A_88 = arith.constant 0 : i32
      %dma_wait3A_89 = tpu.memref_slice %arg2[%dma_wait3A_82, %dma_wait3A_87, %dma_wait3A_88] : memref<2500x128x128xf32, #tpu.memory_space<hbm>> -> memref<1x128x128xf32, #tpu.memory_space<hbm>>
      %dma_wait3A_90 = tpu.memref_squeeze %dma_wait3A_89 : memref<1x128x128xf32, #tpu.memory_space<hbm>> -> memref<128x128xf32, #tpu.memory_space<hbm>>
      tpu.wait_dma2 semaphore(%arg11 : memref<!tpu.dma_semaphore, #tpu.memory_space<semaphore_mem>>) src(%dma_wait3A_90 : memref<128x128xf32, #tpu.memory_space<hbm>>) dst(%arg7 : memref<128x128xf32, #tpu.memory_space<vmem>>)
      %dma_wait3A_91 = arith.constant 0 : i32
      %dma_wait3A_92 = arith.constant 0 : i32
      %dma_wait3A_93 = arith.constant 0 : i32
      %dma_wait3A_94 = tpu.memref_slice %arg3[%dma_wait3A_91, %dma_wait3A_92, %dma_wait3A_93] : memref<2500x1x128xi32, #tpu.memory_space<hbm>> -> memref<1x1x128xi32, #tpu.memory_space<hbm>>
      %dma_wait3A_95 = tpu.memref_squeeze %dma_wait3A_94 : memref<1x1x128xi32, #tpu.memory_space<hbm>> -> memref<128xi32, #tpu.memory_space<hbm>>
      %dma_wait3A_96 = arith.constant 0 : i32
      %dma_wait3A_97 = tpu.memref_slice %arg3[%dma_wait3A_91, %dma_wait3A_92, %dma_wait3A_96] : memref<2500x1x128xi32, #tpu.memory_space<hbm>> -> memref<1x1x128xi32, #tpu.memory_space<hbm>>
      %dma_wait3A_98 = tpu.memref_squeeze %dma_wait3A_97 : memref<1x1x128xi32, #tpu.memory_space<hbm>> -> memref<128xi32, #tpu.memory_space<hbm>>
      tpu.wait_dma2 semaphore(%arg11 : memref<!tpu.dma_semaphore, #tpu.memory_space<semaphore_mem>>) src(%dma_wait3A_98 : memref<128xi32, #tpu.memory_space<hbm>>) dst(%arg9 : memref<128xi32, #tpu.memory_space<vmem>>)
      "tpu.region"() ({
        %run_scoped3A = tpu.sem_alloc : memref<!tpu.dma_semaphore, #tpu.memory_space<semaphore_mem>>
        %dma_start3A = arith.constant 0 : i32
        %dma_start3A_133 = arith.constant 0 : i32
        %dma_start3A_134 = tpu.memref_slice %arg6[%dma_start3A, %dma_start3A_133] : memref<10000x128xf32, #tpu.memory_space<vmem_shared>> -> memref<10000x128xf32, #tpu.memory_space<vmem_shared>>
        tpu.enqueue_indirect_dma source(%arg7 : memref<128x128xf32, #tpu.memory_space<vmem>>) target(%dma_start3A_134 : memref<10000x128xf32, #tpu.memory_space<vmem_shared>>) offsets(%arg9 : memref<128xi32, #tpu.memory_space<vmem>>) semaphore(%run_scoped3A : memref<!tpu.dma_semaphore, #tpu.memory_space<semaphore_mem>>) {add = true}
        %dma_wait3A_135 = arith.constant 0 : i32
        %dma_wait3A_136 = arith.constant 0 : i32
        %dma_wait3A_137 = tpu.memref_slice %arg6[%dma_wait3A_135, %dma_wait3A_136] : memref<10000x128xf32, #tpu.memory_space<vmem_shared>> -> memref<10000x128xf32, #tpu.memory_space<vmem_shared>>
        tpu.wait_indirect_dma semaphore(%run_scoped3A : memref<!tpu.dma_semaphore, #tpu.memory_space<semaphore_mem>>) src(%arg7 : memref<128x128xf32, #tpu.memory_space<vmem>>) dst(%dma_wait3A_137 : memref<10000x128xf32, #tpu.memory_space<vmem_shared>>)
        tpu.yield
      }) : () -> ()
      %mul3A_99 = arith.constant 2 : i32
      %mul3A_100 = arith.muli %mul3A_99, %scan3A_64 : i32
      %add3A_101 = arith.constant 2 : i32
      %add3A_102 = arith.addi %mul3A_100, %add3A_101 : i32
      %mul3A_103 = arith.constant 32 : i32
      %mul3A_104 = arith.muli %add3A_102, %mul3A_103 : i32
      %add3A_105 = arith.addi %add3A, %mul3A_104 : i32
      %lt3A_106 = arith.constant 2500 : i32
      %lt3A_107 = arith.cmpi slt, %add3A_105, %lt3A_106 : i32
      %convert_element_type3A_108 = arith.extui %lt3A_107 : i1 to i32
      %cond3A_109 = arith.constant 0 : i32
      %cond3A_110 = arith.cmpi ne, %convert_element_type3A_108, %cond3A_109 : i32
      scf.if %cond3A_110 {
        %dma_start3A = arith.constant 0 : i32
        %dma_start3A_133 = arith.constant 0 : i32
        %dma_start3A_134 = tpu.memref_slice %arg2[%add3A_105, %dma_start3A, %dma_start3A_133] : memref<2500x128x128xf32, #tpu.memory_space<hbm>> -> memref<1x128x128xf32, #tpu.memory_space<hbm>>
        %dma_start3A_135 = tpu.memref_squeeze %dma_start3A_134 : memref<1x128x128xf32, #tpu.memory_space<hbm>> -> memref<128x128xf32, #tpu.memory_space<hbm>>
        %dma_start3A_136 = arith.constant 0 : i32
        %dma_start3A_137 = arith.constant 0 : i32
        %dma_start3A_138 = tpu.memref_slice %arg2[%add3A_105, %dma_start3A_136, %dma_start3A_137] : memref<2500x128x128xf32, #tpu.memory_space<hbm>> -> memref<1x128x128xf32, #tpu.memory_space<hbm>>
        %dma_start3A_139 = tpu.memref_squeeze %dma_start3A_138 : memref<1x128x128xf32, #tpu.memory_space<hbm>> -> memref<128x128xf32, #tpu.memory_space<hbm>>
        tpu.enqueue_dma source(%dma_start3A_139 : memref<128x128xf32, #tpu.memory_space<hbm>>) target(%arg7 : memref<128x128xf32, #tpu.memory_space<vmem>>) target_semaphore(%arg11 : memref<!tpu.dma_semaphore, #tpu.memory_space<semaphore_mem>>)
        %dma_start3A_140 = arith.constant 0 : i32
        %dma_start3A_141 = arith.constant 0 : i32
        %dma_start3A_142 = tpu.memref_slice %arg3[%add3A_105, %dma_start3A_140, %dma_start3A_141] : memref<2500x1x128xi32, #tpu.memory_space<hbm>> -> memref<1x1x128xi32, #tpu.memory_space<hbm>>
        %dma_start3A_143 = tpu.memref_squeeze %dma_start3A_142 : memref<1x1x128xi32, #tpu.memory_space<hbm>> -> memref<128xi32, #tpu.memory_space<hbm>>
        %dma_start3A_144 = arith.constant 0 : i32
        %dma_start3A_145 = tpu.memref_slice %arg3[%add3A_105, %dma_start3A_140, %dma_start3A_144] : memref<2500x1x128xi32, #tpu.memory_space<hbm>> -> memref<1x1x128xi32, #tpu.memory_space<hbm>>
        %dma_start3A_146 = tpu.memref_squeeze %dma_start3A_145 : memref<1x1x128xi32, #tpu.memory_space<hbm>> -> memref<128xi32, #tpu.memory_space<hbm>>
        tpu.enqueue_dma source(%dma_start3A_146 : memref<128xi32, #tpu.memory_space<hbm>>) target(%arg9 : memref<128xi32, #tpu.memory_space<vmem>>) target_semaphore(%arg11 : memref<!tpu.dma_semaphore, #tpu.memory_space<semaphore_mem>>)
      } else {
      }
      %ge3A_111 = arith.constant 2500 : i32
      %ge3A_112 = arith.cmpi sge, %add3A_105, %ge3A_111 : i32
      %convert_element_type3A_113 = arith.extui %ge3A_112 : i1 to i32
      %cond3A_114 = arith.constant 0 : i32
      %cond3A_115 = arith.cmpi ne, %convert_element_type3A_113, %cond3A_114 : i32
      scf.if %cond3A_115 {
        tpu.enqueue_dma source(%arg4 : memref<128x128xf32, #tpu.memory_space<hbm>>) target(%arg7 : memref<128x128xf32, #tpu.memory_space<vmem>>) target_semaphore(%arg11 : memref<!tpu.dma_semaphore, #tpu.memory_space<semaphore_mem>>)
        %dma_start3A = arith.constant 0 : i32
        %dma_start3A_133 = arith.constant 0 : i32
        %dma_start3A_134 = arith.constant 0 : i32
        %dma_start3A_135 = tpu.memref_slice %arg3[%dma_start3A, %dma_start3A_133, %dma_start3A_134] : memref<2500x1x128xi32, #tpu.memory_space<hbm>> -> memref<1x1x128xi32, #tpu.memory_space<hbm>>
        %dma_start3A_136 = tpu.memref_squeeze %dma_start3A_135 : memref<1x1x128xi32, #tpu.memory_space<hbm>> -> memref<128xi32, #tpu.memory_space<hbm>>
        %dma_start3A_137 = arith.constant 0 : i32
        %dma_start3A_138 = tpu.memref_slice %arg3[%dma_start3A, %dma_start3A_133, %dma_start3A_137] : memref<2500x1x128xi32, #tpu.memory_space<hbm>> -> memref<1x1x128xi32, #tpu.memory_space<hbm>>
        %dma_start3A_139 = tpu.memref_squeeze %dma_start3A_138 : memref<1x1x128xi32, #tpu.memory_space<hbm>> -> memref<128xi32, #tpu.memory_space<hbm>>
        tpu.enqueue_dma source(%dma_start3A_139 : memref<128xi32, #tpu.memory_space<hbm>>) target(%arg9 : memref<128xi32, #tpu.memory_space<vmem>>) target_semaphore(%arg11 : memref<!tpu.dma_semaphore, #tpu.memory_space<semaphore_mem>>)
      } else {
      }
      %dma_wait3A_116 = arith.constant 0 : i32
      %dma_wait3A_117 = arith.constant 0 : i32
      %dma_wait3A_118 = arith.constant 0 : i32
      %dma_wait3A_119 = tpu.memref_slice %arg2[%dma_wait3A_116, %dma_wait3A_117, %dma_wait3A_118] : memref<2500x128x128xf32, #tpu.memory_space<hbm>> -> memref<1x128x128xf32, #tpu.memory_space<hbm>>
      %dma_wait3A_120 = tpu.memref_squeeze %dma_wait3A_119 : memref<1x128x128xf32, #tpu.memory_space<hbm>> -> memref<128x128xf32, #tpu.memory_space<hbm>>
      %dma_wait3A_121 = arith.constant 0 : i32
      %dma_wait3A_122 = arith.constant 0 : i32
      %dma_wait3A_123 = tpu.memref_slice %arg2[%dma_wait3A_116, %dma_wait3A_121, %dma_wait3A_122] : memref<2500x128x128xf32, #tpu.memory_space<hbm>> -> memref<1x128x128xf32, #tpu.memory_space<hbm>>
      %dma_wait3A_124 = tpu.memref_squeeze %dma_wait3A_123 : memref<1x128x128xf32, #tpu.memory_space<hbm>> -> memref<128x128xf32, #tpu.memory_space<hbm>>
      tpu.wait_dma2 semaphore(%arg12 : memref<!tpu.dma_semaphore, #tpu.memory_space<semaphore_mem>>) src(%dma_wait3A_124 : memref<128x128xf32, #tpu.memory_space<hbm>>) dst(%arg8 : memref<128x128xf32, #tpu.memory_space<vmem>>)
      %dma_wait3A_125 = arith.constant 0 : i32
      %dma_wait3A_126 = arith.constant 0 : i32
      %dma_wait3A_127 = arith.constant 0 : i32
      %dma_wait3A_128 = tpu.memref_slice %arg3[%dma_wait3A_125, %dma_wait3A_126, %dma_wait3A_127] : memref<2500x1x128xi32, #tpu.memory_space<hbm>> -> memref<1x1x128xi32, #tpu.memory_space<hbm>>
      %dma_wait3A_129 = tpu.memref_squeeze %dma_wait3A_128 : memref<1x1x128xi32, #tpu.memory_space<hbm>> -> memref<128xi32, #tpu.memory_space<hbm>>
      %dma_wait3A_130 = arith.constant 0 : i32
      %dma_wait3A_131 = tpu.memref_slice %arg3[%dma_wait3A_125, %dma_wait3A_126, %dma_wait3A_130] : memref<2500x1x128xi32, #tpu.memory_space<hbm>> -> memref<1x1x128xi32, #tpu.memory_space<hbm>>
      %dma_wait3A_132 = tpu.memref_squeeze %dma_wait3A_131 : memref<1x1x128xi32, #tpu.memory_space<hbm>> -> memref<128xi32, #tpu.memory_space<hbm>>
      tpu.wait_dma2 semaphore(%arg12 : memref<!tpu.dma_semaphore, #tpu.memory_space<semaphore_mem>>) src(%dma_wait3A_132 : memref<128xi32, #tpu.memory_space<hbm>>) dst(%arg10 : memref<128xi32, #tpu.memory_space<vmem>>)
      "tpu.region"() ({
        %run_scoped3A = tpu.sem_alloc : memref<!tpu.dma_semaphore, #tpu.memory_space<semaphore_mem>>
        %dma_start3A = arith.constant 0 : i32
        %dma_start3A_133 = arith.constant 0 : i32
        %dma_start3A_134 = tpu.memref_slice %arg6[%dma_start3A, %dma_start3A_133] : memref<10000x128xf32, #tpu.memory_space<vmem_shared>> -> memref<10000x128xf32, #tpu.memory_space<vmem_shared>>
        tpu.enqueue_indirect_dma source(%arg8 : memref<128x128xf32, #tpu.memory_space<vmem>>) target(%dma_start3A_134 : memref<10000x128xf32, #tpu.memory_space<vmem_shared>>) offsets(%arg10 : memref<128xi32, #tpu.memory_space<vmem>>) semaphore(%run_scoped3A : memref<!tpu.dma_semaphore, #tpu.memory_space<semaphore_mem>>) {add = true}
        %dma_wait3A_135 = arith.constant 0 : i32
        %dma_wait3A_136 = arith.constant 0 : i32
        %dma_wait3A_137 = tpu.memref_slice %arg6[%dma_wait3A_135, %dma_wait3A_136] : memref<10000x128xf32, #tpu.memory_space<vmem_shared>> -> memref<10000x128xf32, #tpu.memory_space<vmem_shared>>
        tpu.wait_indirect_dma semaphore(%run_scoped3A : memref<!tpu.dma_semaphore, #tpu.memory_space<semaphore_mem>>) src(%arg8 : memref<128x128xf32, #tpu.memory_space<vmem>>) dst(%dma_wait3A_137 : memref<10000x128xf32, #tpu.memory_space<vmem_shared>>)
        tpu.yield
      }) : () -> ()
    }
    %scan3A_29 = arith.constant 40 : i32
    %dma_wait3A = arith.constant 0 : i32
    %dma_wait3A_30 = arith.constant 0 : i32
    %dma_wait3A_31 = arith.constant 0 : i32
    %dma_wait3A_32 = tpu.memref_slice %arg2[%dma_wait3A, %dma_wait3A_30, %dma_wait3A_31] : memref<2500x128x128xf32, #tpu.memory_space<hbm>> -> memref<1x128x128xf32, #tpu.memory_space<hbm>>
    %dma_wait3A_33 = tpu.memref_squeeze %dma_wait3A_32 : memref<1x128x128xf32, #tpu.memory_space<hbm>> -> memref<128x128xf32, #tpu.memory_space<hbm>>
    %dma_wait3A_34 = arith.constant 0 : i32
    %dma_wait3A_35 = arith.constant 0 : i32
    %dma_wait3A_36 = tpu.memref_slice %arg2[%dma_wait3A, %dma_wait3A_34, %dma_wait3A_35] : memref<2500x128x128xf32, #tpu.memory_space<hbm>> -> memref<1x128x128xf32, #tpu.memory_space<hbm>>
    %dma_wait3A_37 = tpu.memref_squeeze %dma_wait3A_36 : memref<1x128x128xf32, #tpu.memory_space<hbm>> -> memref<128x128xf32, #tpu.memory_space<hbm>>
    tpu.wait_dma2 semaphore(%arg11 : memref<!tpu.dma_semaphore, #tpu.memory_space<semaphore_mem>>) src(%dma_wait3A_37 : memref<128x128xf32, #tpu.memory_space<hbm>>) dst(%arg7 : memref<128x128xf32, #tpu.memory_space<vmem>>)
    %dma_wait3A_38 = arith.constant 0 : i32
    %dma_wait3A_39 = arith.constant 0 : i32
    %dma_wait3A_40 = arith.constant 0 : i32
    %dma_wait3A_41 = tpu.memref_slice %arg3[%dma_wait3A_38, %dma_wait3A_39, %dma_wait3A_40] : memref<2500x1x128xi32, #tpu.memory_space<hbm>> -> memref<1x1x128xi32, #tpu.memory_space<hbm>>
    %dma_wait3A_42 = tpu.memref_squeeze %dma_wait3A_41 : memref<1x1x128xi32, #tpu.memory_space<hbm>> -> memref<128xi32, #tpu.memory_space<hbm>>
    %dma_wait3A_43 = arith.constant 0 : i32
    %dma_wait3A_44 = tpu.memref_slice %arg3[%dma_wait3A_38, %dma_wait3A_39, %dma_wait3A_43] : memref<2500x1x128xi32, #tpu.memory_space<hbm>> -> memref<1x1x128xi32, #tpu.memory_space<hbm>>
    %dma_wait3A_45 = tpu.memref_squeeze %dma_wait3A_44 : memref<1x1x128xi32, #tpu.memory_space<hbm>> -> memref<128xi32, #tpu.memory_space<hbm>>
    tpu.wait_dma2 semaphore(%arg11 : memref<!tpu.dma_semaphore, #tpu.memory_space<semaphore_mem>>) src(%dma_wait3A_45 : memref<128xi32, #tpu.memory_space<hbm>>) dst(%arg9 : memref<128xi32, #tpu.memory_space<vmem>>)
    "tpu.region"() ({
      %run_scoped3A = tpu.sem_alloc : memref<!tpu.dma_semaphore, #tpu.memory_space<semaphore_mem>>
      %dma_start3A = arith.constant 0 : i32
      %dma_start3A_64 = arith.constant 0 : i32
      %dma_start3A_65 = tpu.memref_slice %arg6[%dma_start3A, %dma_start3A_64] : memref<10000x128xf32, #tpu.memory_space<vmem_shared>> -> memref<10000x128xf32, #tpu.memory_space<vmem_shared>>
      tpu.enqueue_indirect_dma source(%arg7 : memref<128x128xf32, #tpu.memory_space<vmem>>) target(%dma_start3A_65 : memref<10000x128xf32, #tpu.memory_space<vmem_shared>>) offsets(%arg9 : memref<128xi32, #tpu.memory_space<vmem>>) semaphore(%run_scoped3A : memref<!tpu.dma_semaphore, #tpu.memory_space<semaphore_mem>>) {add = true}
      %dma_wait3A_66 = arith.constant 0 : i32
      %dma_wait3A_67 = arith.constant 0 : i32
      %dma_wait3A_68 = tpu.memref_slice %arg6[%dma_wait3A_66, %dma_wait3A_67] : memref<10000x128xf32, #tpu.memory_space<vmem_shared>> -> memref<10000x128xf32, #tpu.memory_space<vmem_shared>>
      tpu.wait_indirect_dma semaphore(%run_scoped3A : memref<!tpu.dma_semaphore, #tpu.memory_space<semaphore_mem>>) src(%arg7 : memref<128x128xf32, #tpu.memory_space<vmem>>) dst(%dma_wait3A_68 : memref<10000x128xf32, #tpu.memory_space<vmem_shared>>)
      tpu.yield
    }) : () -> ()
    %barrier3A_46 = arith.constant 0 : index
    tpu.barrier barrier_id(%barrier3A_46)
    %mul3A_47 = arith.constant 624 : i32
    %mul3A_48 = arith.muli %arg1, %mul3A_47 : i32
    %add3A_49 = arith.constant 0 : i32
    %add3A_50 = arith.addi %mul3A_48, %add3A_49 : i32
    %add3A_51 = arith.constant 128 : i32
    %add3A_52 = arith.addi %mul3A_48, %add3A_51 : i32
    %add3A_53 = arith.constant 256 : i32
    %add3A_54 = arith.addi %mul3A_48, %add3A_53 : i32
    %add3A_55 = arith.constant 384 : i32
    %add3A_56 = arith.addi %mul3A_48, %add3A_55 : i32
    %add3A_57 = arith.constant 512 : i32
    %add3A_58 = arith.addi %mul3A_48, %add3A_57 : i32
    "tpu.region"() ({
      %run_scoped3A = tpu.sem_alloc : memref<!tpu.dma_semaphore, #tpu.memory_space<semaphore_mem>>
      %dma_start3A = arith.constant 0 : i32
      %dma_start3A_64 = arith.constant 0 : i32
      %dma_start3A_65 = tpu.memref_slice %arg7[%dma_start3A, %dma_start3A_64] : memref<128x128xf32, #tpu.memory_space<vmem>> -> memref<128x128xf32, #tpu.memory_space<vmem>>
      %dma_start3A_66 = arith.constant 0 : i32
      %dma_start3A_67 = tpu.memref_slice %arg6[%add3A_50, %dma_start3A_66] : memref<10000x128xf32, #tpu.memory_space<vmem_shared>> -> memref<128x128xf32, #tpu.memory_space<vmem_shared>>
      %dma_start3A_68 = arith.constant 0 : i32
      %dma_start3A_69 = arith.constant 0 : i32
      %dma_start3A_70 = tpu.memref_slice %arg7[%dma_start3A_68, %dma_start3A_69] : memref<128x128xf32, #tpu.memory_space<vmem>> -> memref<128x128xf32, #tpu.memory_space<vmem>>
      %dma_start3A_71 = arith.constant 0 : i32
      %dma_start3A_72 = tpu.memref_slice %arg6[%add3A_50, %dma_start3A_71] : memref<10000x128xf32, #tpu.memory_space<vmem_shared>> -> memref<128x128xf32, #tpu.memory_space<vmem_shared>>
      tpu.enqueue_dma source(%dma_start3A_72 : memref<128x128xf32, #tpu.memory_space<vmem_shared>>) target(%dma_start3A_70 : memref<128x128xf32, #tpu.memory_space<vmem>>) target_semaphore(%run_scoped3A : memref<!tpu.dma_semaphore, #tpu.memory_space<semaphore_mem>>)
      %dma_wait3A_73 = arith.constant 0 : i32
      %dma_wait3A_74 = arith.constant 0 : i32
      %dma_wait3A_75 = tpu.memref_slice %arg7[%dma_wait3A_73, %dma_wait3A_74] : memref<128x128xf32, #tpu.memory_space<vmem>> -> memref<128x128xf32, #tpu.memory_space<vmem>>
      %dma_wait3A_76 = arith.constant 0 : i32
      %dma_wait3A_77 = tpu.memref_slice %arg6[%add3A_50, %dma_wait3A_76] : memref<10000x128xf32, #tpu.memory_space<vmem_shared>> -> memref<128x128xf32, #tpu.memory_space<vmem_shared>>
      %dma_wait3A_78 = arith.constant 0 : i32
      %dma_wait3A_79 = arith.constant 0 : i32
      %dma_wait3A_80 = tpu.memref_slice %arg7[%dma_wait3A_78, %dma_wait3A_79] : memref<128x128xf32, #tpu.memory_space<vmem>> -> memref<128x128xf32, #tpu.memory_space<vmem>>
      %dma_wait3A_81 = arith.constant 0 : i32
      %dma_wait3A_82 = tpu.memref_slice %arg6[%add3A_50, %dma_wait3A_81] : memref<10000x128xf32, #tpu.memory_space<vmem_shared>> -> memref<128x128xf32, #tpu.memory_space<vmem_shared>>
      tpu.wait_dma2 semaphore(%run_scoped3A : memref<!tpu.dma_semaphore, #tpu.memory_space<semaphore_mem>>) src(%dma_wait3A_82 : memref<128x128xf32, #tpu.memory_space<vmem_shared>>) dst(%dma_wait3A_80 : memref<128x128xf32, #tpu.memory_space<vmem>>)
      tpu.yield
    }) : () -> ()
    "tpu.region"() ({
      %run_scoped3A = tpu.sem_alloc : memref<!tpu.dma_semaphore, #tpu.memory_space<semaphore_mem>>
      %dma_start3A = arith.constant 0 : i32
      %dma_start3A_64 = arith.constant 0 : i32
      %dma_start3A_65 = tpu.memref_slice %arg7[%dma_start3A, %dma_start3A_64] : memref<128x128xf32, #tpu.memory_space<vmem>> -> memref<128x128xf32, #tpu.memory_space<vmem>>
      %dma_start3A_66 = arith.constant 0 : i32
      %dma_start3A_67 = tpu.memref_slice %arg5[%arg0, %add3A_50, %dma_start3A_66] : memref<2x10000x128xf32, #tpu.memory_space<hbm>> -> memref<1x128x128xf32, #tpu.memory_space<hbm>>
      %dma_start3A_68 = tpu.memref_squeeze %dma_start3A_67 : memref<1x128x128xf32, #tpu.memory_space<hbm>> -> memref<128x128xf32, #tpu.memory_space<hbm>>
      %dma_start3A_69 = arith.constant 0 : i32
      %dma_start3A_70 = tpu.memref_slice %arg5[%arg0, %add3A_50, %dma_start3A_69] : memref<2x10000x128xf32, #tpu.memory_space<hbm>> -> memref<1x128x128xf32, #tpu.memory_space<hbm>>
      %dma_start3A_71 = tpu.memref_squeeze %dma_start3A_70 : memref<1x128x128xf32, #tpu.memory_space<hbm>> -> memref<128x128xf32, #tpu.memory_space<hbm>>
      %dma_start3A_72 = arith.constant 0 : i32
      %dma_start3A_73 = arith.constant 0 : i32
      %dma_start3A_74 = tpu.memref_slice %arg7[%dma_start3A_72, %dma_start3A_73] : memref<128x128xf32, #tpu.memory_space<vmem>> -> memref<128x128xf32, #tpu.memory_space<vmem>>
      tpu.enqueue_dma source(%dma_start3A_74 : memref<128x128xf32, #tpu.memory_space<vmem>>) target(%dma_start3A_71 : memref<128x128xf32, #tpu.memory_space<hbm>>) target_semaphore(%run_scoped3A : memref<!tpu.dma_semaphore, #tpu.memory_space<semaphore_mem>>)
      %dma_wait3A_75 = arith.constant 0 : i32
      %dma_wait3A_76 = arith.constant 0 : i32
      %dma_wait3A_77 = tpu.memref_slice %arg7[%dma_wait3A_75, %dma_wait3A_76] : memref<128x128xf32, #tpu.memory_space<vmem>> -> memref<128x128xf32, #tpu.memory_space<vmem>>
      %dma_wait3A_78 = arith.constant 0 : i32
      %dma_wait3A_79 = tpu.memref_slice %arg5[%arg0, %add3A_50, %dma_wait3A_78] : memref<2x10000x128xf32, #tpu.memory_space<hbm>> -> memref<1x128x128xf32, #tpu.memory_space<hbm>>
      %dma_wait3A_80 = tpu.memref_squeeze %dma_wait3A_79 : memref<1x128x128xf32, #tpu.memory_space<hbm>> -> memref<128x128xf32, #tpu.memory_space<hbm>>
      %dma_wait3A_81 = arith.constant 0 : i32
      %dma_wait3A_82 = tpu.memref_slice %arg5[%arg0, %add3A_50, %dma_wait3A_81] : memref<2x10000x128xf32, #tpu.memory_space<hbm>> -> memref<1x128x128xf32, #tpu.memory_space<hbm>>
      %dma_wait3A_83 = tpu.memref_squeeze %dma_wait3A_82 : memref<1x128x128xf32, #tpu.memory_space<hbm>> -> memref<128x128xf32, #tpu.memory_space<hbm>>
      %dma_wait3A_84 = arith.constant 0 : i32
      %dma_wait3A_85 = arith.constant 0 : i32
      %dma_wait3A_86 = tpu.memref_slice %arg7[%dma_wait3A_84, %dma_wait3A_85] : memref<128x128xf32, #tpu.memory_space<vmem>> -> memref<128x128xf32, #tpu.memory_space<vmem>>
      tpu.wait_dma2 semaphore(%run_scoped3A : memref<!tpu.dma_semaphore, #tpu.memory_space<semaphore_mem>>) src(%dma_wait3A_86 : memref<128x128xf32, #tpu.memory_space<vmem>>) dst(%dma_wait3A_83 : memref<128x128xf32, #tpu.memory_space<hbm>>)
      tpu.yield
    }) : () -> ()
    "tpu.region"() ({
      %run_scoped3A = tpu.sem_alloc : memref<!tpu.dma_semaphore, #tpu.memory_space<semaphore_mem>>
      %dma_start3A = arith.constant 0 : i32
      %dma_start3A_64 = arith.constant 0 : i32
      %dma_start3A_65 = tpu.memref_slice %arg7[%dma_start3A, %dma_start3A_64] : memref<128x128xf32, #tpu.memory_space<vmem>> -> memref<128x128xf32, #tpu.memory_space<vmem>>
      %dma_start3A_66 = arith.constant 0 : i32
      %dma_start3A_67 = tpu.memref_slice %arg6[%add3A_52, %dma_start3A_66] : memref<10000x128xf32, #tpu.memory_space<vmem_shared>> -> memref<128x128xf32, #tpu.memory_space<vmem_shared>>
      %dma_start3A_68 = arith.constant 0 : i32
      %dma_start3A_69 = arith.constant 0 : i32
      %dma_start3A_70 = tpu.memref_slice %arg7[%dma_start3A_68, %dma_start3A_69] : memref<128x128xf32, #tpu.memory_space<vmem>> -> memref<128x128xf32, #tpu.memory_space<vmem>>
      %dma_start3A_71 = arith.constant 0 : i32
      %dma_start3A_72 = tpu.memref_slice %arg6[%add3A_52, %dma_start3A_71] : memref<10000x128xf32, #tpu.memory_space<vmem_shared>> -> memref<128x128xf32, #tpu.memory_space<vmem_shared>>
      tpu.enqueue_dma source(%dma_start3A_72 : memref<128x128xf32, #tpu.memory_space<vmem_shared>>) target(%dma_start3A_70 : memref<128x128xf32, #tpu.memory_space<vmem>>) target_semaphore(%run_scoped3A : memref<!tpu.dma_semaphore, #tpu.memory_space<semaphore_mem>>)
      %dma_wait3A_73 = arith.constant 0 : i32
      %dma_wait3A_74 = arith.constant 0 : i32
      %dma_wait3A_75 = tpu.memref_slice %arg7[%dma_wait3A_73, %dma_wait3A_74] : memref<128x128xf32, #tpu.memory_space<vmem>> -> memref<128x128xf32, #tpu.memory_space<vmem>>
      %dma_wait3A_76 = arith.constant 0 : i32
      %dma_wait3A_77 = tpu.memref_slice %arg6[%add3A_52, %dma_wait3A_76] : memref<10000x128xf32, #tpu.memory_space<vmem_shared>> -> memref<128x128xf32, #tpu.memory_space<vmem_shared>>
      %dma_wait3A_78 = arith.constant 0 : i32
      %dma_wait3A_79 = arith.constant 0 : i32
      %dma_wait3A_80 = tpu.memref_slice %arg7[%dma_wait3A_78, %dma_wait3A_79] : memref<128x128xf32, #tpu.memory_space<vmem>> -> memref<128x128xf32, #tpu.memory_space<vmem>>
      %dma_wait3A_81 = arith.constant 0 : i32
      %dma_wait3A_82 = tpu.memref_slice %arg6[%add3A_52, %dma_wait3A_81] : memref<10000x128xf32, #tpu.memory_space<vmem_shared>> -> memref<128x128xf32, #tpu.memory_space<vmem_shared>>
      tpu.wait_dma2 semaphore(%run_scoped3A : memref<!tpu.dma_semaphore, #tpu.memory_space<semaphore_mem>>) src(%dma_wait3A_82 : memref<128x128xf32, #tpu.memory_space<vmem_shared>>) dst(%dma_wait3A_80 : memref<128x128xf32, #tpu.memory_space<vmem>>)
      tpu.yield
    }) : () -> ()
    "tpu.region"() ({
      %run_scoped3A = tpu.sem_alloc : memref<!tpu.dma_semaphore, #tpu.memory_space<semaphore_mem>>
      %dma_start3A = arith.constant 0 : i32
      %dma_start3A_64 = arith.constant 0 : i32
      %dma_start3A_65 = tpu.memref_slice %arg7[%dma_start3A, %dma_start3A_64] : memref<128x128xf32, #tpu.memory_space<vmem>> -> memref<128x128xf32, #tpu.memory_space<vmem>>
      %dma_start3A_66 = arith.constant 0 : i32
      %dma_start3A_67 = tpu.memref_slice %arg5[%arg0, %add3A_52, %dma_start3A_66] : memref<2x10000x128xf32, #tpu.memory_space<hbm>> -> memref<1x128x128xf32, #tpu.memory_space<hbm>>
      %dma_start3A_68 = tpu.memref_squeeze %dma_start3A_67 : memref<1x128x128xf32, #tpu.memory_space<hbm>> -> memref<128x128xf32, #tpu.memory_space<hbm>>
      %dma_start3A_69 = arith.constant 0 : i32
      %dma_start3A_70 = tpu.memref_slice %arg5[%arg0, %add3A_52, %dma_start3A_69] : memref<2x10000x128xf32, #tpu.memory_space<hbm>> -> memref<1x128x128xf32, #tpu.memory_space<hbm>>
      %dma_start3A_71 = tpu.memref_squeeze %dma_start3A_70 : memref<1x128x128xf32, #tpu.memory_space<hbm>> -> memref<128x128xf32, #tpu.memory_space<hbm>>
      %dma_start3A_72 = arith.constant 0 : i32
      %dma_start3A_73 = arith.constant 0 : i32
      %dma_start3A_74 = tpu.memref_slice %arg7[%dma_start3A_72, %dma_start3A_73] : memref<128x128xf32, #tpu.memory_space<vmem>> -> memref<128x128xf32, #tpu.memory_space<vmem>>
      tpu.enqueue_dma source(%dma_start3A_74 : memref<128x128xf32, #tpu.memory_space<vmem>>) target(%dma_start3A_71 : memref<128x128xf32, #tpu.memory_space<hbm>>) target_semaphore(%run_scoped3A : memref<!tpu.dma_semaphore, #tpu.memory_space<semaphore_mem>>)
      %dma_wait3A_75 = arith.constant 0 : i32
      %dma_wait3A_76 = arith.constant 0 : i32
      %dma_wait3A_77 = tpu.memref_slice %arg7[%dma_wait3A_75, %dma_wait3A_76] : memref<128x128xf32, #tpu.memory_space<vmem>> -> memref<128x128xf32, #tpu.memory_space<vmem>>
      %dma_wait3A_78 = arith.constant 0 : i32
      %dma_wait3A_79 = tpu.memref_slice %arg5[%arg0, %add3A_52, %dma_wait3A_78] : memref<2x10000x128xf32, #tpu.memory_space<hbm>> -> memref<1x128x128xf32, #tpu.memory_space<hbm>>
      %dma_wait3A_80 = tpu.memref_squeeze %dma_wait3A_79 : memref<1x128x128xf32, #tpu.memory_space<hbm>> -> memref<128x128xf32, #tpu.memory_space<hbm>>
      %dma_wait3A_81 = arith.constant 0 : i32
      %dma_wait3A_82 = tpu.memref_slice %arg5[%arg0, %add3A_52, %dma_wait3A_81] : memref<2x10000x128xf32, #tpu.memory_space<hbm>> -> memref<1x128x128xf32, #tpu.memory_space<hbm>>
      %dma_wait3A_83 = tpu.memref_squeeze %dma_wait3A_82 : memref<1x128x128xf32, #tpu.memory_space<hbm>> -> memref<128x128xf32, #tpu.memory_space<hbm>>
      %dma_wait3A_84 = arith.constant 0 : i32
      %dma_wait3A_85 = arith.constant 0 : i32
      %dma_wait3A_86 = tpu.memref_slice %arg7[%dma_wait3A_84, %dma_wait3A_85] : memref<128x128xf32, #tpu.memory_space<vmem>> -> memref<128x128xf32, #tpu.memory_space<vmem>>
      tpu.wait_dma2 semaphore(%run_scoped3A : memref<!tpu.dma_semaphore, #tpu.memory_space<semaphore_mem>>) src(%dma_wait3A_86 : memref<128x128xf32, #tpu.memory_space<vmem>>) dst(%dma_wait3A_83 : memref<128x128xf32, #tpu.memory_space<hbm>>)
      tpu.yield
    }) : () -> ()
    "tpu.region"() ({
      %run_scoped3A = tpu.sem_alloc : memref<!tpu.dma_semaphore, #tpu.memory_space<semaphore_mem>>
      %dma_start3A = arith.constant 0 : i32
      %dma_start3A_64 = arith.constant 0 : i32
      %dma_start3A_65 = tpu.memref_slice %arg7[%dma_start3A, %dma_start3A_64] : memref<128x128xf32, #tpu.memory_space<vmem>> -> memref<128x128xf32, #tpu.memory_space<vmem>>
      %dma_start3A_66 = arith.constant 0 : i32
      %dma_start3A_67 = tpu.memref_slice %arg6[%add3A_54, %dma_start3A_66] : memref<10000x128xf32, #tpu.memory_space<vmem_shared>> -> memref<128x128xf32, #tpu.memory_space<vmem_shared>>
      %dma_start3A_68 = arith.constant 0 : i32
      %dma_start3A_69 = arith.constant 0 : i32
      %dma_start3A_70 = tpu.memref_slice %arg7[%dma_start3A_68, %dma_start3A_69] : memref<128x128xf32, #tpu.memory_space<vmem>> -> memref<128x128xf32, #tpu.memory_space<vmem>>
      %dma_start3A_71 = arith.constant 0 : i32
      %dma_start3A_72 = tpu.memref_slice %arg6[%add3A_54, %dma_start3A_71] : memref<10000x128xf32, #tpu.memory_space<vmem_shared>> -> memref<128x128xf32, #tpu.memory_space<vmem_shared>>
      tpu.enqueue_dma source(%dma_start3A_72 : memref<128x128xf32, #tpu.memory_space<vmem_shared>>) target(%dma_start3A_70 : memref<128x128xf32, #tpu.memory_space<vmem>>) target_semaphore(%run_scoped3A : memref<!tpu.dma_semaphore, #tpu.memory_space<semaphore_mem>>)
      %dma_wait3A_73 = arith.constant 0 : i32
      %dma_wait3A_74 = arith.constant 0 : i32
      %dma_wait3A_75 = tpu.memref_slice %arg7[%dma_wait3A_73, %dma_wait3A_74] : memref<128x128xf32, #tpu.memory_space<vmem>> -> memref<128x128xf32, #tpu.memory_space<vmem>>
      %dma_wait3A_76 = arith.constant 0 : i32
      %dma_wait3A_77 = tpu.memref_slice %arg6[%add3A_54, %dma_wait3A_76] : memref<10000x128xf32, #tpu.memory_space<vmem_shared>> -> memref<128x128xf32, #tpu.memory_space<vmem_shared>>
      %dma_wait3A_78 = arith.constant 0 : i32
      %dma_wait3A_79 = arith.constant 0 : i32
      %dma_wait3A_80 = tpu.memref_slice %arg7[%dma_wait3A_78, %dma_wait3A_79] : memref<128x128xf32, #tpu.memory_space<vmem>> -> memref<128x128xf32, #tpu.memory_space<vmem>>
      %dma_wait3A_81 = arith.constant 0 : i32
      %dma_wait3A_82 = tpu.memref_slice %arg6[%add3A_54, %dma_wait3A_81] : memref<10000x128xf32, #tpu.memory_space<vmem_shared>> -> memref<128x128xf32, #tpu.memory_space<vmem_shared>>
      tpu.wait_dma2 semaphore(%run_scoped3A : memref<!tpu.dma_semaphore, #tpu.memory_space<semaphore_mem>>) src(%dma_wait3A_82 : memref<128x128xf32, #tpu.memory_space<vmem_shared>>) dst(%dma_wait3A_80 : memref<128x128xf32, #tpu.memory_space<vmem>>)
      tpu.yield
    }) : () -> ()
    "tpu.region"() ({
      %run_scoped3A = tpu.sem_alloc : memref<!tpu.dma_semaphore, #tpu.memory_space<semaphore_mem>>
      %dma_start3A = arith.constant 0 : i32
      %dma_start3A_64 = arith.constant 0 : i32
      %dma_start3A_65 = tpu.memref_slice %arg7[%dma_start3A, %dma_start3A_64] : memref<128x128xf32, #tpu.memory_space<vmem>> -> memref<128x128xf32, #tpu.memory_space<vmem>>
      %dma_start3A_66 = arith.constant 0 : i32
      %dma_start3A_67 = tpu.memref_slice %arg5[%arg0, %add3A_54, %dma_start3A_66] : memref<2x10000x128xf32, #tpu.memory_space<hbm>> -> memref<1x128x128xf32, #tpu.memory_space<hbm>>
      %dma_start3A_68 = tpu.memref_squeeze %dma_start3A_67 : memref<1x128x128xf32, #tpu.memory_space<hbm>> -> memref<128x128xf32, #tpu.memory_space<hbm>>
      %dma_start3A_69 = arith.constant 0 : i32
      %dma_start3A_70 = tpu.memref_slice %arg5[%arg0, %add3A_54, %dma_start3A_69] : memref<2x10000x128xf32, #tpu.memory_space<hbm>> -> memref<1x128x128xf32, #tpu.memory_space<hbm>>
      %dma_start3A_71 = tpu.memref_squeeze %dma_start3A_70 : memref<1x128x128xf32, #tpu.memory_space<hbm>> -> memref<128x128xf32, #tpu.memory_space<hbm>>
      %dma_start3A_72 = arith.constant 0 : i32
      %dma_start3A_73 = arith.constant 0 : i32
      %dma_start3A_74 = tpu.memref_slice %arg7[%dma_start3A_72, %dma_start3A_73] : memref<128x128xf32, #tpu.memory_space<vmem>> -> memref<128x128xf32, #tpu.memory_space<vmem>>
      tpu.enqueue_dma source(%dma_start3A_74 : memref<128x128xf32, #tpu.memory_space<vmem>>) target(%dma_start3A_71 : memref<128x128xf32, #tpu.memory_space<hbm>>) target_semaphore(%run_scoped3A : memref<!tpu.dma_semaphore, #tpu.memory_space<semaphore_mem>>)
      %dma_wait3A_75 = arith.constant 0 : i32
      %dma_wait3A_76 = arith.constant 0 : i32
      %dma_wait3A_77 = tpu.memref_slice %arg7[%dma_wait3A_75, %dma_wait3A_76] : memref<128x128xf32, #tpu.memory_space<vmem>> -> memref<128x128xf32, #tpu.memory_space<vmem>>
      %dma_wait3A_78 = arith.constant 0 : i32
      %dma_wait3A_79 = tpu.memref_slice %arg5[%arg0, %add3A_54, %dma_wait3A_78] : memref<2x10000x128xf32, #tpu.memory_space<hbm>> -> memref<1x128x128xf32, #tpu.memory_space<hbm>>
      %dma_wait3A_80 = tpu.memref_squeeze %dma_wait3A_79 : memref<1x128x128xf32, #tpu.memory_space<hbm>> -> memref<128x128xf32, #tpu.memory_space<hbm>>
      %dma_wait3A_81 = arith.constant 0 : i32
      %dma_wait3A_82 = tpu.memref_slice %arg5[%arg0, %add3A_54, %dma_wait3A_81] : memref<2x10000x128xf32, #tpu.memory_space<hbm>> -> memref<1x128x128xf32, #tpu.memory_space<hbm>>
      %dma_wait3A_83 = tpu.memref_squeeze %dma_wait3A_82 : memref<1x128x128xf32, #tpu.memory_space<hbm>> -> memref<128x128xf32, #tpu.memory_space<hbm>>
      %dma_wait3A_84 = arith.constant 0 : i32
      %dma_wait3A_85 = arith.constant 0 : i32
      %dma_wait3A_86 = tpu.memref_slice %arg7[%dma_wait3A_84, %dma_wait3A_85] : memref<128x128xf32, #tpu.memory_space<vmem>> -> memref<128x128xf32, #tpu.memory_space<vmem>>
      tpu.wait_dma2 semaphore(%run_scoped3A : memref<!tpu.dma_semaphore, #tpu.memory_space<semaphore_mem>>) src(%dma_wait3A_86 : memref<128x128xf32, #tpu.memory_space<vmem>>) dst(%dma_wait3A_83 : memref<128x128xf32, #tpu.memory_space<hbm>>)
      tpu.yield
    }) : () -> ()
    "tpu.region"() ({
      %run_scoped3A = tpu.sem_alloc : memref<!tpu.dma_semaphore, #tpu.memory_space<semaphore_mem>>
      %dma_start3A = arith.constant 0 : i32
      %dma_start3A_64 = arith.constant 0 : i32
      %dma_start3A_65 = tpu.memref_slice %arg7[%dma_start3A, %dma_start3A_64] : memref<128x128xf32, #tpu.memory_space<vmem>> -> memref<128x128xf32, #tpu.memory_space<vmem>>
      %dma_start3A_66 = arith.constant 0 : i32
      %dma_start3A_67 = tpu.memref_slice %arg6[%add3A_56, %dma_start3A_66] : memref<10000x128xf32, #tpu.memory_space<vmem_shared>> -> memref<128x128xf32, #tpu.memory_space<vmem_shared>>
      %dma_start3A_68 = arith.constant 0 : i32
      %dma_start3A_69 = arith.constant 0 : i32
      %dma_start3A_70 = tpu.memref_slice %arg7[%dma_start3A_68, %dma_start3A_69] : memref<128x128xf32, #tpu.memory_space<vmem>> -> memref<128x128xf32, #tpu.memory_space<vmem>>
      %dma_start3A_71 = arith.constant 0 : i32
      %dma_start3A_72 = tpu.memref_slice %arg6[%add3A_56, %dma_start3A_71] : memref<10000x128xf32, #tpu.memory_space<vmem_shared>> -> memref<128x128xf32, #tpu.memory_space<vmem_shared>>
      tpu.enqueue_dma source(%dma_start3A_72 : memref<128x128xf32, #tpu.memory_space<vmem_shared>>) target(%dma_start3A_70 : memref<128x128xf32, #tpu.memory_space<vmem>>) target_semaphore(%run_scoped3A : memref<!tpu.dma_semaphore, #tpu.memory_space<semaphore_mem>>)
      %dma_wait3A_73 = arith.constant 0 : i32
      %dma_wait3A_74 = arith.constant 0 : i32
      %dma_wait3A_75 = tpu.memref_slice %arg7[%dma_wait3A_73, %dma_wait3A_74] : memref<128x128xf32, #tpu.memory_space<vmem>> -> memref<128x128xf32, #tpu.memory_space<vmem>>
      %dma_wait3A_76 = arith.constant 0 : i32
      %dma_wait3A_77 = tpu.memref_slice %arg6[%add3A_56, %dma_wait3A_76] : memref<10000x128xf32, #tpu.memory_space<vmem_shared>> -> memref<128x128xf32, #tpu.memory_space<vmem_shared>>
      %dma_wait3A_78 = arith.constant 0 : i32
      %dma_wait3A_79 = arith.constant 0 : i32
      %dma_wait3A_80 = tpu.memref_slice %arg7[%dma_wait3A_78, %dma_wait3A_79] : memref<128x128xf32, #tpu.memory_space<vmem>> -> memref<128x128xf32, #tpu.memory_space<vmem>>
      %dma_wait3A_81 = arith.constant 0 : i32
      %dma_wait3A_82 = tpu.memref_slice %arg6[%add3A_56, %dma_wait3A_81] : memref<10000x128xf32, #tpu.memory_space<vmem_shared>> -> memref<128x128xf32, #tpu.memory_space<vmem_shared>>
      tpu.wait_dma2 semaphore(%run_scoped3A : memref<!tpu.dma_semaphore, #tpu.memory_space<semaphore_mem>>) src(%dma_wait3A_82 : memref<128x128xf32, #tpu.memory_space<vmem_shared>>) dst(%dma_wait3A_80 : memref<128x128xf32, #tpu.memory_space<vmem>>)
      tpu.yield
    }) : () -> ()
    "tpu.region"() ({
      %run_scoped3A = tpu.sem_alloc : memref<!tpu.dma_semaphore, #tpu.memory_space<semaphore_mem>>
      %dma_start3A = arith.constant 0 : i32
      %dma_start3A_64 = arith.constant 0 : i32
      %dma_start3A_65 = tpu.memref_slice %arg7[%dma_start3A, %dma_start3A_64] : memref<128x128xf32, #tpu.memory_space<vmem>> -> memref<128x128xf32, #tpu.memory_space<vmem>>
      %dma_start3A_66 = arith.constant 0 : i32
      %dma_start3A_67 = tpu.memref_slice %arg5[%arg0, %add3A_56, %dma_start3A_66] : memref<2x10000x128xf32, #tpu.memory_space<hbm>> -> memref<1x128x128xf32, #tpu.memory_space<hbm>>
      %dma_start3A_68 = tpu.memref_squeeze %dma_start3A_67 : memref<1x128x128xf32, #tpu.memory_space<hbm>> -> memref<128x128xf32, #tpu.memory_space<hbm>>
      %dma_start3A_69 = arith.constant 0 : i32
      %dma_start3A_70 = tpu.memref_slice %arg5[%arg0, %add3A_56, %dma_start3A_69] : memref<2x10000x128xf32, #tpu.memory_space<hbm>> -> memref<1x128x128xf32, #tpu.memory_space<hbm>>
      %dma_start3A_71 = tpu.memref_squeeze %dma_start3A_70 : memref<1x128x128xf32, #tpu.memory_space<hbm>> -> memref<128x128xf32, #tpu.memory_space<hbm>>
      %dma_start3A_72 = arith.constant 0 : i32
      %dma_start3A_73 = arith.constant 0 : i32
      %dma_start3A_74 = tpu.memref_slice %arg7[%dma_start3A_72, %dma_start3A_73] : memref<128x128xf32, #tpu.memory_space<vmem>> -> memref<128x128xf32, #tpu.memory_space<vmem>>
      tpu.enqueue_dma source(%dma_start3A_74 : memref<128x128xf32, #tpu.memory_space<vmem>>) target(%dma_start3A_71 : memref<128x128xf32, #tpu.memory_space<hbm>>) target_semaphore(%run_scoped3A : memref<!tpu.dma_semaphore, #tpu.memory_space<semaphore_mem>>)
      %dma_wait3A_75 = arith.constant 0 : i32
      %dma_wait3A_76 = arith.constant 0 : i32
      %dma_wait3A_77 = tpu.memref_slice %arg7[%dma_wait3A_75, %dma_wait3A_76] : memref<128x128xf32, #tpu.memory_space<vmem>> -> memref<128x128xf32, #tpu.memory_space<vmem>>
      %dma_wait3A_78 = arith.constant 0 : i32
      %dma_wait3A_79 = tpu.memref_slice %arg5[%arg0, %add3A_56, %dma_wait3A_78] : memref<2x10000x128xf32, #tpu.memory_space<hbm>> -> memref<1x128x128xf32, #tpu.memory_space<hbm>>
      %dma_wait3A_80 = tpu.memref_squeeze %dma_wait3A_79 : memref<1x128x128xf32, #tpu.memory_space<hbm>> -> memref<128x128xf32, #tpu.memory_space<hbm>>
      %dma_wait3A_81 = arith.constant 0 : i32
      %dma_wait3A_82 = tpu.memref_slice %arg5[%arg0, %add3A_56, %dma_wait3A_81] : memref<2x10000x128xf32, #tpu.memory_space<hbm>> -> memref<1x128x128xf32, #tpu.memory_space<hbm>>
      %dma_wait3A_83 = tpu.memref_squeeze %dma_wait3A_82 : memref<1x128x128xf32, #tpu.memory_space<hbm>> -> memref<128x128xf32, #tpu.memory_space<hbm>>
      %dma_wait3A_84 = arith.constant 0 : i32
      %dma_wait3A_85 = arith.constant 0 : i32
      %dma_wait3A_86 = tpu.memref_slice %arg7[%dma_wait3A_84, %dma_wait3A_85] : memref<128x128xf32, #tpu.memory_space<vmem>> -> memref<128x128xf32, #tpu.memory_space<vmem>>
      tpu.wait_dma2 semaphore(%run_scoped3A : memref<!tpu.dma_semaphore, #tpu.memory_space<semaphore_mem>>) src(%dma_wait3A_86 : memref<128x128xf32, #tpu.memory_space<vmem>>) dst(%dma_wait3A_83 : memref<128x128xf32, #tpu.memory_space<hbm>>)
      tpu.yield
    }) : () -> ()
    "tpu.region"() ({
      %run_scoped3A = tpu.sem_alloc : memref<!tpu.dma_semaphore, #tpu.memory_space<semaphore_mem>>
      %dma_start3A = arith.constant 0 : i32
      %dma_start3A_64 = arith.constant 0 : i32
      %dma_start3A_65 = tpu.memref_slice %arg7[%dma_start3A, %dma_start3A_64] : memref<128x128xf32, #tpu.memory_space<vmem>> -> memref<112x128xf32, #tpu.memory_space<vmem>>
      %dma_start3A_66 = arith.constant 0 : i32
      %dma_start3A_67 = tpu.memref_slice %arg6[%add3A_58, %dma_start3A_66] : memref<10000x128xf32, #tpu.memory_space<vmem_shared>> -> memref<112x128xf32, #tpu.memory_space<vmem_shared>>
      %dma_start3A_68 = arith.constant 0 : i32
      %dma_start3A_69 = arith.constant 0 : i32
      %dma_start3A_70 = tpu.memref_slice %arg7[%dma_start3A_68, %dma_start3A_69] : memref<128x128xf32, #tpu.memory_space<vmem>> -> memref<112x128xf32, #tpu.memory_space<vmem>>
      %dma_start3A_71 = arith.constant 0 : i32
      %dma_start3A_72 = tpu.memref_slice %arg6[%add3A_58, %dma_start3A_71] : memref<10000x128xf32, #tpu.memory_space<vmem_shared>> -> memref<112x128xf32, #tpu.memory_space<vmem_shared>>
      tpu.enqueue_dma source(%dma_start3A_72 : memref<112x128xf32, #tpu.memory_space<vmem_shared>>) target(%dma_start3A_70 : memref<112x128xf32, #tpu.memory_space<vmem>>) target_semaphore(%run_scoped3A : memref<!tpu.dma_semaphore, #tpu.memory_space<semaphore_mem>>)
      %dma_wait3A_73 = arith.constant 0 : i32
      %dma_wait3A_74 = arith.constant 0 : i32
      %dma_wait3A_75 = tpu.memref_slice %arg7[%dma_wait3A_73, %dma_wait3A_74] : memref<128x128xf32, #tpu.memory_space<vmem>> -> memref<112x128xf32, #tpu.memory_space<vmem>>
      %dma_wait3A_76 = arith.constant 0 : i32
      %dma_wait3A_77 = tpu.memref_slice %arg6[%add3A_58, %dma_wait3A_76] : memref<10000x128xf32, #tpu.memory_space<vmem_shared>> -> memref<112x128xf32, #tpu.memory_space<vmem_shared>>
      %dma_wait3A_78 = arith.constant 0 : i32
      %dma_wait3A_79 = arith.constant 0 : i32
      %dma_wait3A_80 = tpu.memref_slice %arg7[%dma_wait3A_78, %dma_wait3A_79] : memref<128x128xf32, #tpu.memory_space<vmem>> -> memref<112x128xf32, #tpu.memory_space<vmem>>
      %dma_wait3A_81 = arith.constant 0 : i32
      %dma_wait3A_82 = tpu.memref_slice %arg6[%add3A_58, %dma_wait3A_81] : memref<10000x128xf32, #tpu.memory_space<vmem_shared>> -> memref<112x128xf32, #tpu.memory_space<vmem_shared>>
      tpu.wait_dma2 semaphore(%run_scoped3A : memref<!tpu.dma_semaphore, #tpu.memory_space<semaphore_mem>>) src(%dma_wait3A_82 : memref<112x128xf32, #tpu.memory_space<vmem_shared>>) dst(%dma_wait3A_80 : memref<112x128xf32, #tpu.memory_space<vmem>>)
      tpu.yield
    }) : () -> ()
    "tpu.region"() ({
      %run_scoped3A = tpu.sem_alloc : memref<!tpu.dma_semaphore, #tpu.memory_space<semaphore_mem>>
      %dma_start3A = arith.constant 0 : i32
      %dma_start3A_64 = arith.constant 0 : i32
      %dma_start3A_65 = tpu.memref_slice %arg7[%dma_start3A, %dma_start3A_64] : memref<128x128xf32, #tpu.memory_space<vmem>> -> memref<112x128xf32, #tpu.memory_space<vmem>>
      %dma_start3A_66 = arith.constant 0 : i32
      %dma_start3A_67 = tpu.memref_slice %arg5[%arg0, %add3A_58, %dma_start3A_66] : memref<2x10000x128xf32, #tpu.memory_space<hbm>> -> memref<1x112x128xf32, #tpu.memory_space<hbm>>
      %dma_start3A_68 = tpu.memref_squeeze %dma_start3A_67 : memref<1x112x128xf32, #tpu.memory_space<hbm>> -> memref<112x128xf32, #tpu.memory_space<hbm>>
      %dma_start3A_69 = arith.constant 0 : i32
      %dma_start3A_70 = tpu.memref_slice %arg5[%arg0, %add3A_58, %dma_start3A_69] : memref<2x10000x128xf32, #tpu.memory_space<hbm>> -> memref<1x112x128xf32, #tpu.memory_space<hbm>>
      %dma_start3A_71 = tpu.memref_squeeze %dma_start3A_70 : memref<1x112x128xf32, #tpu.memory_space<hbm>> -> memref<112x128xf32, #tpu.memory_space<hbm>>
      %dma_start3A_72 = arith.constant 0 : i32
      %dma_start3A_73 = arith.constant 0 : i32
      %dma_start3A_74 = tpu.memref_slice %arg7[%dma_start3A_72, %dma_start3A_73] : memref<128x128xf32, #tpu.memory_space<vmem>> -> memref<112x128xf32, #tpu.memory_space<vmem>>
      tpu.enqueue_dma source(%dma_start3A_74 : memref<112x128xf32, #tpu.memory_space<vmem>>) target(%dma_start3A_71 : memref<112x128xf32, #tpu.memory_space<hbm>>) target_semaphore(%run_scoped3A : memref<!tpu.dma_semaphore, #tpu.memory_space<semaphore_mem>>)
      %dma_wait3A_75 = arith.constant 0 : i32
      %dma_wait3A_76 = arith.constant 0 : i32
      %dma_wait3A_77 = tpu.memref_slice %arg7[%dma_wait3A_75, %dma_wait3A_76] : memref<128x128xf32, #tpu.memory_space<vmem>> -> memref<112x128xf32, #tpu.memory_space<vmem>>
      %dma_wait3A_78 = arith.constant 0 : i32
      %dma_wait3A_79 = tpu.memref_slice %arg5[%arg0, %add3A_58, %dma_wait3A_78] : memref<2x10000x128xf32, #tpu.memory_space<hbm>> -> memref<1x112x128xf32, #tpu.memory_space<hbm>>
      %dma_wait3A_80 = tpu.memref_squeeze %dma_wait3A_79 : memref<1x112x128xf32, #tpu.memory_space<hbm>> -> memref<112x128xf32, #tpu.memory_space<hbm>>
      %dma_wait3A_81 = arith.constant 0 : i32
      %dma_wait3A_82 = tpu.memref_slice %arg5[%arg0, %add3A_58, %dma_wait3A_81] : memref<2x10000x128xf32, #tpu.memory_space<hbm>> -> memref<1x112x128xf32, #tpu.memory_space<hbm>>
      %dma_wait3A_83 = tpu.memref_squeeze %dma_wait3A_82 : memref<1x112x128xf32, #tpu.memory_space<hbm>> -> memref<112x128xf32, #tpu.memory_space<hbm>>
      %dma_wait3A_84 = arith.constant 0 : i32
      %dma_wait3A_85 = arith.constant 0 : i32
      %dma_wait3A_86 = tpu.memref_slice %arg7[%dma_wait3A_84, %dma_wait3A_85] : memref<128x128xf32, #tpu.memory_space<vmem>> -> memref<112x128xf32, #tpu.memory_space<vmem>>
      tpu.wait_dma2 semaphore(%run_scoped3A : memref<!tpu.dma_semaphore, #tpu.memory_space<semaphore_mem>>) src(%dma_wait3A_86 : memref<112x128xf32, #tpu.memory_space<vmem>>) dst(%dma_wait3A_83 : memref<112x128xf32, #tpu.memory_space<hbm>>)
      tpu.yield
    }) : () -> ()
    %eq3A_59 = arith.constant 15 : i32
    %eq3A_60 = arith.cmpi eq, %arg1, %eq3A_59 : i32
    %convert_element_type3A_61 = arith.extui %eq3A_60 : i1 to i32
    %cond3A_62 = arith.constant 0 : i32
    %cond3A_63 = arith.cmpi ne, %convert_element_type3A_61, %cond3A_62 : i32
    scf.if %cond3A_63 {
      "tpu.region"() ({
        %run_scoped3A = tpu.sem_alloc : memref<!tpu.dma_semaphore, #tpu.memory_space<semaphore_mem>>
        %dma_start3A = arith.constant 0 : i32
        %dma_start3A_64 = arith.constant 0 : i32
        %dma_start3A_65 = tpu.memref_slice %arg7[%dma_start3A, %dma_start3A_64] : memref<128x128xf32, #tpu.memory_space<vmem>> -> memref<16x128xf32, #tpu.memory_space<vmem>>
        %dma_start3A_66 = arith.constant 9984 : i32
        %dma_start3A_67 = arith.constant 0 : i32
        %dma_start3A_68 = tpu.memref_slice %arg6[%dma_start3A_66, %dma_start3A_67] : memref<10000x128xf32, #tpu.memory_space<vmem_shared>> -> memref<16x128xf32, #tpu.memory_space<vmem_shared>>
        %dma_start3A_69 = arith.constant 0 : i32
        %dma_start3A_70 = arith.constant 0 : i32
        %dma_start3A_71 = tpu.memref_slice %arg7[%dma_start3A_69, %dma_start3A_70] : memref<128x128xf32, #tpu.memory_space<vmem>> -> memref<16x128xf32, #tpu.memory_space<vmem>>
        %dma_start3A_72 = arith.constant 9984 : i32
        %dma_start3A_73 = arith.constant 0 : i32
        %dma_start3A_74 = tpu.memref_slice %arg6[%dma_start3A_72, %dma_start3A_73] : memref<10000x128xf32, #tpu.memory_space<vmem_shared>> -> memref<16x128xf32, #tpu.memory_space<vmem_shared>>
        tpu.enqueue_dma source(%dma_start3A_74 : memref<16x128xf32, #tpu.memory_space<vmem_shared>>) target(%dma_start3A_71 : memref<16x128xf32, #tpu.memory_space<vmem>>) target_semaphore(%run_scoped3A : memref<!tpu.dma_semaphore, #tpu.memory_space<semaphore_mem>>)
        %dma_wait3A_75 = arith.constant 0 : i32
        %dma_wait3A_76 = arith.constant 0 : i32
        %dma_wait3A_77 = tpu.memref_slice %arg7[%dma_wait3A_75, %dma_wait3A_76] : memref<128x128xf32, #tpu.memory_space<vmem>> -> memref<16x128xf32, #tpu.memory_space<vmem>>
        %dma_wait3A_78 = arith.constant 9984 : i32
        %dma_wait3A_79 = arith.constant 0 : i32
        %dma_wait3A_80 = tpu.memref_slice %arg6[%dma_wait3A_78, %dma_wait3A_79] : memref<10000x128xf32, #tpu.memory_space<vmem_shared>> -> memref<16x128xf32, #tpu.memory_space<vmem_shared>>
        %dma_wait3A_81 = arith.constant 0 : i32
        %dma_wait3A_82 = arith.constant 0 : i32
        %dma_wait3A_83 = tpu.memref_slice %arg7[%dma_wait3A_81, %dma_wait3A_82] : memref<128x128xf32, #tpu.memory_space<vmem>> -> memref<16x128xf32, #tpu.memory_space<vmem>>
        %dma_wait3A_84 = arith.constant 9984 : i32
        %dma_wait3A_85 = arith.constant 0 : i32
        %dma_wait3A_86 = tpu.memref_slice %arg6[%dma_wait3A_84, %dma_wait3A_85] : memref<10000x128xf32, #tpu.memory_space<vmem_shared>> -> memref<16x128xf32, #tpu.memory_space<vmem_shared>>
        tpu.wait_dma2 semaphore(%run_scoped3A : memref<!tpu.dma_semaphore, #tpu.memory_space<semaphore_mem>>) src(%dma_wait3A_86 : memref<16x128xf32, #tpu.memory_space<vmem_shared>>) dst(%dma_wait3A_83 : memref<16x128xf32, #tpu.memory_space<vmem>>)
        tpu.yield
      }) : () -> ()
      "tpu.region"() ({
        %run_scoped3A = tpu.sem_alloc : memref<!tpu.dma_semaphore, #tpu.memory_space<semaphore_mem>>
        %dma_start3A = arith.constant 0 : i32
        %dma_start3A_64 = arith.constant 0 : i32
        %dma_start3A_65 = tpu.memref_slice %arg7[%dma_start3A, %dma_start3A_64] : memref<128x128xf32, #tpu.memory_space<vmem>> -> memref<16x128xf32, #tpu.memory_space<vmem>>
        %dma_start3A_66 = arith.constant 9984 : i32
        %dma_start3A_67 = arith.constant 0 : i32
        %dma_start3A_68 = tpu.memref_slice %arg5[%arg0, %dma_start3A_66, %dma_start3A_67] : memref<2x10000x128xf32, #tpu.memory_space<hbm>> -> memref<1x16x128xf32, #tpu.memory_space<hbm>>
        %dma_start3A_69 = tpu.memref_squeeze %dma_start3A_68 : memref<1x16x128xf32, #tpu.memory_space<hbm>> -> memref<16x128xf32, #tpu.memory_space<hbm>>
        %dma_start3A_70 = arith.constant 9984 : i32
        %dma_start3A_71 = arith.constant 0 : i32
        %dma_start3A_72 = tpu.memref_slice %arg5[%arg0, %dma_start3A_70, %dma_start3A_71] : memref<2x10000x128xf32, #tpu.memory_space<hbm>> -> memref<1x16x128xf32, #tpu.memory_space<hbm>>
        %dma_start3A_73 = tpu.memref_squeeze %dma_start3A_72 : memref<1x16x128xf32, #tpu.memory_space<hbm>> -> memref<16x128xf32, #tpu.memory_space<hbm>>
        %dma_start3A_74 = arith.constant 0 : i32
        %dma_start3A_75 = arith.constant 0 : i32
        %dma_start3A_76 = tpu.memref_slice %arg7[%dma_start3A_74, %dma_start3A_75] : memref<128x128xf32, #tpu.memory_space<vmem>> -> memref<16x128xf32, #tpu.memory_space<vmem>>
        tpu.enqueue_dma source(%dma_start3A_76 : memref<16x128xf32, #tpu.memory_space<vmem>>) target(%dma_start3A_73 : memref<16x128xf32, #tpu.memory_space<hbm>>) target_semaphore(%run_scoped3A : memref<!tpu.dma_semaphore, #tpu.memory_space<semaphore_mem>>)
        %dma_wait3A_77 = arith.constant 0 : i32
        %dma_wait3A_78 = arith.constant 0 : i32
        %dma_wait3A_79 = tpu.memref_slice %arg7[%dma_wait3A_77, %dma_wait3A_78] : memref<128x128xf32, #tpu.memory_space<vmem>> -> memref<16x128xf32, #tpu.memory_space<vmem>>
        %dma_wait3A_80 = arith.constant 9984 : i32
        %dma_wait3A_81 = arith.constant 0 : i32
        %dma_wait3A_82 = tpu.memref_slice %arg5[%arg0, %dma_wait3A_80, %dma_wait3A_81] : memref<2x10000x128xf32, #tpu.memory_space<hbm>> -> memref<1x16x128xf32, #tpu.memory_space<hbm>>
        %dma_wait3A_83 = tpu.memref_squeeze %dma_wait3A_82 : memref<1x16x128xf32, #tpu.memory_space<hbm>> -> memref<16x128xf32, #tpu.memory_space<hbm>>
        %dma_wait3A_84 = arith.constant 9984 : i32
        %dma_wait3A_85 = arith.constant 0 : i32
        %dma_wait3A_86 = tpu.memref_slice %arg5[%arg0, %dma_wait3A_84, %dma_wait3A_85] : memref<2x10000x128xf32, #tpu.memory_space<hbm>> -> memref<1x16x128xf32, #tpu.memory_space<hbm>>
        %dma_wait3A_87 = tpu.memref_squeeze %dma_wait3A_86 : memref<1x16x128xf32, #tpu.memory_space<hbm>> -> memref<16x128xf32, #tpu.memory_space<hbm>>
        %dma_wait3A_88 = arith.constant 0 : i32
        %dma_wait3A_89 = arith.constant 0 : i32
        %dma_wait3A_90 = tpu.memref_slice %arg7[%dma_wait3A_88, %dma_wait3A_89] : memref<128x128xf32, #tpu.memory_space<vmem>> -> memref<16x128xf32, #tpu.memory_space<vmem>>
        tpu.wait_dma2 semaphore(%run_scoped3A : memref<!tpu.dma_semaphore, #tpu.memory_space<semaphore_mem>>) src(%dma_wait3A_90 : memref<16x128xf32, #tpu.memory_space<vmem>>) dst(%dma_wait3A_87 : memref<16x128xf32, #tpu.memory_space<hbm>>)
        tpu.yield
      }) : () -> ()
    } else {
    }
    return
  }
}

module attributes {stable_mosaic.version = 14 : i64} {
  func.func @_combine_body(%arg0: i32, %arg1: memref<2x1000x128xf32, #tpu.memory_space<vmem>>, %arg2: memref<2x1000x128xf32, #tpu.memory_space<vmem>>, %arg3: memref<1000x128xf32, #tpu.memory_space<vmem>>, %arg4: memref<1000x1xi32, #tpu.memory_space<vmem>>, %arg5: memref<1000x128xf32, #tpu.memory_space<vmem>>, %arg6: memref<1000x1xi32, #tpu.memory_space<vmem>>) attributes {dimension_semantics = [#tpu.dimension_semantics<arbitrary>], iteration_bounds = array<i64: 10>, scalar_prefetch = 0 : i64, scratch_operands = 0 : i64, tpu.core_type = #tpu.core_type<tc>, window_params = [{transform_indices = @transform_0, window_bounds = array<i64: 2, 1000, 128>}, {transform_indices = @transform_1, window_bounds = array<i64: 2, 1000, 128>}, {transform_indices = @transform_2, window_bounds = array<i64: 1000, 128>}, {transform_indices = @transform_3, window_bounds = array<i64: 1000, 1>}, {transform_indices = @transform_4, window_bounds = array<i64: 1000, 128>}, {transform_indices = @transform_5, window_bounds = array<i64: 1000, 1>}]} {
    %get3A = arith.constant 0 : index
    %get3A_0 = arith.constant 0 : index
    %get3A_1 = arith.constant 0 : index
    %get3A_2 = vector.load %arg2[%get3A, %get3A_0, %get3A_1] : memref<2x1000x128xf32, #tpu.memory_space<vmem>>, vector<1x1000x128xf32>
    %get3A_3 = vector.shape_cast %get3A_2 : vector<1x1000x128xf32> to vector<1000x128xf32>
    %slice3A = vector.extract_strided_slice %get3A_3 {offsets = [0, 0], sizes = [1000, 1], strides = [1, 1]} : vector<1000x128xf32> to vector<1000x1xf32>
    %get3A_4 = arith.constant 1 : index
    %get3A_5 = arith.constant 0 : index
    %get3A_6 = arith.constant 0 : index
    %get3A_7 = vector.load %arg2[%get3A_4, %get3A_5, %get3A_6] : memref<2x1000x128xf32, #tpu.memory_space<vmem>>, vector<1x1000x128xf32>
    %get3A_8 = vector.shape_cast %get3A_7 : vector<1x1000x128xf32> to vector<1000x128xf32>
    %slice3A_9 = vector.extract_strided_slice %get3A_8 {offsets = [0, 0], sizes = [1000, 1], strides = [1, 1]} : vector<1000x128xf32> to vector<1000x1xf32>
    %add3A = arith.addf %slice3A, %slice3A_9 : vector<1000x1xf32>
    %get3A_10 = arith.constant 0 : index
    %get3A_11 = arith.constant 0 : index
    %get3A_12 = vector.load %arg4[%get3A_10, %get3A_11] : memref<1000x1xi32, #tpu.memory_space<vmem>>, vector<1000x1xi32>
    %convert_element_type3A = arith.sitofp %get3A_12 : vector<1000x1xi32> to vector<1000x1xf32>
    %add3A_13 = arith.addf %convert_element_type3A, %add3A : vector<1000x1xf32>
    %get3A_14 = arith.constant 0 : index
    %get3A_15 = arith.constant 0 : index
    %get3A_16 = vector.load %arg3[%get3A_14, %get3A_15] : memref<1000x128xf32, #tpu.memory_space<vmem>>, vector<1000x128xf32>
    %mul3A = vector.broadcast %convert_element_type3A : vector<1000x1xf32> to vector<1000x128xf32>
    %mul3A_17 = arith.mulf %get3A_16, %mul3A : vector<1000x128xf32>
    %get3A_18 = arith.constant 0 : index
    %get3A_19 = arith.constant 0 : index
    %get3A_20 = arith.constant 0 : index
    %get3A_21 = vector.load %arg1[%get3A_18, %get3A_19, %get3A_20] : memref<2x1000x128xf32, #tpu.memory_space<vmem>>, vector<1x1000x128xf32>
    %get3A_22 = vector.shape_cast %get3A_21 : vector<1x1000x128xf32> to vector<1000x128xf32>
    %add3A_23 = arith.addf %mul3A_17, %get3A_22 : vector<1000x128xf32>
    %get3A_24 = arith.constant 1 : index
    %get3A_25 = arith.constant 0 : index
    %get3A_26 = arith.constant 0 : index
    %get3A_27 = vector.load %arg1[%get3A_24, %get3A_25, %get3A_26] : memref<2x1000x128xf32, #tpu.memory_space<vmem>>, vector<1x1000x128xf32>
    %get3A_28 = vector.shape_cast %get3A_27 : vector<1x1000x128xf32> to vector<1000x128xf32>
    %add3A_29 = arith.addf %add3A_23, %get3A_28 : vector<1000x128xf32>
    %div3A = vector.broadcast %add3A_13 : vector<1000x1xf32> to vector<1000x128xf32>
    %div3A_30 = arith.divf %add3A_29, %div3A : vector<1000x128xf32>
    %swap3A = arith.constant 0 : index
    %swap3A_31 = arith.constant 0 : index
    %swap3A_32 = vector.load %arg5[%swap3A, %swap3A_31] : memref<1000x128xf32, #tpu.memory_space<vmem>>, vector<1000x128xf32>
    tpu.vector_store %arg5[%swap3A, %swap3A_31], %div3A_30 {strides = array<i32>} : memref<1000x128xf32, #tpu.memory_space<vmem>>, vector<1000x128xf32>,
    %get3A_33 = arith.constant 0 : index
    %get3A_34 = arith.constant 0 : index
    %get3A_35 = vector.load %arg4[%get3A_33, %get3A_34] : memref<1000x1xi32, #tpu.memory_space<vmem>>, vector<1000x1xi32>
    %convert_element_type3A_36 = arith.fptosi %add3A : vector<1000x1xf32> to vector<1000x1xi32>
    %add3A_37 = arith.addi %get3A_35, %convert_element_type3A_36 : vector<1000x1xi32>
    %swap3A_38 = arith.constant 0 : index
    %swap3A_39 = arith.constant 0 : index
    %swap3A_40 = vector.load %arg6[%swap3A_38, %swap3A_39] : memref<1000x1xi32, #tpu.memory_space<vmem>>, vector<1000x1xi32>
    tpu.vector_store %arg6[%swap3A_38, %swap3A_39], %add3A_37 {strides = array<i32>} : memref<1000x1xi32, #tpu.memory_space<vmem>>, vector<1000x1xi32>,
    return
  }
  func.func @transform_0(%arg0: i32) -> (i32, i32, i32) {
    %c0_i32 = arith.constant 0 : i32
    %c0_i32_0 = arith.constant 0 : i32
    %c0_i32_1 = arith.constant 0 : i32
    return %c0_i32, %arg0, %c0_i32_0 : i32, i32, i32
  }
  func.func @transform_1(%arg0: i32) -> (i32, i32, i32) {
    %c0_i32 = arith.constant 0 : i32
    %c0_i32_0 = arith.constant 0 : i32
    %c0_i32_1 = arith.constant 0 : i32
    return %c0_i32, %arg0, %c0_i32_0 : i32, i32, i32
  }
  func.func @transform_2(%arg0: i32) -> (i32, i32) {
    %c0_i32 = arith.constant 0 : i32
    %c0_i32_0 = arith.constant 0 : i32
    return %arg0, %c0_i32 : i32, i32
  }
  func.func @transform_3(%arg0: i32) -> (i32, i32) {
    %c0_i32 = arith.constant 0 : i32
    %c0_i32_0 = arith.constant 0 : i32
    return %arg0, %c0_i32 : i32, i32
  }
  func.func @transform_4(%arg0: i32) -> (i32, i32) {
    %c0_i32 = arith.constant 0 : i32
    %c0_i32_0 = arith.constant 0 : i32
    return %arg0, %c0_i32 : i32, i32
  }
  func.func @transform_5(%arg0: i32) -> (i32, i32) {
    %c0_i32 = arith.constant 0 : i32
    %c0_i32_0 = arith.constant 0 : i32
    return %arg0, %c0_i32 : i32, i32
  }
}

</mosaic_0001>

<sc_bundles>
// kernel: kernel.5.cloned.1.call-start
scs
__scs_entry_jumppad:
0x0: {  	(pc) =	sbr.rel $0x88, $3  }
0x1: {  	(tag) =	ssettag $0x0;
	lr =	simm.s32 $0x1  }
0x2: {  	[smem:$0x3F9D] =	sst lr;
	_ =	strace $0xD0000000  }
0x3: {  	_ = 	snop  }
0x4: {  	_ = 	snop  }
0x5: {  	_ = 	snop  }
0x6: {  	_ = 	snop  }
0x7: {  	_ = 	snop  }
__scs_overlays_trampoline_lowered:
0x8: {  	[smem:$0x3FAC] =	sst s0  }
0x9: {  	[smem:$0x3FAD] =	sst s1  }
0xa: {  	[smem:$0x3FAE] =	sst s2  }
0xb: {  	[smem:$0x3FAF] =	sst s3  }
0xc: {  	[smem:$0x3FB0] =	sst s4  }
0xd: {  	[smem:$0x3FB1] =	sst s5  }
0xe: {  	[smem:$0x3FB2] =	sst s6  }
0xf: {  	[smem:$0x3FB3] =	sst s7  }
0x10: {  	[smem:$0x3FB4] =	sst s8  }
0x11: {  	[smem:$0x3FB5] =	sst s9;
	s0 =	simm.s32 @!p0 $0x0  }
0x12: {  	s1 =	sld [smem:$0x3F9B];
	s0 =	simm.s32 @p0 $0x1  }
0x13: {  	[smem:$0x3FB6] =	sst s0;
	s0 =	simm.s32 @!p1 $0x0  }
0x14: {  	s2 =	sld [smem:$0x3F9A];
	s0 =	simm.s32 @p1 $0x1  }
0x15: {  	[smem:$0x3FB7] =	sst s0;
	s0 =	simm.s32 @!p2 $0x0  }
0x16: {  	s3 =	sld [smem:$0x3FDB];
	s0 =	simm.s32 @p2 $0x1  }
0x17: {  	s4 =	simm.s32 $0x1BF5;
	[smem:$0x3FB9] =	sst s0  }
0x18: {  	s0 =	sld [smem:$0x3F9C];
	_ =	swait.ge [sflag:s4], $0x0  }
0x19: {  	s7 =	sld [smem:$0x3F9D]  }
0x1a: {  	s8 =	sadd.s32 $0xFFFFE003, lr  }
0x1b: {  	s9 =	sadd.s32 $0xFFFFFEF7, lr;
	s5 =	simm.s32 $0xFFFFFFFF;
	p2 =	slt.u32 s8, $0xFFFFF086  }
0x1c: {  	p1 =	slt.u32 s9, $0xF7A;
	s5 =	simm.s32 @!p2 $0x0  }
0x1d: {  	s5 =	simm.s32 @p1 $0x1;
	p0 =	seq.s32 s7, s2  }
0x1e: {  	s7 =	smul.u32 @!p0 $0xF7A, s2;
	p2 =	seq.s32 @!p0 s5, $0x0  }
0x1f: {  	s9 =	smul.u32 $0xF7A, s1;
	s8 =	simm.s32 @!p0 $0x1BF5;
	p2 =	por !p2, p0  }
0x20: {  	[sflag:s8] =	ssyncset.s32 @!p0 $0xFFFFF086;
	s6 =	sadd.s32 @!p0 s3, s7;
	s7 =	simm.s32 @!p0 $0x108  }
0x21: {  	s3 =	sadd.s32 s3, s9;
	s6 =	sadd.s32 @!p0 $0x88, s6;
	s7 =	simm.s32 @p2 $0x1082  }
0x22: {  	[simem:s7], [sflag:s8] =	dma.local @!p0 [hbm:s6], $0xF7A  }
0x23: {  	s9 =	sor.u32 $0xD0000000, s2;
	s6 =	simm.s32 $0x108;
	_ =	swait.ge @!p0 [sflag:s8], $0x0  }
0x24: {  	s3 =	sadd.s32 $0x88, s3;
	s6 =	simm.s32 @!p1 $0x1082;
	[sflag:s4] =	ssyncset.s32 $0xFFFFF086  }
0x25: {  	[simem:s6], [sflag:s4] =	dma.local [hbm:s3], $0xF7A  }
0x26: {  	[smem:$0x3F9D] =	sst s1;
	(tag) =	ssettag s2;
	_ =	strace s9  }
0x27: {  	s1 =	sld [smem:$0x3FAD]  }
0x28: {  	s2 =	sld [smem:$0x3FAE]  }
0x29: {  	s4 =	sld [smem:$0x3FB0]  }
0x2a: {  	p0 =	seq.s32 s5, $0x0;
	s5 =	sld [smem:$0x3FB1]  }
0x2b: {  	s6 =	sld [smem:$0x3FB2]  }
0x2c: {  	s7 =	sld [smem:$0x3FB3]  }
0x2d: {  	s3 =	simm.s32 $0x108;
	s8 =	sld [smem:$0x3FB4]  }
0x2e: {  	s3 =	simm.s32 @!p0 $0x1082;
	s9 =	sld [smem:$0x3FB5]  }
0x2f: {  	lr =	sadd.s32 s0, s3;
	s0 =	sld [smem:$0x3FAC]  }
0x30: {  	s3 =	sld [smem:$0x3FAF]  }
0x31: {  	[smem:$0x3FB8] =	sst s10  }
0x32: {  	s10 =	sld [smem:$0x3FB6];
	_ =	sdelay $0x3  }
0x33: {  	p0 =	seq.s32 s10, $0x1;
	s10 =	sld [smem:$0x3FB8];
	_ =	sdelay $0x3  }
0x34: {  	[smem:$0x3FB8] =	sst s10  }
0x35: {  	s10 =	sld [smem:$0x3FB7];
	_ =	sdelay $0x3  }
0x36: {  	p1 =	seq.s32 s10, $0x1;
	s10 =	sld [smem:$0x3FB8];
	_ =	sdelay $0x3  }
0x37: {  	[smem:$0x3FB8] =	sst s10  }
0x38: {  	s10 =	sld [smem:$0x3FB9]  }
0x39: {  	_ = 	snop;
	(pc) =	sbr.ind lr, $3  }
0x3a: {  	_ = 	snop  }
0x3b: {  	_ = 	snop  }
0x3c: {  	p2 =	seq.s32 s10, $0x1;
	s10 =	sld [smem:$0x3FB8]  }
0x3d: {  	_ =	shalt  }
0x3e: {  	_ =	shalt  }
0x3f: {  	_ =	shalt  }
0x40: {  	_ =	shalt  }
0x41: {  	_ =	shalt  }
0x42: {  	_ =	shalt  }
0x43: {  	_ =	shalt  }
0x44: {  	_ =	shalt  }
0x45: {  	_ =	shalt  }
0x46: {  	_ =	shalt  }
0x47: {  	_ =	shalt  }
0x48: {  	_ =	shalt  }
0x49: {  	_ =	shalt  }
0x4a: {  	_ =	shalt  }
0x4b: {  	_ =	shalt  }
0x4c: {  	_ =	shalt  }
0x4d: {  	_ =	shalt  }
0x4e: {  	_ =	shalt  }
0x4f: {  	_ =	shalt  }
0x50: {  	_ =	shalt  }
0x51: {  	_ =	shalt  }
0x52: {  	_ =	shalt  }
0x53: {  	_ =	shalt  }
0x54: {  	_ =	shalt  }
0x55: {  	_ =	shalt  }
0x56: {  	_ =	shalt  }
0x57: {  	_ =	shalt  }
0x58: {  	_ =	shalt  }
0x59: {  	_ =	shalt  }
0x5a: {  	_ =	shalt  }
0x5b: {  	_ =	shalt  }
0x5c: {  	_ =	shalt  }
0x5d: {  	_ =	shalt  }
0x5e: {  	_ =	shalt  }
0x5f: {  	_ =	shalt  }
0x60: {  	_ =	shalt  }
0x61: {  	_ =	shalt  }
0x62: {  	_ =	shalt  }
0x63: {  	_ =	shalt  }
0x64: {  	_ =	shalt  }
0x65: {  	_ =	shalt  }
0x66: {  	_ =	shalt  }
0x67: {  	_ =	shalt  }
0x68: {  	_ =	shalt  }
0x69: {  	_ =	shalt  }
0x6a: {  	_ =	shalt  }
0x6b: {  	_ =	shalt  }
0x6c: {  	_ =	shalt  }
0x6d: {  	_ =	shalt  }
0x6e: {  	_ =	shalt  }
0x6f: {  	_ =	shalt  }
0x70: {  	_ =	shalt  }
0x71: {  	_ =	shalt  }
0x72: {  	_ =	shalt  }
0x73: {  	_ =	shalt  }
0x74: {  	_ =	shalt  }
0x75: {  	_ =	shalt  }
0x76: {  	_ =	shalt  }
0x77: {  	_ =	shalt  }
0x78: {  	_ =	shalt  }
0x79: {  	_ =	shalt  }
0x7a: {  	_ =	shalt  }
0x7b: {  	_ =	shalt  }
0x7c: {  	_ =	shalt  }
0x7d: {  	_ =	shalt  }
0x7e: {  	_ =	shalt  }
0x7f: {  	_ =	shalt  }
0x80: {  	_ =	shalt  }
0x81: {  	_ =	shalt  }
0x82: {  	_ =	shalt  }
0x83: {  	_ =	shalt  }
0x84: {  	_ =	shalt  }
0x85: {  	_ =	shalt  }
0x86: {  	_ =	shalt  }
0x87: {  	_ =	shalt  }
.Lfunc_end0:
.L_simem_size_0:
called_computation_lowered:
.L_overlay_start_0:
0x88: {  	s2 =	sld [smem:$0x3FD9]  }
0x89: {  	s3 =	sld [smem:$0x3FFE];
	_ =	sdelay $0x1  }
0x8a: {  	s1 =	srdreg.scid  }
0x8b: {  	s0 =	sand.u32 $0x1, s1  }
0x8c: {  	s15 =	sshll.u32 s0, $0xA;
	s2 =	sadd.s32 s3, s2  }
0x8d: {  	s2 =	sadd.s32 s2, s15  }
0x8e: {  	[smem:$0x3FC4] =	sst s2  }
0x8f: {  	_ = 	snop  }
0x90: {  	s2 =	sld [smem:$0x3FD0];
	_ =	sdelay $0x2  }
0x91: {  	s5 =	simm.s32 $0xB;
	s4 =	simm.s32 $0x10;
	s16 =	sld [smem:$0x3FC9]  }
0x92: {  	[smem:s4], [sflag:s5] =	dma.local [hbm:s2], $0x1  }
0x93: {  	_ =	swait.eq [sflag:s5], $0x1  }
0x94: {  	[sflag:s5] =	ssyncset.done $0x0  }
0x95: {  	s17 =	sld [smem:$0x10];
	[sflag:s5] =	ssyncadd.s32 $0xFFFFFFFF  }
0x96: {  	s18 =	sld [smem:$0x11];
	(tm) =	ssettm $0x1  }
0x97: {  	s19 =	sld [smem:$0x3FFB];
	_ =	sdelay $0x3  }
0x98: {  	_ =	strace s19  }
0x99: {  	s2 =	sld [smem:$0x3FFC];
	_ =	sdelay $0x3  }
0x9a: {  	_ =	strace s2  }
0x9b: {  	s2 =	sld [smem:$0x3FFD];
	_ =	sdelay $0x3  }
0x9c: {  	_ =	strace s2  }
0x9d: {  	_ =	strace $0x8FFFFFFF  }
0x9e: {  	s20 =	sld [smem:$0x3FDB];
	_ =	sdelay $0x1  }
0x9f: {  	s6 =	simm.s32 $_scs_section_size  }
0xa0: {  	s7 =	simm.s32 $_size__tile_overlayer_lowered;
	s8 =	simm.s32 $_tile_overlayer_lowered  }
0xa1: {  	s9 =	simm.s32 $0x1BFF;
	s21 =	sshll.u32 s8, $0x1;
	s6 =	sadd.s32 s6, s20  }
0xa2: {  	s22 =	simm.s32 $0x0;
	s7 =	sshll.u32 s7, $0x1;
	s8 =	sadd.s32 s21, s6  }
0xa3: {  	[timem:s22], [sflag:s9] =	dma.local [hbm:s8], s7  }
0xa4: {  	_ =	swait.ge [sflag:s9], s7  }
0xa5: {  	s7 =	ssub.s32 $0x0, s7;
	[sflag:s9] =	ssyncset.done $0x0  }
0xa6: {  	[sflag:s9] =	ssyncadd.s32 s7;
	_ =	sdelay $0x1  }
0xa7: {  	s23 =	simm.s32 $0x1B8B  }
0xa8: {  	_ =	swait.ge [sflag:s23], $0x1  }
0xa9: {  	[sflag:s23] =	ssyncset.done $0x0  }
0xaa: {  	[sflag:s23] =	ssyncadd.s32 $0xFFFFFFFF  }
0xab: {  	s7 =	sld [smem:$0x0]  }
0xac: {  	s8 =	sand.u32 $0xFFFFFFFE, s1  }
0xad: {  	p0 =	sne.s32 s1, s8  }
0xae: {  	s8 =	sshll.u32 @p0 s8, $0xE  }
0xaf: {  	s8 =	sadd.s32 @p0 $0x11B8D, s8;
	s9 =	sshll.u32 @p0 s7, $0x11  }
0xb0: {  	s8 =	sor.u32 @p0 s9, s8  }
0xb1: {  	[sflag:s8] =	ssyncadd.remote.s32 @p0 $0x1;
	_ =	sdelay $0x1  }
0xb2: {  	s8 =	simm.s32 @p0 $0x1B8D  }
0xb3: {  	_ =	swait.eq @p0 [sflag:s8], $0x1  }
0xb4: {  	[sflag:s8] =	ssyncadd.s32 @p0 $0xFFFFFFFF  }
0xb5: {  	s9 =	sshll.u32 @!p0 s1, $0xE  }
0xb6: {  	s9 =	sor.u32 @!p0 $0x4000, s9;
	s8 =	simm.s32 @!p0 $0x1B8D  }
0xb7: {  	s7 =	sshll.u32 @!p0 s7, $0x11;
	s9 =	sadd.s32 @!p0 $0x11B8D, s9;
	_ =	swait.eq @!p0 [sflag:s8], $0x1  }
0xb8: {  	s7 =	sor.u32 @!p0 s7, s9;
	[sflag:s8] =	ssyncadd.s32 @!p0 $0xFFFFFFFF  }
0xb9: {  	s25 =	simm.s32 $0x1B8E;
	s24 =	sld [smem:$0x3FFE];
	[sflag:s7] =	ssyncadd.remote.s32 @!p0 $0x1  }
0xba: {  	s26 =	simm.s32 $execute0_lowered;
	[smem:$0x3FD2] =	sst s25  }
0xbb: {  	s8 =	sshll.u32 s26, $0x1;
	_ =	strace $0x80000049;
	[dreg:$0x1] =	wrdreg $0xFFFFFFFF  }
0xbc: {  	s28 =	simm.s32 $_size_execute0_lowered;
	s6 =	sadd.s32 s6, s8;
	[dreg:$0x0] =	wrdreg $0x0  }
0xbd: {  	s8 =	sshll.u32 s28, $0x1;
	[dreg:$0x2] =	wrdreg s6  }
0xbe: {  	[dreg:$0x3] =	wrdreg s8  }
0xbf: {  	[dreg:$0x4] =	wrdreg $0xC0  }
0xc0: {  	_ =	task [dreg:s22], $0x5FFFF  }
0xc1: {  	[dreg:$0x1] =	wrdreg $0xFFFFFFFF  }
0xc2: {  	[dreg:$0x0] =	wrdreg $0x60  }
0xc3: {  	[dreg:$0x2] =	wrdreg s16  }
0xc4: {  	[dreg:$0x3] =	wrdreg s18  }
0xc5: {  	[dreg:$0x4] =	wrdreg s24  }
0xc6: {  	[dreg:$0x5] =	wrdreg s17  }
0xc7: {  	[dreg:$0x6] =	wrdreg $0x0  }
0xc8: {  	[dreg:$0x7] =	wrdreg $0x9  }
0xc9: {  	_ =	task.clear_ibuf [dreg:s22], $0x8FFFF;
	_ =	strace $0x90000049  }
0xca: {  	s29 =	simm.s32 $0x9;
	_ =	strace $0x8000004B  }
0xcb: {  	_ =	swait.ge [sflag:s29], $0x1  }
0xcc: {  	[sflag:s29] =	ssyncadd.s32 $0xFFFFFFFF  }
0xcd: {  	_ =	strace $0x9000004B  }
0xce: {  	_ =	sfence  }
0xcf: {  	s30 =	sld [smem:$0x0];
	_ =	sdelay $0x2  }
0xd0: {  	s31 =	sshll.u32 s1, $0xD;
	s1 =	sshrl.u32 s1, $0x2  }
0xd1: {  	s4 =	sand.u32 $0x4000, s31;
	s1 =	sadd.s32 s1, s30  }
0xd2: {  	s0 =	sor.u32 s4, s0;
	s1 =	sshll.u32 s1, $0x11  }
0xd3: {  	s0 =	sor.u32 s1, s0  }
0xd4: {  	s0 =	sadd.s32 $0x8F2B, s0  }
0xd5: {  	[sflag:s0] =	ssyncadd.remote.s32 $0x1  }
0xd6: {  	_ =	sfence.sel $0xFFFF  }
0xd7: {  	[dreg:$0x0] =	wrdreg $0xFFFFFFFF;
	(pc) =	sbr.abs _section_cstart, $3  }
0xd8: {  	[dreg:$0x1] =	wrdreg $0xFFFFFFFF  }
0xd9: {  	_ =	task.clear_ibuf [dreg:s22], $0x2FFFF;
	_ =	strace $0x9FFFFFFF  }
0xda: {  	(tm) =	ssettm $0x7FFFFFFF  }
0xdb: {  	_ =	shalt  }
tec
execute0_lowered:
.L_overlay_start_1:
0x0: {  	(tag) =	ssettag $0x1  }
0x1: {  	s0 =	rddreg [dreg:$0x0]  }
0x2: {  	s1 =	rddreg [dreg:$0x1]  }
0x3: {  	s3 =	rddreg [dreg:$0x2]  }
0x4: {  	s12 =	rddreg [dreg:$0x3]  }
0x5: {  	s2 =	rddreg [dreg:$0x4];
	s4 =	simm.s32 $0x0;
	s5 =	srdreg.scid  }
0x6: {  	s24 =	stileid.u32;
	s28 =	simm.s32 $0x17880;
	s29 =	simm.s32 $0x1B900  }
0x7: {  	s30 =	simm.s32 $0x1;
	s31 =	simm.s32 $0x80;
	[smem:$0x7FF] =	sst s4  }
0x8: {  	s13 =	sand.u32 $0x1, s5;
	s5 =	sadd.s32 $0xE00, s3;
	s6 =	smul.u32 $0x4E000, s24  }
0x9: {  	s8 =	sshll.u32 s24, $0x1;
	s14 =	smul.u32 $0x13800, s24;
	s11 =	sadd.s32 $0x138000, s2  }
0xa: {  	p0 =	sne.s32 s24, $0xF;
	_ =	strace $0x8000004A;
	s25 =	ssub.s32 $0x2, s13  }
0xb: {  	s15 =	sor.u32 s13, s8;
	s20 =	smul.u32 $0x138800, s13;
	s7 =	sshrl.u32 s25, $0x1  }
0xc: {  	s6 =	sshrl.u32 s6, $0x2;
	s16 =	sadd.s32 $0x4000, s14;
	s17 =	sadd.s32 $0x8000, s14  }
0xd: {  	s18 =	sadd.s32 $0xC000, s14;
	s19 =	sadd.s32 $0x10000, s14;
	s21 =	sshll.u32 s15, $0xB  }
0xe: {  	s26 =	sshll.u32 s15, $0x4;
	s3 =	ssub.s32 s25, s7;
	s6 =	sadd.s32 s6, s2  }
0xf: {  	s7 =	sadd.s32 s16, s2;
	s8 =	sadd.s32 s17, s2;
	s9 =	sadd.s32 s18, s2  }
0x10: {  	s10 =	sadd.s32 s19, s2;
	s21 =	sadd.s32 s0, s21;
	s14 =	sadd.s32 s14, s20  }
0x11: {  	s16 =	sadd.s32 s20, s16;
	s23 =	sadd.s32 s20, s17;
	[dreg:$0x6] =	wrdreg s21  }
0x12: {  	s21 =	sadd.s32 s1, s26;
	s14 =	sshrl.u32 s14, $0x3;
	s22 =	sshrl.u32 s16, $0x3  }
0x13: {  	s25 =	sshrl.u32 s23, $0x3;
	s26 =	sadd.s32 s20, s18;
	s18 =	sadd.s32 s20, s19  }
0x14: {  	s23 =	sshll.u32 s24, $0x5;
	[dreg:$0x7] =	wrdreg s21;
	s14 =	sadd.s32 s12, s14  }
0x15: {  	s17 =	sshrl.u32 s26, $0x3;
	s19 =	sshrl.u32 s18, $0x3;
	s21 =	sshrl.u32 s20, $0x3  }
0x16: {  	s20 =	smax.u32 s3, $0x1;
	s3 =	simm.s32 $0x0;
	[dreg:$0x8] =	wrdreg s14  }
0x17: {  	s14 =	sadd.s32 s12, s22;
	s22 =	sshll.u32 s24, $0xC;
	s24 =	simm.s32 $0x13880  }
0x18: {  	[dreg:$0x9] =	wrdreg s14;
	s14 =	sadd.s32 s12, s25;
	s0 =	sadd.s32 s22, s0  }
0x19: {  	s25 =	sshll.u32 s13, $0xB;
	[dreg:$0xa] =	wrdreg s14;
	s14 =	sadd.s32 s12, s17  }
0x1a: {  	[dreg:$0xb] =	wrdreg s14;
	s14 =	sadd.s32 s12, s19;
	s12 =	sadd.s32 s12, s21  }
0x1b: {  	s13 =	sshll.u32 s13, $0x4;
	s21 =	sadd.s32 s25, s0;
	s12 =	sadd.s32 $0x27000, s12  }
0x1c: {  	s25 =	simm.s32 $0x3;
	[dreg:$0xd] =	wrdreg s12;
	s12 =	sadd.s32 s23, s1  }
0x1d: {  	s0 =	simm.s32 $0x2;
	[dreg:$0xc] =	wrdreg s14;
	s26 =	sadd.s32 s13, s12  }
0x1e: {  	s23 =	sor.u32 $0x40, s15;
	s22 =	sadd.s32 $0x200, s26;
	s26 =	simm.s32 $0x1B880  }
.LBB2_1:
0x1f: {  	[tilespmem:s24], [sflag:$0x3] =	stream.linear.gather [hbm4b:s5+s4], $0x4000, $0x38;
	[tilespmem:$0x1B980] =	vst v63  }
0x20: {  	_ =	swait.ge [sflag:s25], $0x4000  }
0x21: {  	[sflag:s25] =	ssyncset.done $0x0  }
0x22: {  	[sflag:s25] =	ssyncadd.s32 $0xFFFFC000  }
0x23: {  	[spmem:s6] =	stream.linear.scatter [tilespmem:s24], [sflag:$0x3], $0x4000, $0x38;
	[tilespmem:$0x1B980] =	vst v63  }
0x24: {  	_ =	swait.ge [sflag:s25], $0x4000  }
0x25: {  	[sflag:s25] =	ssyncset.done $0x0  }
0x26: {  	[sflag:s25] =	ssyncadd.s32 $0xFFFFC000  }
0x27: {  	[spmem:s7] =	stream.linear.scatter [tilespmem:s24], [sflag:$0x3], $0x4000, $0x38;
	[tilespmem:$0x1B980] =	vst v63  }
0x28: {  	_ =	swait.ge [sflag:s25], $0x4000  }
0x29: {  	[sflag:s25] =	ssyncset.done $0x0  }
0x2a: {  	[sflag:s25] =	ssyncadd.s32 $0xFFFFC000  }
0x2b: {  	[spmem:s8] =	stream.linear.scatter [tilespmem:s24], [sflag:$0x3], $0x4000, $0x38;
	[tilespmem:$0x1B980] =	vst v63  }
0x2c: {  	_ =	swait.ge [sflag:s25], $0x4000  }
0x2d: {  	[sflag:s25] =	ssyncset.done $0x0  }
0x2e: {  	[sflag:s25] =	ssyncadd.s32 $0xFFFFC000  }
0x2f: {  	[spmem:s9] =	stream.linear.scatter [tilespmem:s24], [sflag:$0x3], $0x4000, $0x38;
	[tilespmem:$0x1B980] =	vst v63  }
0x30: {  	_ =	swait.ge [sflag:s25], $0x4000  }
0x31: {  	[sflag:s25] =	ssyncset.done $0x0  }
0x32: {  	[sflag:s25] =	ssyncadd.s32 $0xFFFFC000  }
0x33: {  	[spmem:s10] =	stream.linear.scatter [tilespmem:s24], [sflag:$0x3], $0x3800, $0x38;
	[tilespmem:$0x1B980] =	vst v63  }
0x34: {  	_ =	swait.ge [sflag:s25], $0x3800  }
0x35: {  	[sflag:s25] =	ssyncset.done $0x0  }
0x36: {  	s12 =	simm.s32 @!p0 $0x13880;
	[sflag:s25] =	ssyncadd.s32 $0xFFFFC800  }
0x37: {  	[spmem:s11] =	stream.linear.scatter @!p0 [tilespmem:s12], [sflag:$0x3], $0x800, $0x38;
	[tilespmem:$0x1B980] =	vst v63  }
0x38: {  	s12 =	simm.s32 @!p0 $0x3  }
0x39: {  	_ =	swait.ge @!p0 [sflag:s12], $0x800  }
0x3a: {  	[sflag:s12] =	ssyncset.done @!p0 $0x0  }
0x3b: {  	[sflag:s12] =	ssyncadd.s32 @!p0 $0xFFFFF800  }
0x3c: {  	[bflag:$0x0] =	sbarrier.arrive $0xFFFF  }
0x3d: {  	s17 =	rddreg [dreg:$0x6]  }
0x3e: {  	[tilespmem:s24], [sflag:$0x1] =	stream.linear.gather [hbm4b:s17+s4], $0x4000, $0x38;
	[tilespmem:$0x1B980] =	vst v63  }
0x3f: {  	s19 =	sadd.s32 $0x0, s21;
	s18 =	rddreg [dreg:$0x7]  }
0x40: {  	[tilespmem:s26], [sflag:$0x1] =	stream.linear.gather [hbm4b:s18+s4], $0x80, $0x38;
	[tilespmem:$0x1B980] =	vst v63  }
0x41: {  	s12 =	sadd.s32 $0x10000, s19  }
0x42: {  	[tilespmem:s28], [sflag:$0x2] =	stream.linear.gather [hbm4b:s12+s4], $0x4000, $0x38;
	[tilespmem:$0x1B980] =	vst v63  }
0x43: {  	_ = 	snop  }
0x44: {  	[tilespmem:s29], [sflag:$0x2] =	stream.linear.gather [hbm4b:s22+s4], $0x80, $0x38;
	[tilespmem:$0x1B980] =	vst v63  }
0x45: {  	_ =	swait.ge [sflag:s30], $0x4000  }
0x46: {  	[sflag:s30] =	ssyncset.done $0x0  }
0x47: {  	[sflag:s30] =	ssyncadd.s32 $0xFFFFC000  }
0x48: {  	_ =	swait.ge [sflag:s30], $0x80  }
0x49: {  	[sflag:s30] =	ssyncset.done $0x0  }
0x4a: {  	[sflag:s30] =	ssyncadd.s32 $0xFFFFFF80  }
0x4b: {  	[spmem:s2] =	stream.indirect.scatter.add.f32 [tilespmem:s24], [sflag:$0x3], $0x80, s26, s31, $0xb8;
	[tilespmem:$0x1B980] =	vst v63  }
0x4c: {  	p1 =	sgt.u32 s23, $0x9C3;
	_ =	swait.ge [sflag:s25], $0x4000  }
0x4d: {  	s13 =	simm.s32 @p1 $0x13880;
	s14 =	sadd.s32 @!p1 $0x0, s21;
	[sflag:s25] =	ssyncset.done $0x0  }
0x4e: {  	s15 =	simm.s32 @!p1 $0x0;
	s12 =	simm.s32 @p1 $0x0;
	[sflag:s25] =	ssyncadd.s32 $0xFFFFC000  }
0x4f: {  	[tilespmem:s13], [sflag:$0x1] =	stream.linear.gather @p1 [hbm4b:s5+s12], $0x4000, $0x38;
	[tilespmem:$0x1B980] =	vst v63  }
0x50: {  	s12 =	sadd.s32 @!p1 $0x20000, s14;
	s13 =	simm.s32 @!p1 $0x13880;
	s14 =	sadd.s32 @!p1 $0x200, s22  }
0x51: {  	[tilespmem:s13], [sflag:$0x1] =	stream.linear.gather @!p1 [hbm4b:s12+s15], $0x4000, $0x38;
	[tilespmem:$0x1B980] =	vst v63  }
0x52: {  	s14 =	smov.u32 @p1 s1  }
0x53: {  	[tilespmem:s26], [sflag:$0x1] =	stream.linear.gather [hbm4b:s14+s4], $0x80, $0x38;
	[tilespmem:$0x1B980] =	vst v63  }
0x54: {  	_ =	swait.ge [sflag:s0], $0x4000  }
0x55: {  	[sflag:s0] =	ssyncset.done $0x0  }
0x56: {  	[sflag:s0] =	ssyncadd.s32 $0xFFFFC000  }
0x57: {  	_ =	swait.ge [sflag:s0], $0x80  }
0x58: {  	s16 =	sadd.s32 $0x20000, s21;
	[sflag:s0] =	ssyncset.done $0x0  }
0x59: {  	s15 =	simm.s32 $0x40000;
	s13 =	sadd.s32 $0x40, s23;
	[sflag:s0] =	ssyncadd.s32 $0xFFFFFF80  }
0x5a: {  	[spmem:s2] =	stream.indirect.scatter.add.f32 [tilespmem:s28], [sflag:$0x3], $0x80, s29, s31, $0xb8;
	[tilespmem:$0x1B980] =	vst v63  }
0x5b: {  	s12 =	sadd.s32 $0x400, s22;
	s14 =	simm.s32 $0x20000;
	_ =	swait.ge [sflag:s25], $0x4000  }
.LBB2_2:
0x5c: {  	s16 =	sadd.s32 $0x10000, s16  }
0x5d: {  	[sflag:s25] =	ssyncset.done $0x0;
	s17 =	smov.u32 s15;
	s15 =	sadd.s32 $0x20000, s15  }
0x5e: {  	p1 =	sne.s32 s15, $0x4E0000;
	[sflag:s25] =	ssyncadd.s32 $0xFFFFC000  }
0x5f: {  	[tilespmem:s28], [sflag:$0x2] =	stream.linear.gather [hbm4b:s16+s4], $0x4000, $0x38;
	[tilespmem:$0x1B980] =	vst v63  }
0x60: {  	_ = 	snop  }
0x61: {  	[tilespmem:s29], [sflag:$0x2] =	stream.linear.gather [hbm4b:s12+s4], $0x80, $0x38;
	[tilespmem:$0x1B980] =	vst v63  }
0x62: {  	_ =	swait.ge [sflag:s30], $0x4000  }
0x63: {  	[sflag:s30] =	ssyncset.done $0x0  }
0x64: {  	[sflag:s30] =	ssyncadd.s32 $0xFFFFC000  }
0x65: {  	_ =	swait.ge [sflag:s30], $0x80  }
0x66: {  	[sflag:s30] =	ssyncset.done $0x0  }
0x67: {  	[sflag:s30] =	ssyncadd.s32 $0xFFFFFF80  }
0x68: {  	[spmem:s2] =	stream.indirect.scatter.add.f32 [tilespmem:s24], [sflag:$0x3], $0x80, s26, s31, $0xb8;
	[tilespmem:$0x1B980] =	vst v63  }
0x69: {  	p2 =	sgt.u32 s13, $0x9C3;
	_ =	swait.ge [sflag:s25], $0x4000  }
0x6a: {  	s18 =	simm.s32 @p2 $0x13880;
	s16 =	simm.s32 @p2 $0x0;
	[sflag:s25] =	ssyncset.done $0x0  }
0x6b: {  	s14 =	sadd.s32 @!p2 s14, s21;
	s19 =	simm.s32 @!p2 $0x0;
	[sflag:s25] =	ssyncadd.s32 $0xFFFFC000  }
0x6c: {  	[tilespmem:s18], [sflag:$0x1] =	stream.linear.gather @p2 [hbm4b:s5+s16], $0x4000, $0x38;
	[tilespmem:$0x1B980] =	vst v63  }
0x6d: {  	s14 =	sadd.s32 @!p2 $0x20000, s14;
	s16 =	simm.s32 @!p2 $0x13880;
	s18 =	sadd.s32 @!p2 $0x200, s12  }
0x6e: {  	[tilespmem:s16], [sflag:$0x1] =	stream.linear.gather @!p2 [hbm4b:s14+s19], $0x4000, $0x38;
	[tilespmem:$0x1B980] =	vst v63  }
0x6f: {  	s18 =	smov.u32 @p2 s1;
	s14 =	smov.u32 s17  }
0x70: {  	[tilespmem:s26], [sflag:$0x1] =	stream.linear.gather [hbm4b:s18+s4], $0x80, $0x38;
	[tilespmem:$0x1B980] =	vst v63  }
0x71: {  	_ =	swait.ge [sflag:s0], $0x4000  }
0x72: {  	[sflag:s0] =	ssyncset.done $0x0  }
0x73: {  	[sflag:s0] =	ssyncadd.s32 $0xFFFFC000  }
.Ltmp0:
0x74: {  	_ =	swait.ge [sflag:s0], $0x80;
	(pc) =	sbr.rel @p1 .LBB2_2-.Ltmp0, $4  }
0x75: {  	[sflag:s0] =	ssyncset.done $0x0  }
0x76: {  	s13 =	sadd.s32 $0x40, s13;
	[sflag:s0] =	ssyncadd.s32 $0xFFFFFF80  }
0x77: {  	[spmem:s2] =	stream.indirect.scatter.add.f32 [tilespmem:s28], [sflag:$0x3], $0x80, s29, s31, $0xb8;
	[tilespmem:$0x1B980] =	vst v63  }
0x78: {  	s12 =	sadd.s32 $0x400, s12;
	s16 =	sadd.s32 s14, s21;
	_ =	swait.ge [sflag:s25], $0x4000  }
0x79: {  	[sflag:s25] =	ssyncset.done $0x0  }
0x7a: {  	s15 =	sadd.s32 $0x10000, s16;
	[sflag:s25] =	ssyncadd.s32 $0xFFFFC000  }
0x7b: {  	[tilespmem:s28], [sflag:$0x2] =	stream.linear.gather [hbm4b:s15+s4], $0x4000, $0x38;
	[tilespmem:$0x1B980] =	vst v63  }
0x7c: {  	_ = 	snop  }
0x7d: {  	[tilespmem:s29], [sflag:$0x2] =	stream.linear.gather [hbm4b:s12+s4], $0x80, $0x38;
	[tilespmem:$0x1B980] =	vst v63  }
0x7e: {  	_ =	swait.ge [sflag:s30], $0x4000  }
0x7f: {  	[sflag:s30] =	ssyncset.done $0x0  }
0x80: {  	[sflag:s30] =	ssyncadd.s32 $0xFFFFC000  }
0x81: {  	_ =	swait.ge [sflag:s30], $0x80  }
0x82: {  	[sflag:s30] =	ssyncset.done $0x0  }
0x83: {  	[sflag:s30] =	ssyncadd.s32 $0xFFFFFF80  }
0x84: {  	[spmem:s2] =	stream.indirect.scatter.add.f32 [tilespmem:s24], [sflag:$0x3], $0x80, s26, s31, $0xb8;
	[tilespmem:$0x1B980] =	vst v63  }
0x85: {  	p1 =	sgt.u32 s13, $0x9C3;
	_ =	swait.ge [sflag:s25], $0x4000  }
0x86: {  	s13 =	simm.s32 @p1 $0x0;
	s14 =	sadd.s32 @!p1 s14, s21;
	[sflag:s25] =	ssyncset.done $0x0  }
0x87: {  	s15 =	simm.s32 @p1 $0x13880;
	s14 =	sadd.s32 @!p1 $0x20000, s14;
	[sflag:s25] =	ssyncadd.s32 $0xFFFFC000  }
0x88: {  	[tilespmem:s15], [sflag:$0x1] =	stream.linear.gather @p1 [hbm4b:s5+s13], $0x4000, $0x38;
	[tilespmem:$0x1B980] =	vst v63  }
0x89: {  	s12 =	sadd.s32 @!p1 $0x200, s12;
	s13 =	simm.s32 @!p1 $0x0;
	s15 =	simm.s32 @!p1 $0x13880  }
0x8a: {  	[tilespmem:s15], [sflag:$0x1] =	stream.linear.gather @!p1 [hbm4b:s14+s13], $0x4000, $0x38;
	[tilespmem:$0x1B980] =	vst v63  }
0x8b: {  	s12 =	smov.u32 @p1 s1  }
0x8c: {  	[tilespmem:s26], [sflag:$0x1] =	stream.linear.gather [hbm4b:s12+s4], $0x80, $0x38;
	[tilespmem:$0x1B980] =	vst v63  }
0x8d: {  	_ =	swait.ge [sflag:s0], $0x4000  }
0x8e: {  	[sflag:s0] =	ssyncset.done $0x0  }
0x8f: {  	[sflag:s0] =	ssyncadd.s32 $0xFFFFC000  }
0x90: {  	_ =	swait.ge [sflag:s0], $0x80  }
0x91: {  	[sflag:s0] =	ssyncset.done $0x0  }
0x92: {  	[sflag:s0] =	ssyncadd.s32 $0xFFFFFF80  }
0x93: {  	[spmem:s2] =	stream.indirect.scatter.add.f32 [tilespmem:s28], [sflag:$0x3], $0x80, s29, s31, $0xb8;
	[tilespmem:$0x1B980] =	vst v63  }
0x94: {  	_ =	swait.ge [sflag:s25], $0x4000  }
0x95: {  	[sflag:s25] =	ssyncset.done $0x0  }
0x96: {  	[sflag:s25] =	ssyncadd.s32 $0xFFFFC000  }
0x97: {  	[tilespmem:s28], [sflag:$0x2] =	stream.linear.gather [hbm4b:s5+s4], $0x4000, $0x38;
	[tilespmem:$0x1B980] =	vst v63  }
0x98: {  	_ = 	snop  }
0x99: {  	[tilespmem:s29], [sflag:$0x2] =	stream.linear.gather [hbm4b:s1+s4], $0x80, $0x38;
	[tilespmem:$0x1B980] =	vst v63  }
0x9a: {  	_ =	swait.ge [sflag:s30], $0x4000  }
0x9b: {  	[sflag:s30] =	ssyncset.done $0x0  }
0x9c: {  	[sflag:s30] =	ssyncadd.s32 $0xFFFFC000  }
0x9d: {  	_ =	swait.ge [sflag:s30], $0x80  }
0x9e: {  	[sflag:s30] =	ssyncset.done $0x0  }
0x9f: {  	[sflag:s30] =	ssyncadd.s32 $0xFFFFFF80  }
0xa0: {  	[spmem:s2] =	stream.indirect.scatter.add.f32 [tilespmem:s24], [sflag:$0x3], $0x80, s26, s31, $0xb8;
	[tilespmem:$0x1B980] =	vst v63  }
0xa1: {  	_ =	swait.ge [sflag:s25], $0x4000  }
0xa2: {  	[sflag:s25] =	ssyncset.done $0x0  }
0xa3: {  	[sflag:s25] =	ssyncadd.s32 $0xFFFFC000  }
0xa4: {  	[tilespmem:s24], [sflag:$0x1] =	stream.linear.gather [hbm4b:s5+s4], $0x4000, $0x38;
	[tilespmem:$0x1B980] =	vst v63  }
0xa5: {  	_ = 	snop  }
0xa6: {  	[tilespmem:s26], [sflag:$0x1] =	stream.linear.gather [hbm4b:s1+s4], $0x80, $0x38;
	[tilespmem:$0x1B980] =	vst v63  }
0xa7: {  	_ =	swait.ge [sflag:s0], $0x4000  }
0xa8: {  	[sflag:s0] =	ssyncset.done $0x0  }
0xa9: {  	[sflag:s0] =	ssyncadd.s32 $0xFFFFC000  }
0xaa: {  	_ =	swait.ge [sflag:s0], $0x80  }
0xab: {  	[sflag:s0] =	ssyncset.done $0x0  }
0xac: {  	[sflag:s0] =	ssyncadd.s32 $0xFFFFFF80  }
0xad: {  	[spmem:s2] =	stream.indirect.scatter.add.f32 [tilespmem:s28], [sflag:$0x3], $0x80, s29, s31, $0xb8;
	[tilespmem:$0x1B980] =	vst v63  }
0xae: {  	_ =	swait.ge [sflag:s25], $0x4000  }
0xaf: {  	[sflag:s25] =	ssyncset.done $0x0  }
0xb0: {  	[sflag:s25] =	ssyncadd.s32 $0xFFFFC000  }
0xb1: {  	_ =	swait.ge [sflag:s30], $0x4000  }
0xb2: {  	[sflag:s30] =	ssyncset.done $0x0  }
0xb3: {  	[sflag:s30] =	ssyncadd.s32 $0xFFFFC000  }
0xb4: {  	_ =	swait.ge [sflag:s30], $0x80  }
0xb5: {  	[sflag:s30] =	ssyncset.done $0x0  }
0xb6: {  	[sflag:s30] =	ssyncadd.s32 $0xFFFFFF80  }
0xb7: {  	[spmem:s2] =	stream.indirect.scatter.add.f32 [tilespmem:s24], [sflag:$0x3], $0x80, s26, s31, $0xb8;
	[tilespmem:$0x1B980] =	vst v63  }
0xb8: {  	_ =	swait.ge [sflag:s25], $0x4000  }
0xb9: {  	[sflag:s25] =	ssyncset.done $0x0  }
0xba: {  	[sflag:s25] =	ssyncadd.s32 $0xFFFFC000  }
0xbb: {  	[bflag:$0x0] =	sbarrier.arrive $0xFFFF  }
0xbc: {  	[tilespmem:s24], [sflag:$0x3] =	stream.linear.gather [spmem:s6], $0x4000, $0x38;
	[tilespmem:$0x1B980] =	vst v63  }
0xbd: {  	_ =	swait.ge [sflag:s25], $0x4000  }
0xbe: {  	[sflag:s25] =	ssyncset.done $0x0  }
0xbf: {  	s15 =	rddreg [dreg:$0x8];
	[sflag:s25] =	ssyncadd.s32 $0xFFFFC000  }
0xc0: {  	[hbm4b:s15+s4] =	stream.linear.scatter [tilespmem:s24], [sflag:$0x3], $0x4000, $0x38;
	[tilespmem:$0x1B980] =	vst v63  }
0xc1: {  	_ =	swait.ge [sflag:s25], $0x4000  }
0xc2: {  	[sflag:s25] =	ssyncset.done $0x0  }
0xc3: {  	[sflag:s25] =	ssyncadd.s32 $0xFFFFC000  }
0xc4: {  	[tilespmem:s24], [sflag:$0x3] =	stream.linear.gather [spmem:s7], $0x4000, $0x38;
	[tilespmem:$0x1B980] =	vst v63  }
0xc5: {  	_ =	swait.ge [sflag:s25], $0x4000  }
0xc6: {  	[sflag:s25] =	ssyncset.done $0x0  }
0xc7: {  	s16 =	rddreg [dreg:$0x9];
	[sflag:s25] =	ssyncadd.s32 $0xFFFFC000  }
0xc8: {  	[hbm4b:s16+s4] =	stream.linear.scatter [tilespmem:s24], [sflag:$0x3], $0x4000, $0x38;
	[tilespmem:$0x1B980] =	vst v63  }
0xc9: {  	_ =	swait.ge [sflag:s25], $0x4000  }
0xca: {  	[sflag:s25] =	ssyncset.done $0x0  }
0xcb: {  	[sflag:s25] =	ssyncadd.s32 $0xFFFFC000  }
0xcc: {  	[tilespmem:s24], [sflag:$0x3] =	stream.linear.gather [spmem:s8], $0x4000, $0x38;
	[tilespmem:$0x1B980] =	vst v63  }
0xcd: {  	_ =	swait.ge [sflag:s25], $0x4000  }
0xce: {  	[sflag:s25] =	ssyncset.done $0x0  }
0xcf: {  	s17 =	rddreg [dreg:$0xa];
	[sflag:s25] =	ssyncadd.s32 $0xFFFFC000  }
0xd0: {  	[hbm4b:s17+s4] =	stream.linear.scatter [tilespmem:s24], [sflag:$0x3], $0x4000, $0x38;
	[tilespmem:$0x1B980] =	vst v63  }
0xd1: {  	_ =	swait.ge [sflag:s25], $0x4000  }
0xd2: {  	[sflag:s25] =	ssyncset.done $0x0  }
0xd3: {  	[sflag:s25] =	ssyncadd.s32 $0xFFFFC000  }
0xd4: {  	[tilespmem:s24], [sflag:$0x3] =	stream.linear.gather [spmem:s9], $0x4000, $0x38;
	[tilespmem:$0x1B980] =	vst v63  }
0xd5: {  	_ =	swait.ge [sflag:s25], $0x4000  }
0xd6: {  	[sflag:s25] =	ssyncset.done $0x0  }
0xd7: {  	s18 =	rddreg [dreg:$0xb];
	[sflag:s25] =	ssyncadd.s32 $0xFFFFC000  }
0xd8: {  	[hbm4b:s18+s4] =	stream.linear.scatter [tilespmem:s24], [sflag:$0x3], $0x4000, $0x38;
	[tilespmem:$0x1B980] =	vst v63  }
0xd9: {  	_ =	swait.ge [sflag:s25], $0x4000  }
0xda: {  	[sflag:s25] =	ssyncset.done $0x0  }
0xdb: {  	[sflag:s25] =	ssyncadd.s32 $0xFFFFC000  }
0xdc: {  	[tilespmem:s24], [sflag:$0x3] =	stream.linear.gather [spmem:s10], $0x3800, $0x38;
	[tilespmem:$0x1B980] =	vst v63  }
0xdd: {  	_ =	swait.ge [sflag:s25], $0x3800  }
0xde: {  	[sflag:s25] =	ssyncset.done $0x0  }
0xdf: {  	s19 =	rddreg [dreg:$0xc];
	[sflag:s25] =	ssyncadd.s32 $0xFFFFC800  }
0xe0: {  	[hbm4b:s19+s4] =	stream.linear.scatter [tilespmem:s24], [sflag:$0x3], $0x3800, $0x38;
	[tilespmem:$0x1B980] =	vst v63  }
0xe1: {  	_ =	swait.ge [sflag:s25], $0x3800  }
0xe2: {  	[sflag:s25] =	ssyncset.done $0x0  }
0xe3: {  	s13 =	simm.s32 @!p0 $0x3;
	s12 =	simm.s32 @!p0 $0x13880;
	[sflag:s25] =	ssyncadd.s32 $0xFFFFC800  }
0xe4: {  	[tilespmem:s12], [sflag:$0x3] =	stream.linear.gather @!p0 [spmem:s11], $0x800, $0x38;
	[tilespmem:$0x1B980] =	vst v63  }
0xe5: {  	s3 =	sadd.s32 $0x1, s3;
	_ =	swait.ge @!p0 [sflag:s13], $0x800  }
0xe6: {  	s14 =	simm.s32 @!p0 $0x0;
	p1 =	sne.s32 s3, s20;
	[sflag:s13] =	ssyncset.done @!p0 $0x0  }
.Ltmp1:
0xe7: {  	s15 =	rddreg [dreg:$0xd];
	[sflag:s13] =	ssyncadd.s32 @!p0 $0xFFFFF800;
	(pc) =	sbr.rel @p1 .LBB2_1-.Ltmp1, $4  }
0xe8: {  	[hbm4b:s15+s14] =	stream.linear.scatter @!p0 [tilespmem:s12], [sflag:$0x3], $0x800, $0x38;
	[tilespmem:$0x1B980] =	vst v63  }
0xe9: {  	_ =	swait.ge @!p0 [sflag:s13], $0x800  }
0xea: {  	[sflag:s13] =	ssyncset.done @!p0 $0x0  }
0xeb: {  	[sflag:s13] =	ssyncadd.s32 @!p0 $0xFFFFF800  }
0xec: {  	_ =	sfence.sel $0x180000  }
0xed: {  	[bflag:$0x0] =	sbarrier.arrive $0xFFFF  }
0xee: {  	_ =	strace $0x9000004A  }
0xef: {  	s0 =	stileid.u32;
	[bflag:$0x2] =	sbarrier.arrive $0xFFFF  }
0xf0: {  	p0 =	sne.s32 s0, $0x0;
	s0 =	rddreg [dreg:$0x5]  }
0xf1: {  	s0 =	sadd.s32 @!p0 $0x100000, s0  }
0xf2: {  	[sflag:s0] =	ssyncadd.tile.s32 @!p0 $0x1;
	_ =	shalt  }
.Lfunc_end2:
_tile_overlayer_lowered:
.L_overlay_start_2:
0xf3: {  	(tag) =	ssettag $0x2  }
0xf4: {  	s0 =	rddreg [dreg:$0x0];
	s2 =	stileid.u32  }
0xf5: {  	s1 =	rddreg [dreg:$0x1];
	p0 =	sne.s32 s2, $0x0  }
0xf6: {  	s3 =	rddreg [dreg:$0x2];
	[bflag:$0x3] =	sbarrier.arrive $0xFFFF;
	s2 =	simm.s32 @!p0 $0x1C03  }
0xf7: {  	[timem:s3], [sflag:s2] =	dma.local @!p0 [hbm:s0], s1  }
0xf8: {  	s0 =	simm.s32 @!p0 $0x3  }
0xf9: {  	_ =	swait.ge @!p0 [sflag:s0], s1  }
0xfa: {  	s1 =	ssub.s32 @!p0 $0x0, s1;
	[sflag:s0] =	ssyncset.done @!p0 $0x0  }
0xfb: {  	[sflag:s0] =	ssyncadd.s32 @!p0 s1  }
0xfc: {  	[bflag:$0x3] =	sbarrier.arrive $0xFFFF  }
0xfd: {  	_ =	shalt  }

// kernel: kernel.8.cloned.1.call-start
scs
__scs_entry_jumppad:
0x0: {  	(pc) =	sbr.rel $0x88, $3  }
0x1: {  	(tag) =	ssettag $0x0;
	lr =	simm.s32 $0x1  }
0x2: {  	[smem:$0x3F9D] =	sst lr;
	_ =	strace $0xD0000000  }
0x3: {  	_ = 	snop  }
0x4: {  	_ = 	snop  }
0x5: {  	_ = 	snop  }
0x6: {  	_ = 	snop  }
0x7: {  	_ = 	snop  }
__scs_overlays_trampoline_lowered:
0x8: {  	[smem:$0x3FAC] =	sst s0  }
0x9: {  	[smem:$0x3FAD] =	sst s1  }
0xa: {  	[smem:$0x3FAE] =	sst s2  }
0xb: {  	[smem:$0x3FAF] =	sst s3  }
0xc: {  	[smem:$0x3FB0] =	sst s4  }
0xd: {  	[smem:$0x3FB1] =	sst s5  }
0xe: {  	[smem:$0x3FB2] =	sst s6  }
0xf: {  	[smem:$0x3FB3] =	sst s7  }
0x10: {  	[smem:$0x3FB4] =	sst s8  }
0x11: {  	[smem:$0x3FB5] =	sst s9;
	s0 =	simm.s32 @!p0 $0x0  }
0x12: {  	s1 =	sld [smem:$0x3F9B];
	s0 =	simm.s32 @p0 $0x1  }
0x13: {  	[smem:$0x3FB6] =	sst s0;
	s0 =	simm.s32 @!p1 $0x0  }
0x14: {  	s2 =	sld [smem:$0x3F9A];
	s0 =	simm.s32 @p1 $0x1  }
0x15: {  	[smem:$0x3FB7] =	sst s0;
	s0 =	simm.s32 @!p2 $0x0  }
0x16: {  	s3 =	sld [smem:$0x3FDB];
	s0 =	simm.s32 @p2 $0x1  }
0x17: {  	s4 =	simm.s32 $0x1BF5;
	[smem:$0x3FB9] =	sst s0  }
0x18: {  	s0 =	sld [smem:$0x3F9C];
	_ =	swait.ge [sflag:s4], $0x0  }
0x19: {  	s7 =	sld [smem:$0x3F9D]  }
0x1a: {  	s8 =	sadd.s32 $0xFFFFE003, lr  }
0x1b: {  	s9 =	sadd.s32 $0xFFFFFEF7, lr;
	s5 =	simm.s32 $0xFFFFFFFF;
	p2 =	slt.u32 s8, $0xFFFFF086  }
0x1c: {  	p1 =	slt.u32 s9, $0xF7A;
	s5 =	simm.s32 @!p2 $0x0  }
0x1d: {  	s5 =	simm.s32 @p1 $0x1;
	p0 =	seq.s32 s7, s2  }
0x1e: {  	s7 =	smul.u32 @!p0 $0xF7A, s2;
	p2 =	seq.s32 @!p0 s5, $0x0  }
0x1f: {  	s9 =	smul.u32 $0xF7A, s1;
	s8 =	simm.s32 @!p0 $0x1BF5;
	p2 =	por !p2, p0  }
0x20: {  	[sflag:s8] =	ssyncset.s32 @!p0 $0xFFFFF086;
	s6 =	sadd.s32 @!p0 s3, s7;
	s7 =	simm.s32 @!p0 $0x108  }
0x21: {  	s3 =	sadd.s32 s3, s9;
	s6 =	sadd.s32 @!p0 $0x88, s6;
	s7 =	simm.s32 @p2 $0x1082  }
0x22: {  	[simem:s7], [sflag:s8] =	dma.local @!p0 [hbm:s6], $0xF7A  }
0x23: {  	s9 =	sor.u32 $0xD0000000, s2;
	s6 =	simm.s32 $0x108;
	_ =	swait.ge @!p0 [sflag:s8], $0x0  }
0x24: {  	s3 =	sadd.s32 $0x88, s3;
	s6 =	simm.s32 @!p1 $0x1082;
	[sflag:s4] =	ssyncset.s32 $0xFFFFF086  }
0x25: {  	[simem:s6], [sflag:s4] =	dma.local [hbm:s3], $0xF7A  }
0x26: {  	[smem:$0x3F9D] =	sst s1;
	(tag) =	ssettag s2;
	_ =	strace s9  }
0x27: {  	s1 =	sld [smem:$0x3FAD]  }
0x28: {  	s2 =	sld [smem:$0x3FAE]  }
0x29: {  	s4 =	sld [smem:$0x3FB0]  }
0x2a: {  	p0 =	seq.s32 s5, $0x0;
	s5 =	sld [smem:$0x3FB1]  }
0x2b: {  	s6 =	sld [smem:$0x3FB2]  }
0x2c: {  	s7 =	sld [smem:$0x3FB3]  }
0x2d: {  	s3 =	simm.s32 $0x108;
	s8 =	sld [smem:$0x3FB4]  }
0x2e: {  	s3 =	simm.s32 @!p0 $0x1082;
	s9 =	sld [smem:$0x3FB5]  }
0x2f: {  	lr =	sadd.s32 s0, s3;
	s0 =	sld [smem:$0x3FAC]  }
0x30: {  	s3 =	sld [smem:$0x3FAF]  }
0x31: {  	[smem:$0x3FB8] =	sst s10  }
0x32: {  	s10 =	sld [smem:$0x3FB6];
	_ =	sdelay $0x3  }
0x33: {  	p0 =	seq.s32 s10, $0x1;
	s10 =	sld [smem:$0x3FB8];
	_ =	sdelay $0x3  }
0x34: {  	[smem:$0x3FB8] =	sst s10  }
0x35: {  	s10 =	sld [smem:$0x3FB7];
	_ =	sdelay $0x3  }
0x36: {  	p1 =	seq.s32 s10, $0x1;
	s10 =	sld [smem:$0x3FB8];
	_ =	sdelay $0x3  }
0x37: {  	[smem:$0x3FB8] =	sst s10  }
0x38: {  	s10 =	sld [smem:$0x3FB9]  }
0x39: {  	_ = 	snop;
	(pc) =	sbr.ind lr, $3  }
0x3a: {  	_ = 	snop  }
0x3b: {  	_ = 	snop  }
0x3c: {  	p2 =	seq.s32 s10, $0x1;
	s10 =	sld [smem:$0x3FB8]  }
0x3d: {  	_ =	shalt  }
0x3e: {  	_ =	shalt  }
0x3f: {  	_ =	shalt  }
0x40: {  	_ =	shalt  }
0x41: {  	_ =	shalt  }
0x42: {  	_ =	shalt  }
0x43: {  	_ =	shalt  }
0x44: {  	_ =	shalt  }
0x45: {  	_ =	shalt  }
0x46: {  	_ =	shalt  }
0x47: {  	_ =	shalt  }
0x48: {  	_ =	shalt  }
0x49: {  	_ =	shalt  }
0x4a: {  	_ =	shalt  }
0x4b: {  	_ =	shalt  }
0x4c: {  	_ =	shalt  }
0x4d: {  	_ =	shalt  }
0x4e: {  	_ =	shalt  }
0x4f: {  	_ =	shalt  }
0x50: {  	_ =	shalt  }
0x51: {  	_ =	shalt  }
0x52: {  	_ =	shalt  }
0x53: {  	_ =	shalt  }
0x54: {  	_ =	shalt  }
0x55: {  	_ =	shalt  }
0x56: {  	_ =	shalt  }
0x57: {  	_ =	shalt  }
0x58: {  	_ =	shalt  }
0x59: {  	_ =	shalt  }
0x5a: {  	_ =	shalt  }
0x5b: {  	_ =	shalt  }
0x5c: {  	_ =	shalt  }
0x5d: {  	_ =	shalt  }
0x5e: {  	_ =	shalt  }
0x5f: {  	_ =	shalt  }
0x60: {  	_ =	shalt  }
0x61: {  	_ =	shalt  }
0x62: {  	_ =	shalt  }
0x63: {  	_ =	shalt  }
0x64: {  	_ =	shalt  }
0x65: {  	_ =	shalt  }
0x66: {  	_ =	shalt  }
0x67: {  	_ =	shalt  }
0x68: {  	_ =	shalt  }
0x69: {  	_ =	shalt  }
0x6a: {  	_ =	shalt  }
0x6b: {  	_ =	shalt  }
0x6c: {  	_ =	shalt  }
0x6d: {  	_ =	shalt  }
0x6e: {  	_ =	shalt  }
0x6f: {  	_ =	shalt  }
0x70: {  	_ =	shalt  }
0x71: {  	_ =	shalt  }
0x72: {  	_ =	shalt  }
0x73: {  	_ =	shalt  }
0x74: {  	_ =	shalt  }
0x75: {  	_ =	shalt  }
0x76: {  	_ =	shalt  }
0x77: {  	_ =	shalt  }
0x78: {  	_ =	shalt  }
0x79: {  	_ =	shalt  }
0x7a: {  	_ =	shalt  }
0x7b: {  	_ =	shalt  }
0x7c: {  	_ =	shalt  }
0x7d: {  	_ =	shalt  }
0x7e: {  	_ =	shalt  }
0x7f: {  	_ =	shalt  }
0x80: {  	_ =	shalt  }
0x81: {  	_ =	shalt  }
0x82: {  	_ =	shalt  }
0x83: {  	_ =	shalt  }
0x84: {  	_ =	shalt  }
0x85: {  	_ =	shalt  }
0x86: {  	_ =	shalt  }
0x87: {  	_ =	shalt  }
.Lfunc_end0:
.L_simem_size_0:
called_computation.1_lowered:
.L_overlay_start_0:
0x88: {  	s2 =	sld [smem:$0x3FD9]  }
0x89: {  	s3 =	sld [smem:$0x3FFE];
	_ =	sdelay $0x1  }
0x8a: {  	s1 =	srdreg.scid  }
0x8b: {  	s0 =	sand.u32 $0x1, s1  }
0x8c: {  	s14 =	sshll.u32 s0, $0xA;
	s2 =	sadd.s32 s3, s2  }
0x8d: {  	s2 =	sadd.s32 s2, s14  }
0x8e: {  	[smem:$0x3FC4] =	sst s2  }
0x8f: {  	_ = 	snop  }
0x90: {  	s2 =	sld [smem:$0x3FD0];
	_ =	sdelay $0x2  }
0x91: {  	s15 =	simm.s32 $0xB;
	s4 =	simm.s32 $0x10  }
0x92: {  	[smem:s4], [sflag:s15] =	dma.local [hbm:s2], $0x1  }
0x93: {  	_ =	swait.eq [sflag:s15], $0x1  }
0x94: {  	[sflag:s15] =	ssyncset.done $0x0  }
0x95: {  	[sflag:s15] =	ssyncadd.s32 $0xFFFFFFFF  }
0x96: {  	s16 =	sld [smem:$0x11];
	(tm) =	ssettm $0x1  }
0x97: {  	s17 =	sld [smem:$0x3FFB];
	_ =	sdelay $0x3  }
0x98: {  	_ =	strace s17  }
0x99: {  	s3 =	sld [smem:$0x3FFC];
	_ =	sdelay $0x3  }
0x9a: {  	_ =	strace s3  }
0x9b: {  	s3 =	sld [smem:$0x3FFD];
	_ =	sdelay $0x3  }
0x9c: {  	_ =	strace s3  }
0x9d: {  	_ =	strace $0x8FFFFFFF  }
0x9e: {  	s18 =	sld [smem:$0x3FDB];
	_ =	sdelay $0x1  }
0x9f: {  	s19 =	simm.s32 $_scs_section_size  }
0xa0: {  	s5 =	simm.s32 $_size__tile_overlayer_lowered;
	s6 =	simm.s32 $_tile_overlayer_lowered  }
0xa1: {  	s22 =	simm.s32 $0x1BFF;
	s21 =	sshll.u32 s6, $0x1;
	s3 =	sadd.s32 s19, s18  }
0xa2: {  	s7 =	simm.s32 $0x0;
	s20 =	sshll.u32 s5, $0x1;
	s5 =	sadd.s32 s21, s3  }
0xa3: {  	[timem:s7], [sflag:s22] =	dma.local [hbm:s5], s20  }
0xa4: {  	_ =	swait.ge [sflag:s22], s20  }
0xa5: {  	s4 =	ssub.s32 $0x0, s20;
	[sflag:s22] =	ssyncset.done $0x0  }
0xa6: {  	[sflag:s22] =	ssyncadd.s32 s4;
	_ =	sdelay $0x1  }
0xa7: {  	s23 =	simm.s32 $0x1B8B  }
0xa8: {  	_ =	swait.ge [sflag:s23], $0x1  }
0xa9: {  	[sflag:s23] =	ssyncset.done $0x0  }
0xaa: {  	s25 =	simm.s32 $0x1B8E;
	s24 =	sld [smem:$0x3FFE];
	[sflag:s23] =	ssyncadd.s32 $0xFFFFFFFF  }
0xab: {  	s26 =	simm.s32 $execute0_lowered;
	[smem:$0x3FD2] =	sst s25  }
0xac: {  	s5 =	sshll.u32 s26, $0x1;
	_ =	strace $0x80000046;
	[dreg:$0x1] =	wrdreg $0xFFFFFFFF  }
0xad: {  	s28 =	simm.s32 $_size_execute0_lowered;
	s3 =	sadd.s32 s3, s5;
	[dreg:$0x0] =	wrdreg $0x0  }
0xae: {  	s5 =	sshll.u32 s28, $0x1;
	[dreg:$0x2] =	wrdreg s3  }
0xaf: {  	[dreg:$0x3] =	wrdreg s5  }
0xb0: {  	[dreg:$0x4] =	wrdreg $0xC0  }
0xb1: {  	_ =	task [dreg:s7], $0x5FFFF  }
0xb2: {  	[dreg:$0x1] =	wrdreg $0xFFFFFFFF  }
0xb3: {  	[dreg:$0x0] =	wrdreg $0x60  }
0xb4: {  	[dreg:$0x2] =	wrdreg s16  }
0xb5: {  	[dreg:$0x3] =	wrdreg s24  }
0xb6: {  	[dreg:$0x4] =	wrdreg $0x0  }
0xb7: {  	[dreg:$0x5] =	wrdreg $0xA  }
0xb8: {  	_ =	task.clear_ibuf [dreg:s7], $0x6FFFF;
	_ =	strace $0x90000046  }
0xb9: {  	s29 =	simm.s32 $0xA;
	_ =	strace $0x80000048  }
0xba: {  	_ =	swait.ge [sflag:s29], $0x1  }
0xbb: {  	[sflag:s29] =	ssyncadd.s32 $0xFFFFFFFF  }
0xbc: {  	_ =	strace $0x90000048  }
0xbd: {  	_ =	sfence  }
0xbe: {  	s30 =	sld [smem:$0x0];
	_ =	sdelay $0x2  }
0xbf: {  	s31 =	sshll.u32 s1, $0xD;
	s1 =	sshrl.u32 s1, $0x2  }
0xc0: {  	s3 =	sand.u32 $0x4000, s31;
	s1 =	sadd.s32 s1, s30  }
0xc1: {  	s0 =	sor.u32 s3, s0;
	s1 =	sshll.u32 s1, $0x11  }
0xc2: {  	s0 =	sor.u32 s1, s0  }
0xc3: {  	s0 =	sadd.s32 $0x8F2B, s0  }
0xc4: {  	[sflag:s0] =	ssyncadd.remote.s32 $0x1  }
0xc5: {  	_ =	sfence.sel $0xFFFF  }
0xc6: {  	[dreg:$0x0] =	wrdreg $0xFFFFFFFF;
	(pc) =	sbr.abs _section_cstart, $3  }
0xc7: {  	[dreg:$0x1] =	wrdreg $0xFFFFFFFF  }
0xc8: {  	_ =	task.clear_ibuf [dreg:s7], $0x2FFFF;
	_ =	strace $0x9FFFFFFF  }
0xc9: {  	(tm) =	ssettm $0x7FFFFFFF  }
tec
execute0_lowered:
.L_overlay_start_1:
0x0: {  	(tag) =	ssettag $0x1  }
0x1: {  	s1 =	rddreg [dreg:$0x0]  }
0x2: {  	s0 =	rddreg [dreg:$0x1]  }
0x3: {  	s2 =	rddreg [dreg:$0x2];
	s3 =	simm.s32 $0x0;
	s4 =	srdreg.scid  }
0x4: {  	s28 =	simm.s32 $0x1;
	s29 =	simm.s32 $0x80;
	s30 =	simm.s32 $0x2  }
0x5: {  	s31 =	simm.s32 $0x0;
	[smem:$0x7FF] =	sst s3;
	s5 =	sadd.s32 $0xE00, s0  }
0x6: {  	s4 =	sand.u32 $0x1, s4;
	_ =	strace $0x80000047;
	[dreg:$0x4] =	wrdreg s5  }
0x7: {  	s6 =	sadd.s32 $0x1600, s0;
	s5 =	stileid.u32;
	s19 =	smul.u32 $0x138800, s4  }
0x8: {  	s0 =	sadd.s32 $0x1E00, s0;
	s7 =	ssub.s32 $0x2, s4;
	s8 =	smul.u32 $0x4E000, s5  }
0x9: {  	s9 =	sshrl.u32 s7, $0x1;
	s13 =	smul.u32 $0x13800, s5;
	s24 =	sshll.u32 s5, $0x1  }
0xa: {  	s25 =	sshll.u32 s5, $0x5;
	p0 =	sne.s32 s5, $0xF;
	p1 =	sgt.u32 s5, $0x1  }
0xb: {  	s21 =	ssub.s32 s7, s9;
	s7 =	sor.u32 s4, s24;
	s4 =	sshll.u32 s4, $0x4  }
0xc: {  	s24 =	simm.s32 $0x3;
	s8 =	sshrl.u32 s8, $0x2;
	s16 =	sadd.s32 $0x4000, s13  }
0xd: {  	s17 =	sadd.s32 $0x8000, s13;
	s18 =	sadd.s32 $0xC000, s13;
	s20 =	sadd.s32 $0x10000, s13  }
0xe: {  	s14 =	sadd.s32 s13, s19;
	s13 =	sadd.s32 $0x138000, s2;
	s15 =	sshll.u32 s7, $0x4  }
0xf: {  	s21 =	smax.u32 s21, $0x1;
	s8 =	sadd.s32 s8, s2;
	s9 =	sadd.s32 s16, s2  }
0x10: {  	s10 =	sadd.s32 s17, s2;
	s11 =	sadd.s32 s18, s2;
	s12 =	sadd.s32 s20, s2  }
0x11: {  	s22 =	sshrl.u32 s14, $0x3;
	s14 =	sadd.s32 s1, s15;
	s16 =	sadd.s32 s19, s16  }
0x12: {  	s17 =	sadd.s32 s19, s17;
	s18 =	sadd.s32 s19, s18;
	s20 =	sadd.s32 s19, s20  }
0x13: {  	s19 =	sshrl.u32 s19, $0x3;
	s15 =	sadd.s32 s0, s22;
	s16 =	sshrl.u32 s16, $0x3  }
0x14: {  	s17 =	sshrl.u32 s17, $0x3;
	s18 =	sshrl.u32 s18, $0x3;
	s20 =	sshrl.u32 s20, $0x3  }
0x15: {  	s23 =	sadd.s32 s0, s19;
	s22 =	sadd.s32 s25, s1;
	s25 =	simm.s32 $0x17880  }
0x16: {  	s16 =	sadd.s32 s0, s16;
	s17 =	sadd.s32 s0, s17;
	s18 =	sadd.s32 s0, s18  }
0x17: {  	s19 =	sadd.s32 s0, s20;
	s20 =	sadd.s32 $0x27000, s23;
	s26 =	sadd.s32 s4, s22  }
0x18: {  	s23 =	simm.s32 $0x13880;
	s4 =	sadd.s32 $0x200, s26;
	s26 =	simm.s32 $0x17900  }
.LBB2_1:
0x19: {  	s0 =	rddreg [dreg:$0x4]  }
0x1a: {  	[tilespmem:s23], [sflag:$0x3] =	stream.linear.gather [hbm4b:s0+s3], $0x4000, $0x38;
	[tilespmem:$0x17980] =	vst v63  }
0x1b: {  	_ =	swait.ge [sflag:s24], $0x4000  }
0x1c: {  	[sflag:s24] =	ssyncset.done $0x0  }
0x1d: {  	[sflag:s24] =	ssyncadd.s32 $0xFFFFC000  }
0x1e: {  	[spmem:s8] =	stream.linear.scatter [tilespmem:s23], [sflag:$0x3], $0x4000, $0x38;
	[tilespmem:$0x17980] =	vst v63  }
0x1f: {  	_ =	swait.ge [sflag:s24], $0x4000  }
0x20: {  	[sflag:s24] =	ssyncset.done $0x0  }
0x21: {  	[sflag:s24] =	ssyncadd.s32 $0xFFFFC000  }
0x22: {  	[spmem:s9] =	stream.linear.scatter [tilespmem:s23], [sflag:$0x3], $0x4000, $0x38;
	[tilespmem:$0x17980] =	vst v63  }
0x23: {  	_ =	swait.ge [sflag:s24], $0x4000  }
0x24: {  	[sflag:s24] =	ssyncset.done $0x0  }
0x25: {  	[sflag:s24] =	ssyncadd.s32 $0xFFFFC000  }
0x26: {  	[spmem:s10] =	stream.linear.scatter [tilespmem:s23], [sflag:$0x3], $0x4000, $0x38;
	[tilespmem:$0x17980] =	vst v63  }
0x27: {  	_ =	swait.ge [sflag:s24], $0x4000  }
0x28: {  	[sflag:s24] =	ssyncset.done $0x0  }
0x29: {  	[sflag:s24] =	ssyncadd.s32 $0xFFFFC000  }
0x2a: {  	[spmem:s11] =	stream.linear.scatter [tilespmem:s23], [sflag:$0x3], $0x4000, $0x38;
	[tilespmem:$0x17980] =	vst v63  }
0x2b: {  	_ =	swait.ge [sflag:s24], $0x4000  }
0x2c: {  	[sflag:s24] =	ssyncset.done $0x0  }
0x2d: {  	[sflag:s24] =	ssyncadd.s32 $0xFFFFC000  }
0x2e: {  	[spmem:s12] =	stream.linear.scatter [tilespmem:s23], [sflag:$0x3], $0x3800, $0x38;
	[tilespmem:$0x17980] =	vst v63  }
0x2f: {  	_ =	swait.ge [sflag:s24], $0x3800  }
0x30: {  	[sflag:s24] =	ssyncset.done $0x0  }
0x31: {  	s0 =	simm.s32 @!p0 $0x13880;
	[sflag:s24] =	ssyncadd.s32 $0xFFFFC800  }
0x32: {  	[spmem:s13] =	stream.linear.scatter @!p0 [tilespmem:s0], [sflag:$0x3], $0x800, $0x38;
	[tilespmem:$0x17980] =	vst v63  }
0x33: {  	s0 =	simm.s32 @!p0 $0x3  }
0x34: {  	_ =	swait.ge @!p0 [sflag:s0], $0x800  }
0x35: {  	[sflag:s0] =	ssyncset.done @!p0 $0x0  }
0x36: {  	[sflag:s0] =	ssyncadd.s32 @!p0 $0xFFFFF800  }
0x37: {  	[tilespmem:s23], [sflag:$0x3] =	stream.linear.gather [hbm4b:s6+s3], $0x4000, $0x38;
	[tilespmem:$0x17980] =	vst v63  }
0x38: {  	_ =	swait.ge [sflag:s24], $0x4000  }
0x39: {  	[sflag:s24] =	ssyncset.done $0x0  }
0x3a: {  	[sflag:s24] =	ssyncadd.s32 $0xFFFFC000  }
0x3b: {  	[bflag:$0x0] =	sbarrier.arrive $0xFFFF  }
0x3c: {  	[tilespmem:s25], [sflag:$0x1] =	stream.linear.gather [hbm4b:s14+s3], $0x80, $0x38;
	[tilespmem:$0x17980] =	vst v63  }
0x3d: {  	_ = 	snop  }
0x3e: {  	[tilespmem:s26], [sflag:$0x2] =	stream.linear.gather [hbm4b:s4+s3], $0x80, $0x38;
	[tilespmem:$0x17980] =	vst v63  }
0x3f: {  	_ =	swait.ge [sflag:s28], $0x80  }
0x40: {  	[sflag:s28] =	ssyncset.done $0x0  }
0x41: {  	s22 =	sadd.s32 $0x40, s7;
	[sflag:s28] =	ssyncadd.s32 $0xFFFFFF80  }
0x42: {  	[spmem:s2] =	stream.indirect.scatter.add.f32 [tilespmem:s23], [sflag:$0x3], $0x80, s25, s29, $0xb8;
	[tilespmem:$0x17980] =	vst v63  }
0x43: {  	p2 =	sgt.u32 s22, $0x9C3;
	_ =	swait.ge [sflag:s24], $0x4000  }
0x44: {  	s0 =	sadd.s32 @!p2 $0x200, s4;
	[sflag:s24] =	ssyncset.done $0x0  }
0x45: {  	s0 =	smov.u32 @p2 s1;
	[sflag:s24] =	ssyncadd.s32 $0xFFFFC000  }
0x46: {  	[tilespmem:s25], [sflag:$0x1] =	stream.linear.gather [hbm4b:s0+s3], $0x80, $0x38;
	[tilespmem:$0x17980] =	vst v63  }
0x47: {  	_ =	swait.ge [sflag:s30], $0x80  }
0x48: {  	[sflag:s30] =	ssyncset.done $0x0  }
0x49: {  	[sflag:s30] =	ssyncadd.s32 $0xFFFFFF80  }
0x4a: {  	[spmem:s2] =	stream.indirect.scatter.add.f32 [tilespmem:s23], [sflag:$0x3], $0x80, s26, s29, $0xb8;
	[tilespmem:$0x17980] =	vst v63  }
0x4b: {  	_ =	swait.ge [sflag:s24], $0x4000  }
0x4c: {  	s22 =	smov.u32 s4;
	s0 =	simm.s32 $0x80;
	[sflag:s24] =	ssyncset.done $0x0  }
.LBB2_2:
0x4d: {  	[sflag:s24] =	ssyncadd.s32 $0xFFFFC000  }
0x4e: {  	s22 =	sadd.s32 $0x400, s22;
	s5 =	smov.u32 s0;
	s0 =	sadd.s32 $0x40, s0  }
0x4f: {  	[tilespmem:s26], [sflag:$0x2] =	stream.linear.gather [hbm4b:s22+s3], $0x80, $0x38;
	[tilespmem:$0x17980] =	vst v63  }
0x50: {  	p2 =	sne.s32 s0, $0xA00;
	_ =	swait.ge [sflag:s28], $0x80  }
0x51: {  	[sflag:s28] =	ssyncset.done $0x0  }
0x52: {  	s5 =	sadd.s32 s5, s7;
	[sflag:s28] =	ssyncadd.s32 $0xFFFFFF80  }
0x53: {  	[spmem:s2] =	stream.indirect.scatter.add.f32 [tilespmem:s23], [sflag:$0x3], $0x80, s25, s29, $0xb8;
	[tilespmem:$0x17980] =	vst v63  }
0x54: {  	p3 =	sgt.u32 s5, $0x9C3;
	_ =	swait.ge [sflag:s24], $0x4000  }
0x55: {  	s5 =	sadd.s32 @!p3 $0x200, s22;
	[sflag:s24] =	ssyncset.done $0x0  }
0x56: {  	s5 =	smov.u32 @p3 s1;
	[sflag:s24] =	ssyncadd.s32 $0xFFFFC000  }
0x57: {  	[tilespmem:s25], [sflag:$0x1] =	stream.linear.gather [hbm4b:s5+s3], $0x80, $0x38;
	[tilespmem:$0x17980] =	vst v63  }
0x58: {  	_ =	swait.ge [sflag:s30], $0x80  }
.Ltmp0:
0x59: {  	[sflag:s30] =	ssyncset.done $0x0;
	(pc) =	sbr.rel @p2 .LBB2_2-.Ltmp0, $4  }
0x5a: {  	[sflag:s30] =	ssyncadd.s32 $0xFFFFFF80  }
0x5b: {  	[spmem:s2] =	stream.indirect.scatter.add.f32 [tilespmem:s23], [sflag:$0x3], $0x80, s26, s29, $0xb8;
	[tilespmem:$0x17980] =	vst v63  }
0x5c: {  	_ =	swait.ge [sflag:s24], $0x4000  }
0x5d: {  	[sflag:s24] =	ssyncset.done $0x0  }
0x5e: {  	[sflag:s24] =	ssyncadd.s32 $0xFFFFC000  }
0x5f: {  	_ =	swait.ge [sflag:s28], $0x80  }
0x60: {  	s0 =	simm.s32 @!p1 $0x80;
	[sflag:s28] =	ssyncset.done $0x0  }
0x61: {  	s5 =	simm.s32 @!p1 $0x17880;
	s22 =	simm.s32 @!p1 $0x13880;
	[sflag:s28] =	ssyncadd.s32 $0xFFFFFF80  }
0x62: {  	[spmem:s2] =	stream.indirect.scatter.add.f32 @!p1 [tilespmem:s22], [sflag:$0x3], $0x80, s5, s0, $0xb8;
	[tilespmem:$0x17980] =	vst v63  }
0x63: {  	s0 =	simm.s32 @!p1 $0x3  }
0x64: {  	_ =	swait.ge @!p1 [sflag:s0], $0x4000  }
0x65: {  	[sflag:s0] =	ssyncset.done @!p1 $0x0  }
0x66: {  	[sflag:s0] =	ssyncadd.s32 @!p1 $0xFFFFC000  }
0x67: {  	[bflag:$0x0] =	sbarrier.arrive $0xFFFF  }
0x68: {  	[tilespmem:s23], [sflag:$0x3] =	stream.linear.gather [spmem:s8], $0x4000, $0x38;
	[tilespmem:$0x17980] =	vst v63  }
0x69: {  	_ =	swait.ge [sflag:s24], $0x4000  }
0x6a: {  	[sflag:s24] =	ssyncset.done $0x0  }
0x6b: {  	[sflag:s24] =	ssyncadd.s32 $0xFFFFC000  }
0x6c: {  	[hbm4b:s15+s3] =	stream.linear.scatter [tilespmem:s23], [sflag:$0x3], $0x4000, $0x38;
	[tilespmem:$0x17980] =	vst v63  }
0x6d: {  	_ =	swait.ge [sflag:s24], $0x4000  }
0x6e: {  	[sflag:s24] =	ssyncset.done $0x0  }
0x6f: {  	[sflag:s24] =	ssyncadd.s32 $0xFFFFC000  }
0x70: {  	[tilespmem:s23], [sflag:$0x3] =	stream.linear.gather [spmem:s9], $0x4000, $0x38;
	[tilespmem:$0x17980] =	vst v63  }
0x71: {  	_ =	swait.ge [sflag:s24], $0x4000  }
0x72: {  	[sflag:s24] =	ssyncset.done $0x0  }
0x73: {  	[sflag:s24] =	ssyncadd.s32 $0xFFFFC000  }
0x74: {  	[hbm4b:s16+s3] =	stream.linear.scatter [tilespmem:s23], [sflag:$0x3], $0x4000, $0x38;
	[tilespmem:$0x17980] =	vst v63  }
0x75: {  	_ =	swait.ge [sflag:s24], $0x4000  }
0x76: {  	[sflag:s24] =	ssyncset.done $0x0  }
0x77: {  	[sflag:s24] =	ssyncadd.s32 $0xFFFFC000  }
0x78: {  	[tilespmem:s23], [sflag:$0x3] =	stream.linear.gather [spmem:s10], $0x4000, $0x38;
	[tilespmem:$0x17980] =	vst v63  }
0x79: {  	_ =	swait.ge [sflag:s24], $0x4000  }
0x7a: {  	[sflag:s24] =	ssyncset.done $0x0  }
0x7b: {  	[sflag:s24] =	ssyncadd.s32 $0xFFFFC000  }
0x7c: {  	[hbm4b:s17+s3] =	stream.linear.scatter [tilespmem:s23], [sflag:$0x3], $0x4000, $0x38;
	[tilespmem:$0x17980] =	vst v63  }
0x7d: {  	_ =	swait.ge [sflag:s24], $0x4000  }
0x7e: {  	[sflag:s24] =	ssyncset.done $0x0  }
0x7f: {  	[sflag:s24] =	ssyncadd.s32 $0xFFFFC000  }
0x80: {  	[tilespmem:s23], [sflag:$0x3] =	stream.linear.gather [spmem:s11], $0x4000, $0x38;
	[tilespmem:$0x17980] =	vst v63  }
0x81: {  	_ =	swait.ge [sflag:s24], $0x4000  }
0x82: {  	[sflag:s24] =	ssyncset.done $0x0  }
0x83: {  	[sflag:s24] =	ssyncadd.s32 $0xFFFFC000  }
0x84: {  	[hbm4b:s18+s3] =	stream.linear.scatter [tilespmem:s23], [sflag:$0x3], $0x4000, $0x38;
	[tilespmem:$0x17980] =	vst v63  }
0x85: {  	_ =	swait.ge [sflag:s24], $0x4000  }
0x86: {  	[sflag:s24] =	ssyncset.done $0x0  }
0x87: {  	[sflag:s24] =	ssyncadd.s32 $0xFFFFC000  }
0x88: {  	[tilespmem:s23], [sflag:$0x3] =	stream.linear.gather [spmem:s12], $0x3800, $0x38;
	[tilespmem:$0x17980] =	vst v63  }
0x89: {  	_ =	swait.ge [sflag:s24], $0x3800  }
0x8a: {  	[sflag:s24] =	ssyncset.done $0x0  }
0x8b: {  	[sflag:s24] =	ssyncadd.s32 $0xFFFFC800  }
0x8c: {  	[hbm4b:s19+s3] =	stream.linear.scatter [tilespmem:s23], [sflag:$0x3], $0x3800, $0x38;
	[tilespmem:$0x17980] =	vst v63  }
0x8d: {  	_ =	swait.ge [sflag:s24], $0x3800  }
0x8e: {  	[sflag:s24] =	ssyncset.done $0x0  }
0x8f: {  	s5 =	simm.s32 @!p0 $0x3;
	s0 =	simm.s32 @!p0 $0x13880;
	[sflag:s24] =	ssyncadd.s32 $0xFFFFC800  }
0x90: {  	[tilespmem:s0], [sflag:$0x3] =	stream.linear.gather @!p0 [spmem:s13], $0x800, $0x38;
	[tilespmem:$0x17980] =	vst v63  }
0x91: {  	s31 =	sadd.s32 $0x1, s31;
	_ =	swait.ge @!p0 [sflag:s5], $0x800  }
0x92: {  	p2 =	sne.s32 s31, s21;
	[sflag:s5] =	ssyncset.done @!p0 $0x0  }
.Ltmp1:
0x93: {  	s22 =	simm.s32 @!p0 $0x0;
	[sflag:s5] =	ssyncadd.s32 @!p0 $0xFFFFF800;
	(pc) =	sbr.rel @p2 .LBB2_1-.Ltmp1, $4  }
0x94: {  	[hbm4b:s20+s22] =	stream.linear.scatter @!p0 [tilespmem:s0], [sflag:$0x3], $0x800, $0x38;
	[tilespmem:$0x17980] =	vst v63  }
0x95: {  	_ =	swait.ge @!p0 [sflag:s5], $0x800  }
0x96: {  	[sflag:s5] =	ssyncset.done @!p0 $0x0  }
0x97: {  	[sflag:s5] =	ssyncadd.s32 @!p0 $0xFFFFF800  }
0x98: {  	_ =	sfence.sel $0x180000  }
0x99: {  	[bflag:$0x0] =	sbarrier.arrive $0xFFFF  }
0x9a: {  	_ =	strace $0x90000047  }
0x9b: {  	s0 =	stileid.u32;
	[bflag:$0x2] =	sbarrier.arrive $0xFFFF  }
0x9c: {  	p0 =	sne.s32 s0, $0x0;
	s0 =	rddreg [dreg:$0x3]  }
0x9d: {  	s0 =	sadd.s32 @!p0 $0x100000, s0  }
0x9e: {  	[sflag:s0] =	ssyncadd.tile.s32 @!p0 $0x1;
	_ =	shalt  }
.Lfunc_end2:
_tile_overlayer_lowered:
.L_overlay_start_2:
0x9f: {  	(tag) =	ssettag $0x2  }
0xa0: {  	s0 =	rddreg [dreg:$0x0];
	s2 =	stileid.u32  }
0xa1: {  	s1 =	rddreg [dreg:$0x1];
	p0 =	sne.s32 s2, $0x0  }
0xa2: {  	s3 =	rddreg [dreg:$0x2];
	[bflag:$0x3] =	sbarrier.arrive $0xFFFF;
	s2 =	simm.s32 @!p0 $0x1C03  }
0xa3: {  	[timem:s3], [sflag:s2] =	dma.local @!p0 [hbm:s0], s1  }
0xa4: {  	s0 =	simm.s32 @!p0 $0x3  }
0xa5: {  	_ =	swait.ge @!p0 [sflag:s0], s1  }
0xa6: {  	s1 =	ssub.s32 @!p0 $0x0, s1;
	[sflag:s0] =	ssyncset.done @!p0 $0x0  }
0xa7: {  	[sflag:s0] =	ssyncadd.s32 @!p0 s1  }
0xa8: {  	[bflag:$0x3] =	sbarrier.arrive $0xFFFF  }
0xa9: {  	_ =	shalt  }

</sc_bundles>
